<compile_context>
chip_gen: v7x
topology: tpu7x:2x2x1
jax: 0.10.2.dev20260603
libtpu: 0.0.44.dev20260713+nightly
codegen_flags: <defaults>
</compile_context>

<pallas_src>
import dataclasses
import functools

import jax
import jax.numpy as jnp
import numpy as np
from jax import lax
from jax.experimental import pallas as pl
from jax.experimental.pallas import tpu as pltpu
from jax.experimental.pallas import tpu_sc as plsc

F32 = jnp.float32
NC = 2
NS = 16
NW = NC * NS
SUB = 80
BN = 2000

_DN = lax.GatherDimensionNumbers(
    offset_dims=(), collapsed_slice_dims=(0,), start_index_map=(0,))


def _take16(v, idx):
    return lax.gather(v, idx.reshape(16, 1), _DN, (1,),
                      indices_are_sorted=False, unique_indices=False,
                      mode=lax.GatherScatterMode.PROMISE_IN_BOUNDS)



def _stage_a(x, pos, Wmp, bmp, Wsx, Wsp, Wdx, Wdp, p96, p32):
    N = x.shape[0]
    NB = N // BN
    dot = functools.partial(jnp.dot, preferred_element_type=F32,
                            precision=lax.Precision.DEFAULT)

    def body(x_ref, pos_ref, wmp_ref, bmp_ref, wsx_ref, wsp_ref, wdx_ref,
             wdp_ref, p96_ref, p32_ref, ts_ref, td_ref):
        p = dot(pos_ref[...], wmp_ref[...]) + bmp_ref[...]
        xb = x_ref[...]
        hs = dot(xb, wsx_ref[...]) + dot(p, wsp_ref[...])
        ad = dot(xb, wdx_ref[...]) + dot(p, wdp_ref[...])
        hp = hs[:, 0:64]
        as1 = hs[:, 64:72]
        ts = jnp.concatenate(
            [hp, jnp.exp(as1), jnp.exp(0.2 * as1)], axis=1)
        td = jnp.concatenate(
            [jnp.exp(ad), jnp.exp(0.2 * ad)], axis=1)
        ts_ref[...] = dot(ts, p96_ref[...]).astype(jnp.bfloat16)
        td_ref[...] = dot(td, p32_ref[...]).astype(jnp.bfloat16)

    return pl.pallas_call(
        body,
        grid=(NB,),
        in_specs=[
            pl.BlockSpec((BN, 128), lambda i: (i, 0)),
            pl.BlockSpec((BN, 16), lambda i: (i, 0)),
            pl.BlockSpec((16, 16), lambda i: (0, 0)),
            pl.BlockSpec((1, 16), lambda i: (0, 0)),
            pl.BlockSpec((128, 72), lambda i: (0, 0)),
            pl.BlockSpec((16, 72), lambda i: (0, 0)),
            pl.BlockSpec((128, 8), lambda i: (0, 0)),
            pl.BlockSpec((16, 8), lambda i: (0, 0)),
            pl.BlockSpec((80, 96), lambda i: (0, 0)),
            pl.BlockSpec((16, 32), lambda i: (0, 0)),
        ],
        out_specs=[
            pl.BlockSpec((BN, 96), lambda i: (i, 0)),
            pl.BlockSpec((BN, 32), lambda i: (i, 0)),
        ],
        out_shape=[
            jax.ShapeDtypeStruct((N, 96), jnp.bfloat16),
            jax.ShapeDtypeStruct((N, 32), jnp.bfloat16),
        ],
    )(x, pos, Wmp, bmp, Wsx, Wsp, Wdx, Wdp, p96, p32)


def _stage_b(acc1, b1, exp8, W2big, W2d, onehot40, p64, p32):
    NB = acc1.shape[1] // BN
    N = NB * BN
    dot = functools.partial(jnp.dot, preferred_element_type=F32,
                            precision=lax.Precision.DEFAULT)

    def body(acc_ref, b1_ref, exp8_ref, w2b_ref, w2d_ref, oh_ref,
             p64_ref, p32_ref, ts_ref, td_ref):
        s = acc_ref[0, :, 0:72] + acc_ref[1, :, 0:72]
        num = s[:, 0:64]
        den = s[:, 64:72]
        o1 = num / (dot(den, exp8_ref[...]) + 1e-16) + b1_ref[...]
        o1 = jnp.maximum(o1, 0.0) + (jnp.exp(jnp.minimum(o1, 0.0)) - 1.0)
        ts = dot(o1, w2b_ref[...]) + oh_ref[...]
        td = dot(o1, w2d_ref[...])
        ts_ref[...] = dot(ts, p64_ref[...]).astype(jnp.bfloat16)
        td_ref[...] = dot(td, p32_ref[...]).astype(jnp.bfloat16)

    return pl.pallas_call(
        body,
        grid=(NB,),
        in_specs=[
            pl.BlockSpec((2, BN, 128), lambda i: (0, i, 0)),
            pl.BlockSpec((1, 64), lambda i: (0, 0)),
            pl.BlockSpec((8, 64), lambda i: (0, 0)),
            pl.BlockSpec((64, 48), lambda i: (0, 0)),
            pl.BlockSpec((64, 16), lambda i: (0, 0)),
            pl.BlockSpec((1, 48), lambda i: (0, 0)),
            pl.BlockSpec((48, 64), lambda i: (0, 0)),
            pl.BlockSpec((16, 32), lambda i: (0, 0)),
        ],
        out_specs=[
            pl.BlockSpec((BN, 64), lambda i: (i, 0)),
            pl.BlockSpec((BN, 32), lambda i: (i, 0)),
        ],
        out_shape=[
            jax.ShapeDtypeStruct((N, 64), jnp.bfloat16),
            jax.ShapeDtypeStruct((N, 32), jnp.bfloat16),
        ],
    )(acc1, b1, exp8, W2big, W2d, onehot40, p64, p32)


def _stage_c(acc2, b2):
    NB = acc2.shape[1] // BN
    N = NB * BN

    def body(acc_ref, b2_ref, out_ref):
        s = acc_ref[0, :, 0:41] + acc_ref[1, :, 0:41]
        num = s[:, 0:40]
        den = s[:, 40:41]
        logits = num / (den + 1e-16) + b2_ref[...]
        m = jnp.max(logits, axis=1, keepdims=True)
        z = logits - m
        out_ref[...] = z - jnp.log(jnp.sum(jnp.exp(z), axis=1, keepdims=True))

    return pl.pallas_call(
        body,
        grid=(NB,),
        in_specs=[
            pl.BlockSpec((2, BN, 128), lambda i: (0, i, 0)),
            pl.BlockSpec((1, 40), lambda i: (0, 0)),
        ],
        out_specs=pl.BlockSpec((BN, 40), lambda i: (i, 0)),
        out_shape=jax.ShapeDtypeStruct((N, 40), F32),
    )(acc2, b2)



def _sc_compiler_params():
    cp = pltpu.CompilerParams(use_tc_tiling_on_sc=False)
    if "needs_layout_passes" in pltpu.CompilerParams.__dataclass_fields__:
        cp = dataclasses.replace(cp, needs_layout_passes=False)
    return cp


def _edge_pass(tsrc, tdst, ei3, zeros, layer):
    N, DG = tsrc.shape
    D = zeros.shape[1]
    E = ei3.shape[1] * SUB
    npad = zeros.shape[0]
    ept = E // NW
    nch = ept // SUB
    rpt = npad // NS
    mesh = plsc.VectorSubcoreMesh(core_axis_name="c", subcore_axis_name="s")

    @functools.partial(
        pl.kernel,
        mesh=mesh,
        compiler_params=_sc_compiler_params(),
        out_type=jax.ShapeDtypeStruct((NC, npad, 128), F32),
        scratch_types=[
            pltpu.VMEM((nch, SUB), jnp.int32),
            pltpu.VMEM((nch, SUB), jnp.int32),
            pltpu.VMEM((2, SUB, DG), jnp.bfloat16),
            pltpu.VMEM((2, SUB, 32), jnp.bfloat16),
            pltpu.VMEM((2, SUB, D), F32),
            pltpu.VMEM_SHARED((npad, D), F32),
            pltpu.SemaphoreType.DMA,
            pltpu.SemaphoreType.DMA,
            pltpu.SemaphoreType.DMA,
            pltpu.SemaphoreType.DMA,
            pltpu.SemaphoreType.DMA,
            pltpu.SemaphoreType.DMA,
            pltpu.SemaphoreType.DMA,
            pltpu.SemaphoreType.DMA,
        ],
    )
    def k(tsrc_hbm, tdst_hbm, ei_hbm, z_hbm, out_hbm,
          sidx_all, didx_all, srows_v, drows_v, msg_v, acc_sh,
          gs0, gs1, gd0, gd1, ss0, ss1, gh0, gh1):
        cid = lax.axis_index("c")
        sid = lax.axis_index("s")
        wid = cid * NS + sid
        gsem = (gs0, gs1)
        gdem = (gd0, gd1)
        ssem = (ss0, ss1)
        ghem = (gh0, gh1)
        H = SUB // 2

        pltpu.sync_copy(z_hbm.at[pl.ds(sid * rpt, rpt)],
                        acc_sh.at[pl.ds(sid * rpt, rpt)])
        pltpu.sync_copy(ei_hbm.at[0, pl.ds(wid * nch, nch)], sidx_all)
        pltpu.sync_copy(ei_hbm.at[1, pl.ds(wid * nch, nch)], didx_all)
        plsc.subcore_barrier()

        rot8 = jnp.bitwise_and(lax.iota(jnp.int32, 16) + 8, 15)
        nine = jnp.full((16,), 9, jnp.int32)
        zero16 = jnp.zeros((16,), jnp.int32)

        def start_gather(ck, b):
            pltpu.async_copy(tsrc_hbm.at[sidx_all.at[ck, pl.ds(0, H)]],
                             srows_v.at[b, pl.ds(0, H)], gsem[b])
            pltpu.async_copy(tsrc_hbm.at[sidx_all.at[ck, pl.ds(H, H)]],
                             srows_v.at[b, pl.ds(H, H)], ghem[b])
            pltpu.async_copy(tdst_hbm.at[didx_all.at[ck]], drows_v.at[b],
                             gdem[b])

        def wait_gather(ck, b):
            pltpu.make_async_copy(tsrc_hbm.at[sidx_all.at[ck, pl.ds(0, H)]],
                                  srows_v.at[b, pl.ds(0, H)], gsem[b]).wait()
            pltpu.make_async_copy(tsrc_hbm.at[sidx_all.at[ck, pl.ds(H, H)]],
                                  srows_v.at[b, pl.ds(H, H)], ghem[b]).wait()
            pltpu.make_async_copy(tdst_hbm.at[didx_all.at[ck]],
                                  drows_v.at[b], gdem[b]).wait()

        def start_scatter(ck, b):
            pltpu.async_copy(msg_v.at[b], acc_sh.at[didx_all.at[ck]],
                             ssem[b], add=True)

        def wait_scatter(ck, b):
            pltpu.make_async_copy(msg_v.at[b], acc_sh.at[didx_all.at[ck]],
                                  ssem[b]).wait()

        def compute(b):
            sb = srows_v.at[b]
            db = drows_v.at[b]
            mb = msg_v.at[b]
            def up(chunk):
                return plsc.unpack(chunk, format=plsc.PackFormat.INTERLEAVED,
                                   preferred_element_type=F32)

            if layer == 1:
                @plsc.parallel_loop(0, SUB, unroll=4)
                def _edge(e):
                    g0, g1 = up(sb[e, pl.ds(0, 32)])
                    g2, g3 = up(sb[e, pl.ds(32, 32)])
                    asv, _unused = up(sb[e, pl.ds(64, 32)])
                    adv, _unused2 = up(db[e, pl.ds(0, 32)])
                    u = asv * adv
                    w = jnp.maximum(u, _take16(u, rot8))
                    mb[e, pl.ds(0, 16)] = g0 * w
                    mb[e, pl.ds(16, 16)] = g1 * w
                    mb[e, pl.ds(32, 16)] = g2 * w
                    mb[e, pl.ds(48, 16)] = g3 * w
                    mb[e, pl.ds(64, 16)] = w
            else:
                @plsc.parallel_loop(0, SUB, unroll=4)
                def _edge(e):
                    g0, g1 = up(sb[e, pl.ds(0, 32)])
                    g2, _unused = up(sb[e, pl.ds(32, 32)])
                    adv, _unused2 = up(db[e, pl.ds(0, 32)])
                    a = _take16(g2, nine) + _take16(adv, zero16)
                    w = jnp.exp(jnp.maximum(a, 0.2 * a))
                    mb[e, pl.ds(0, 16)] = g0 * w
                    mb[e, pl.ds(16, 16)] = g1 * w
                    mb[e, pl.ds(32, 16)] = g2 * w

        start_gather(0, 0)

        @pl.loop(0, (nch - 1) // 2)
        def _pair(kk):
            for b in range(2):
                ck = 2 * kk + b
                wait_gather(ck, b)
                start_gather(ck + 1, 1 - b)

                @pl.when(kk >= 1)
                def _():
                    wait_scatter(ck, b)

                compute(b)
                start_scatter(ck, b)

        wait_gather(nch - 1, 0)
        wait_scatter(nch - 1, 0)
        compute(0)
        start_scatter(nch - 1, 0)
        wait_scatter(nch - 1, 0)
        wait_scatter(nch - 2, 1)

        plsc.subcore_barrier()
        pltpu.sync_copy(acc_sh.at[pl.ds(sid * rpt, rpt)],
                        out_hbm.at[cid, pl.ds(sid * rpt, rpt), pl.ds(0, D)])

    return k(tsrc, tdst, ei3, zeros)



def kernel(x, pos_encoding, edge_index, W_mp, b_mp, W1, att_src1, att_dst1,
           b1, W2, att_src2, att_dst2, b2):
    N = x.shape[0]
    E = edge_index.shape[1]

    ei3 = edge_index.astype(jnp.int32).reshape(2, E // SUB, SUB)
    npad = ((N + NS * 8 - 1) // (NS * 8)) * NS * 8

    blockdiag = (jnp.arange(64)[:, None] // 8
                 == jnp.arange(8)[None, :]).astype(F32)
    A_s = blockdiag * att_src1.reshape(64, 1)
    A_d = blockdiag * att_dst1.reshape(64, 1)
    perm = (jnp.arange(64) % 8) * 8 + jnp.arange(64) // 8
    Wsrc = jnp.concatenate([W1[:, perm], W1 @ A_s], 1)
    Wdst = W1 @ A_d
    W2big = jnp.concatenate([W2, jnp.zeros((64, 1), F32),
                             W2 @ att_src2.reshape(40, 1),
                             jnp.zeros((64, 6), F32)], 1)
    W2d = jnp.concatenate([W2 @ att_dst2.reshape(40, 1),
                           jnp.zeros((64, 15), F32)], 1)
    W2big = W2big.reshape(8, 8, 48).transpose(1, 0, 2).reshape(64, 48)
    W2d = W2d.reshape(8, 8, 16).transpose(1, 0, 2).reshape(64, 16)
    b1i = b1.reshape(8, 8).T.reshape(64)
    onehot40 = (jnp.arange(48) == 40).astype(F32).reshape(1, 48)
    exp8 = (jnp.arange(64)[None, :] % 8
            == jnp.arange(8)[:, None]).astype(F32)

    def interleave_matrix(nl, npk, pairs):
        p2l = np.full(npk, -1)
        for base, a0, b0 in pairs:
            for i in range(16):
                p2l[base + 2 * i] = a0 + i
                if b0 is not None:
                    p2l[base + 2 * i + 1] = b0 + i
        return jnp.asarray(p2l[None, :] == np.arange(nl)[:, None], F32)

    p96 = interleave_matrix(80, 96, [(0, 0, 16), (32, 32, 48), (64, 64, None)])
    p64 = interleave_matrix(48, 64, [(0, 0, 16), (32, 32, None)])
    p32 = interleave_matrix(16, 32, [(0, 0, None)])

    tsrc1, tdst1 = _stage_a(x, pos_encoding, W_mp, b_mp.reshape(1, 16),
                            Wsrc[:128], Wsrc[128:], Wdst[:128], Wdst[128:],
                            p96, p32)
    acc1 = _edge_pass(tsrc1, tdst1, ei3,
                      jnp.zeros((npad, 80), F32), layer=1)
    tsrc2, tdst2 = _stage_b(acc1, b1i.reshape(1, 64), exp8, W2big, W2d,
                            onehot40, p64, p32)
    acc2 = _edge_pass(tsrc2, tdst2, ei3,
                      jnp.zeros((npad, 48), F32), layer=2)
    return _stage_c(acc2, b2.reshape(1, 40))

# --- scband reference (transcript-rebuilt; emitter-appended) ---
"""Pipeline reference for scband-gatpos-3264175145464 (READ-ONLY COPY).

The authoritative reference and input builder live on the scoring server;
editing this copy changes nothing except your own understanding.
"""

import jax, jax.numpy as jnp
import numpy as np


def gat_conv(x, edge_index, W, att_src, att_dst, bias, heads, out_ch, concat):
    N = x.shape[0]
    src = edge_index[0]
    dst = edge_index[1]
    h = (x @ W).reshape(N, heads, out_ch)
    a_src = jnp.sum(h * att_src, axis=-1)  # [N, H]
    a_dst = jnp.sum(h * att_dst, axis=-1)  # [N, H]
    alpha = a_src[src] + a_dst[dst]        # [E, H]
    alpha = jax.nn.leaky_relu(alpha, negative_slope=0.2)
    amax = jax.lax.stop_gradient(jax.ops.segment_max(alpha, dst, num_segments=N))
    amax = jnp.where(jnp.isfinite(amax), amax, 0.0)
    ealpha = jnp.exp(alpha - amax[dst])
    denom = jax.ops.segment_sum(ealpha, dst, num_segments=N)
    coef = ealpha / (denom[dst] + 1e-16)   # [E, H]
    msg = h[src] * coef[:, :, None]        # [E, H, C]
    out = jax.ops.segment_sum(msg, dst, num_segments=N)  # [N, H, C]
    if concat:
        out = out.reshape(N, heads * out_ch)
    else:
        out = out.mean(axis=1)
    return out + bias


def setup_inputs(seed: int = 0):
    key = jax.random.key(seed)
    ks = jax.random.split(key, 12)
    N, E = 10000, 320000
    d_feat, pe_dim, pe_hid = 128, 16, 16
    num_classes = 40
    x = jax.random.normal(ks[0], (N, d_feat), dtype=jnp.float32)
    pos_encoding = jax.random.normal(ks[1], (N, pe_dim), dtype=jnp.float32)
    edge_index = jax.random.randint(ks[2], (2, E), 0, N, dtype=jnp.int64)
    W_mp = jax.random.normal(ks[3], (pe_dim, pe_hid), dtype=jnp.float32) * 0.1
    b_mp = jnp.zeros((pe_hid,), dtype=jnp.float32)
    d_in1 = d_feat + pe_hid  # 144
    W1 = jax.random.normal(ks[4], (d_in1, 8 * 8), dtype=jnp.float32) * 0.1
    att_src1 = jax.random.normal(ks[5], (1, 8, 8), dtype=jnp.float32) * 0.1
    att_dst1 = jax.random.normal(ks[6], (1, 8, 8), dtype=jnp.float32) * 0.1
    b1 = jnp.zeros((64,), dtype=jnp.float32)
    W2 = jax.random.normal(ks[7], (64, num_classes), dtype=jnp.float32) * 0.1
    att_src2 = jax.random.normal(ks[8], (1, 1, num_classes), dtype=jnp.float32) * 0.1
    att_dst2 = jax.random.normal(ks[9], (1, 1, num_classes), dtype=jnp.float32) * 0.1
    b2 = jnp.zeros((num_classes,), dtype=jnp.float32)
    return {"x": x, "pos_encoding": pos_encoding, "edge_index": edge_index,
            "W_mp": W_mp, "b_mp": b_mp, "W1": W1, "att_src1": att_src1,
            "att_dst1": att_dst1, "b1": b1, "W2": W2, "att_src2": att_src2,
            "att_dst2": att_dst2, "b2": b2}


def reference(x, pos_encoding, edge_index, W_mp, b_mp, W1, att_src1, att_dst1, b1, W2, att_src2, att_dst2, b2):
    # eval mode: dropout is identity
    p = pos_encoding @ W_mp + b_mp
    h = jnp.concatenate([x, p], axis=1)
    h = jax.nn.elu(gat_conv(h, edge_index, W1, att_src1, att_dst1, b1, heads=8, out_ch=8, concat=True))
    h = gat_conv(h, edge_index, W2, att_src2, att_dst2, b2, heads=1, out_ch=40, concat=False)
    return jax.nn.log_softmax(h, axis=-1)

if __name__ == "__main__":
    import jax
    _d = setup_inputs()
    print(jax.jit(kernel)(*tuple(_d.values())))

</pallas_src>

<mosaic_0001>
#map = affine_map<(d0, d1) -> (0, 0)>
#map1 = affine_map<(d0, d1) -> (0, 0, 0)>
module attributes {stable_mosaic.version = 14 : i64} {
  func.func @k(%arg0: i32, %arg1: i32, %arg2: memref<10000x96xbf16, #tpu.memory_space<hbm>>, %arg3: memref<10000x32xbf16, #tpu.memory_space<hbm>>, %arg4: memref<2x4000x80xi32, #tpu.memory_space<hbm>>, %arg5: memref<10112x80xf32, #tpu.memory_space<hbm>>, %arg6: memref<2x10112x128xf32, #tpu.memory_space<hbm>>, %arg7: memref<125x80xi32, #tpu.memory_space<vmem>>, %arg8: memref<125x80xi32, #tpu.memory_space<vmem>>, %arg9: memref<2x80x96xbf16, #tpu.memory_space<vmem>>, %arg10: memref<2x80x32xbf16, #tpu.memory_space<vmem>>, %arg11: memref<2x80x80xf32, #tpu.memory_space<vmem>>, %arg12: memref<10112x80xf32, #tpu.memory_space<vmem_shared>>, %arg13: memref<!tpu.dma_semaphore, #tpu.memory_space<semaphore_mem>>, %arg14: memref<!tpu.dma_semaphore, #tpu.memory_space<semaphore_mem>>, %arg15: memref<!tpu.dma_semaphore, #tpu.memory_space<semaphore_mem>>, %arg16: memref<!tpu.dma_semaphore, #tpu.memory_space<semaphore_mem>>, %arg17: memref<!tpu.dma_semaphore, #tpu.memory_space<semaphore_mem>>, %arg18: memref<!tpu.dma_semaphore, #tpu.memory_space<semaphore_mem>>, %arg19: memref<!tpu.dma_semaphore, #tpu.memory_space<semaphore_mem>>, %arg20: memref<!tpu.dma_semaphore, #tpu.memory_space<semaphore_mem>>) attributes {dimension_semantics = [#tpu.dimension_semantics<core_parallel>, #tpu.dimension_semantics<subcore_parallel>], iteration_bounds = array<i64: 2, 16>, scalar_prefetch = 0 : i64, scratch_operands = 14 : i64, tpu.core_type = #tpu.core_type<sc_vector_subcore>, window_params = [{transform_indices = #map}, {transform_indices = #map}, {transform_indices = #map1}, {transform_indices = #map}, {transform_indices = #map1}]} {
    %mul3A = arith.constant 16 : i32
    %mul3A_0 = arith.muli %arg0, %mul3A : i32
    %add3A = arith.addi %mul3A_0, %arg1 : i32
    %mul3A_1 = arith.constant 632 : i32
    %mul3A_2 = arith.muli %arg1, %mul3A_1 : i32
    %mul3A_3 = arith.constant 632 : i32
    %mul3A_4 = arith.muli %arg1, %mul3A_3 : i32
    "tpu.region"() ({
      %run_scoped3A_150 = tpu.sem_alloc : memref<!tpu.dma_semaphore, #tpu.memory_space<semaphore_mem>>
      %dma_start3A_151 = arith.constant 0 : i32
      %dma_start3A_152 = tpu.memref_slice %arg12[%mul3A_4, %dma_start3A_151] : memref<10112x80xf32, #tpu.memory_space<vmem_shared>> -> memref<632x80xf32, #tpu.memory_space<vmem_shared>>
      %dma_start3A_153 = arith.constant 0 : i32
      %dma_start3A_154 = tpu.memref_slice %arg5[%mul3A_2, %dma_start3A_153] : memref<10112x80xf32, #tpu.memory_space<hbm>> -> memref<632x80xf32, #tpu.memory_space<hbm>>
      tpu.enqueue_dma source(%dma_start3A_154 : memref<632x80xf32, #tpu.memory_space<hbm>>) target(%dma_start3A_152 : memref<632x80xf32, #tpu.memory_space<vmem_shared>>) target_semaphore(%run_scoped3A_150 : memref<!tpu.dma_semaphore, #tpu.memory_space<semaphore_mem>>)
      %dma_wait3A_155 = arith.constant 0 : i32
      %dma_wait3A_156 = tpu.memref_slice %arg12[%mul3A_4, %dma_wait3A_155] : memref<10112x80xf32, #tpu.memory_space<vmem_shared>> -> memref<632x80xf32, #tpu.memory_space<vmem_shared>>
      %dma_wait3A_157 = arith.constant 0 : i32
      %dma_wait3A_158 = tpu.memref_slice %arg5[%mul3A_2, %dma_wait3A_157] : memref<10112x80xf32, #tpu.memory_space<hbm>> -> memref<632x80xf32, #tpu.memory_space<hbm>>
      tpu.wait_dma2 semaphore(%run_scoped3A_150 : memref<!tpu.dma_semaphore, #tpu.memory_space<semaphore_mem>>) src(%dma_wait3A_158 : memref<632x80xf32, #tpu.memory_space<hbm>>) dst(%dma_wait3A_156 : memref<632x80xf32, #tpu.memory_space<vmem_shared>>)
      tpu.yield
    }) : () -> ()
    %mul3A_5 = arith.constant 125 : i32
    %mul3A_6 = arith.muli %add3A, %mul3A_5 : i32
    %run_scoped3A = arith.constant 0 : i32
    "tpu.region"() ({
      %run_scoped3A_150 = tpu.sem_alloc : memref<!tpu.dma_semaphore, #tpu.memory_space<semaphore_mem>>
      %dma_start3A_151 = arith.constant 0 : i32
      %dma_start3A_152 = tpu.memref_slice %arg4[%run_scoped3A, %mul3A_6, %dma_start3A_151] : memref<2x4000x80xi32, #tpu.memory_space<hbm>> -> memref<1x125x80xi32, #tpu.memory_space<hbm>>
      %dma_start3A_153 = tpu.memref_squeeze %dma_start3A_152 : memref<1x125x80xi32, #tpu.memory_space<hbm>> -> memref<125x80xi32, #tpu.memory_space<hbm>>
      %dma_start3A_154 = arith.constant 0 : i32
      %dma_start3A_155 = tpu.memref_slice %arg4[%run_scoped3A, %mul3A_6, %dma_start3A_154] : memref<2x4000x80xi32, #tpu.memory_space<hbm>> -> memref<1x125x80xi32, #tpu.memory_space<hbm>>
      %dma_start3A_156 = tpu.memref_squeeze %dma_start3A_155 : memref<1x125x80xi32, #tpu.memory_space<hbm>> -> memref<125x80xi32, #tpu.memory_space<hbm>>
      tpu.enqueue_dma source(%dma_start3A_156 : memref<125x80xi32, #tpu.memory_space<hbm>>) target(%arg7 : memref<125x80xi32, #tpu.memory_space<vmem>>) target_semaphore(%run_scoped3A_150 : memref<!tpu.dma_semaphore, #tpu.memory_space<semaphore_mem>>)
      %dma_wait3A_157 = arith.constant 0 : i32
      %dma_wait3A_158 = tpu.memref_slice %arg4[%run_scoped3A, %mul3A_6, %dma_wait3A_157] : memref<2x4000x80xi32, #tpu.memory_space<hbm>> -> memref<1x125x80xi32, #tpu.memory_space<hbm>>
      %dma_wait3A_159 = tpu.memref_squeeze %dma_wait3A_158 : memref<1x125x80xi32, #tpu.memory_space<hbm>> -> memref<125x80xi32, #tpu.memory_space<hbm>>
      %dma_wait3A_160 = arith.constant 0 : i32
      %dma_wait3A_161 = tpu.memref_slice %arg4[%run_scoped3A, %mul3A_6, %dma_wait3A_160] : memref<2x4000x80xi32, #tpu.memory_space<hbm>> -> memref<1x125x80xi32, #tpu.memory_space<hbm>>
      %dma_wait3A_162 = tpu.memref_squeeze %dma_wait3A_161 : memref<1x125x80xi32, #tpu.memory_space<hbm>> -> memref<125x80xi32, #tpu.memory_space<hbm>>
      tpu.wait_dma2 semaphore(%run_scoped3A_150 : memref<!tpu.dma_semaphore, #tpu.memory_space<semaphore_mem>>) src(%dma_wait3A_162 : memref<125x80xi32, #tpu.memory_space<hbm>>) dst(%arg7 : memref<125x80xi32, #tpu.memory_space<vmem>>)
      tpu.yield
    }) : () -> ()
    %mul3A_7 = arith.constant 125 : i32
    %mul3A_8 = arith.muli %add3A, %mul3A_7 : i32
    %run_scoped3A_9 = arith.constant 1 : i32
    "tpu.region"() ({
      %run_scoped3A_150 = tpu.sem_alloc : memref<!tpu.dma_semaphore, #tpu.memory_space<semaphore_mem>>
      %dma_start3A_151 = arith.constant 0 : i32
      %dma_start3A_152 = tpu.memref_slice %arg4[%run_scoped3A_9, %mul3A_8, %dma_start3A_151] : memref<2x4000x80xi32, #tpu.memory_space<hbm>> -> memref<1x125x80xi32, #tpu.memory_space<hbm>>
      %dma_start3A_153 = tpu.memref_squeeze %dma_start3A_152 : memref<1x125x80xi32, #tpu.memory_space<hbm>> -> memref<125x80xi32, #tpu.memory_space<hbm>>
      %dma_start3A_154 = arith.constant 0 : i32
      %dma_start3A_155 = tpu.memref_slice %arg4[%run_scoped3A_9, %mul3A_8, %dma_start3A_154] : memref<2x4000x80xi32, #tpu.memory_space<hbm>> -> memref<1x125x80xi32, #tpu.memory_space<hbm>>
      %dma_start3A_156 = tpu.memref_squeeze %dma_start3A_155 : memref<1x125x80xi32, #tpu.memory_space<hbm>> -> memref<125x80xi32, #tpu.memory_space<hbm>>
      tpu.enqueue_dma source(%dma_start3A_156 : memref<125x80xi32, #tpu.memory_space<hbm>>) target(%arg8 : memref<125x80xi32, #tpu.memory_space<vmem>>) target_semaphore(%run_scoped3A_150 : memref<!tpu.dma_semaphore, #tpu.memory_space<semaphore_mem>>)
      %dma_wait3A_157 = arith.constant 0 : i32
      %dma_wait3A_158 = tpu.memref_slice %arg4[%run_scoped3A_9, %mul3A_8, %dma_wait3A_157] : memref<2x4000x80xi32, #tpu.memory_space<hbm>> -> memref<1x125x80xi32, #tpu.memory_space<hbm>>
      %dma_wait3A_159 = tpu.memref_squeeze %dma_wait3A_158 : memref<1x125x80xi32, #tpu.memory_space<hbm>> -> memref<125x80xi32, #tpu.memory_space<hbm>>
      %dma_wait3A_160 = arith.constant 0 : i32
      %dma_wait3A_161 = tpu.memref_slice %arg4[%run_scoped3A_9, %mul3A_8, %dma_wait3A_160] : memref<2x4000x80xi32, #tpu.memory_space<hbm>> -> memref<1x125x80xi32, #tpu.memory_space<hbm>>
      %dma_wait3A_162 = tpu.memref_squeeze %dma_wait3A_161 : memref<1x125x80xi32, #tpu.memory_space<hbm>> -> memref<125x80xi32, #tpu.memory_space<hbm>>
      tpu.wait_dma2 semaphore(%run_scoped3A_150 : memref<!tpu.dma_semaphore, #tpu.memory_space<semaphore_mem>>) src(%dma_wait3A_162 : memref<125x80xi32, #tpu.memory_space<hbm>>) dst(%arg8 : memref<125x80xi32, #tpu.memory_space<vmem>>)
      tpu.yield
    }) : () -> ()
    %barrier3A = arith.constant 0 : index
    tpu.barrier barrier_id(%barrier3A)
    %iota3A = tpu.iota {dimensions = array<i32: 0>} : vector<16xi32>
    %add3A_10 = arith.constant 8 : i32
    %add3A_11 = vector.broadcast %add3A_10 : i32 to vector<16xi32>
    %add3A_12 = arith.addi %iota3A, %add3A_11 : vector<16xi32>
    %and3A = arith.constant 15 : i32
    %and3A_13 = vector.broadcast %and3A : i32 to vector<16xi32>
    %and3A_14 = arith.andi %add3A_12, %and3A_13 : vector<16xi32>
    %broadcast_in_dim3A = arith.constant 9 : i32
    %broadcast_in_dim3A_15 = vector.broadcast %broadcast_in_dim3A : i32 to vector<16xi32>
    %broadcast_in_dim3A_16 = arith.constant 0 : i32
    %broadcast_in_dim3A_17 = vector.broadcast %broadcast_in_dim3A_16 : i32 to vector<16xi32>
    %dma_start3A = arith.constant 0 : i32
    %dma_start3A_18 = arith.constant 0 : i32
    %dma_start3A_19 = arith.constant 0 : i32
    %dma_start3A_20 = arith.constant 0 : i32
    %dma_start3A_21 = tpu.memref_slice %arg9[%dma_start3A_18, %dma_start3A_19, %dma_start3A_20] : memref<2x80x96xbf16, #tpu.memory_space<vmem>> -> memref<1x40x96xbf16, #tpu.memory_space<vmem>>
    %dma_start3A_22 = tpu.memref_squeeze %dma_start3A_21 : memref<1x40x96xbf16, #tpu.memory_space<vmem>> -> memref<40x96xbf16, #tpu.memory_space<vmem>>
    %dma_start3A_23 = arith.constant 0 : i32
    %dma_start3A_24 = tpu.memref_slice %arg7[%dma_start3A, %dma_start3A_23] : memref<125x80xi32, #tpu.memory_space<vmem>> -> memref<1x40xi32, #tpu.memory_space<vmem>>
    %dma_start3A_25 = tpu.memref_squeeze %dma_start3A_24 : memref<1x40xi32, #tpu.memory_space<vmem>> -> memref<40xi32, #tpu.memory_space<vmem>>
    %dma_start3A_26 = arith.constant 0 : i32
    %dma_start3A_27 = arith.constant 0 : i32
    %dma_start3A_28 = tpu.memref_slice %arg2[%dma_start3A_26, %dma_start3A_27] : memref<10000x96xbf16, #tpu.memory_space<hbm>> -> memref<10000x96xbf16, #tpu.memory_space<hbm>>
    tpu.enqueue_indirect_dma source(%dma_start3A_28 : memref<10000x96xbf16, #tpu.memory_space<hbm>>) target(%dma_start3A_22 : memref<40x96xbf16, #tpu.memory_space<vmem>>) offsets(%dma_start3A_25 : memref<40xi32, #tpu.memory_space<vmem>>) semaphore(%arg13 : memref<!tpu.dma_semaphore, #tpu.memory_space<semaphore_mem>>)
    %dma_start3A_29 = arith.constant 0 : i32
    %dma_start3A_30 = arith.constant 0 : i32
    %dma_start3A_31 = arith.constant 40 : i32
    %dma_start3A_32 = arith.constant 0 : i32
    %dma_start3A_33 = tpu.memref_slice %arg9[%dma_start3A_30, %dma_start3A_31, %dma_start3A_32] : memref<2x80x96xbf16, #tpu.memory_space<vmem>> -> memref<1x40x96xbf16, #tpu.memory_space<vmem>>
    %dma_start3A_34 = tpu.memref_squeeze %dma_start3A_33 : memref<1x40x96xbf16, #tpu.memory_space<vmem>> -> memref<40x96xbf16, #tpu.memory_space<vmem>>
    %dma_start3A_35 = arith.constant 40 : i32
    %dma_start3A_36 = tpu.memref_slice %arg7[%dma_start3A_29, %dma_start3A_35] : memref<125x80xi32, #tpu.memory_space<vmem>> -> memref<1x40xi32, #tpu.memory_space<vmem>>
    %dma_start3A_37 = tpu.memref_squeeze %dma_start3A_36 : memref<1x40xi32, #tpu.memory_space<vmem>> -> memref<40xi32, #tpu.memory_space<vmem>>
    %dma_start3A_38 = arith.constant 0 : i32
    %dma_start3A_39 = arith.constant 0 : i32
    %dma_start3A_40 = tpu.memref_slice %arg2[%dma_start3A_38, %dma_start3A_39] : memref<10000x96xbf16, #tpu.memory_space<hbm>> -> memref<10000x96xbf16, #tpu.memory_space<hbm>>
    tpu.enqueue_indirect_dma source(%dma_start3A_40 : memref<10000x96xbf16, #tpu.memory_space<hbm>>) target(%dma_start3A_34 : memref<40x96xbf16, #tpu.memory_space<vmem>>) offsets(%dma_start3A_37 : memref<40xi32, #tpu.memory_space<vmem>>) semaphore(%arg19 : memref<!tpu.dma_semaphore, #tpu.memory_space<semaphore_mem>>)
    %dma_start3A_41 = arith.constant 0 : i32
    %dma_start3A_42 = arith.constant 0 : i32
    %dma_start3A_43 = arith.constant 0 : i32
    %dma_start3A_44 = arith.constant 0 : i32
    %dma_start3A_45 = tpu.memref_slice %arg10[%dma_start3A_42, %dma_start3A_43, %dma_start3A_44] : memref<2x80x32xbf16, #tpu.memory_space<vmem>> -> memref<1x80x32xbf16, #tpu.memory_space<vmem>>
    %dma_start3A_46 = tpu.memref_squeeze %dma_start3A_45 : memref<1x80x32xbf16, #tpu.memory_space<vmem>> -> memref<80x32xbf16, #tpu.memory_space<vmem>>
    %dma_start3A_47 = arith.constant 0 : i32
    %dma_start3A_48 = tpu.memref_slice %arg8[%dma_start3A_41, %dma_start3A_47] : memref<125x80xi32, #tpu.memory_space<vmem>> -> memref<1x80xi32, #tpu.memory_space<vmem>>
    %dma_start3A_49 = tpu.memref_squeeze %dma_start3A_48 : memref<1x80xi32, #tpu.memory_space<vmem>> -> memref<80xi32, #tpu.memory_space<vmem>>
    %dma_start3A_50 = arith.constant 0 : i32
    %dma_start3A_51 = arith.constant 0 : i32
    %dma_start3A_52 = tpu.memref_slice %arg3[%dma_start3A_50, %dma_start3A_51] : memref<10000x32xbf16, #tpu.memory_space<hbm>> -> memref<10000x32xbf16, #tpu.memory_space<hbm>>
    tpu.enqueue_indirect_dma source(%dma_start3A_52 : memref<10000x32xbf16, #tpu.memory_space<hbm>>) target(%dma_start3A_46 : memref<80x32xbf16, #tpu.memory_space<vmem>>) offsets(%dma_start3A_49 : memref<80xi32, #tpu.memory_space<vmem>>) semaphore(%arg15 : memref<!tpu.dma_semaphore, #tpu.memory_space<semaphore_mem>>)
    %scan3A = arith.constant 0 : i32
    %scan3A_53 = arith.constant 62 : i32
    %scan3A_54 = arith.addi %scan3A, %scan3A_53 : i32
    %scan3A_55 = arith.constant 1 : i32
    scf.for %scan3A_150 = %scan3A to %scan3A_54 step %scan3A_55  : i32 {
      %mul3A_151 = arith.constant 1 : i32
      %mul3A_152 = arith.muli %scan3A_150, %mul3A_151 : i32
      %add3A_153 = arith.constant 0 : i32
      %add3A_154 = arith.addi %add3A_153, %mul3A_152 : i32
      %mul3A_155 = arith.constant 2 : i32
      %mul3A_156 = arith.muli %mul3A_155, %add3A_154 : i32
      %add3A_157 = arith.constant 0 : i32
      %add3A_158 = arith.addi %mul3A_156, %add3A_157 : i32
      %dma_wait3A_159 = arith.constant 0 : i32
      %dma_wait3A_160 = arith.constant 0 : i32
      %dma_wait3A_161 = arith.constant 0 : i32
      %dma_wait3A_162 = tpu.memref_slice %arg9[%dma_wait3A_159, %dma_wait3A_160, %dma_wait3A_161] : memref<2x80x96xbf16, #tpu.memory_space<vmem>> -> memref<1x40x96xbf16, #tpu.memory_space<vmem>>
      %dma_wait3A_163 = tpu.memref_squeeze %dma_wait3A_162 : memref<1x40x96xbf16, #tpu.memory_space<vmem>> -> memref<40x96xbf16, #tpu.memory_space<vmem>>
      %dma_wait3A_164 = arith.constant 0 : i32
      %dma_wait3A_165 = tpu.memref_slice %arg7[%add3A_158, %dma_wait3A_164] : memref<125x80xi32, #tpu.memory_space<vmem>> -> memref<1x40xi32, #tpu.memory_space<vmem>>
      %dma_wait3A_166 = tpu.memref_squeeze %dma_wait3A_165 : memref<1x40xi32, #tpu.memory_space<vmem>> -> memref<40xi32, #tpu.memory_space<vmem>>
      %dma_wait3A_167 = arith.constant 0 : i32
      %dma_wait3A_168 = arith.constant 0 : i32
      %dma_wait3A_169 = tpu.memref_slice %arg2[%dma_wait3A_167, %dma_wait3A_168] : memref<10000x96xbf16, #tpu.memory_space<hbm>> -> memref<10000x96xbf16, #tpu.memory_space<hbm>>
      tpu.wait_indirect_dma semaphore(%arg13 : memref<!tpu.dma_semaphore, #tpu.memory_space<semaphore_mem>>) src(%dma_wait3A_169 : memref<10000x96xbf16, #tpu.memory_space<hbm>>) dst(%dma_wait3A_163 : memref<40x96xbf16, #tpu.memory_space<vmem>>)
      %dma_wait3A_170 = arith.constant 0 : i32
      %dma_wait3A_171 = arith.constant 40 : i32
      %dma_wait3A_172 = arith.constant 0 : i32
      %dma_wait3A_173 = tpu.memref_slice %arg9[%dma_wait3A_170, %dma_wait3A_171, %dma_wait3A_172] : memref<2x80x96xbf16, #tpu.memory_space<vmem>> -> memref<1x40x96xbf16, #tpu.memory_space<vmem>>
      %dma_wait3A_174 = tpu.memref_squeeze %dma_wait3A_173 : memref<1x40x96xbf16, #tpu.memory_space<vmem>> -> memref<40x96xbf16, #tpu.memory_space<vmem>>
      %dma_wait3A_175 = arith.constant 40 : i32
      %dma_wait3A_176 = tpu.memref_slice %arg7[%add3A_158, %dma_wait3A_175] : memref<125x80xi32, #tpu.memory_space<vmem>> -> memref<1x40xi32, #tpu.memory_space<vmem>>
      %dma_wait3A_177 = tpu.memref_squeeze %dma_wait3A_176 : memref<1x40xi32, #tpu.memory_space<vmem>> -> memref<40xi32, #tpu.memory_space<vmem>>
      %dma_wait3A_178 = arith.constant 0 : i32
      %dma_wait3A_179 = arith.constant 0 : i32
      %dma_wait3A_180 = tpu.memref_slice %arg2[%dma_wait3A_178, %dma_wait3A_179] : memref<10000x96xbf16, #tpu.memory_space<hbm>> -> memref<10000x96xbf16, #tpu.memory_space<hbm>>
      tpu.wait_indirect_dma semaphore(%arg19 : memref<!tpu.dma_semaphore, #tpu.memory_space<semaphore_mem>>) src(%dma_wait3A_180 : memref<10000x96xbf16, #tpu.memory_space<hbm>>) dst(%dma_wait3A_174 : memref<40x96xbf16, #tpu.memory_space<vmem>>)
      %dma_wait3A_181 = arith.constant 0 : i32
      %dma_wait3A_182 = arith.constant 0 : i32
      %dma_wait3A_183 = arith.constant 0 : i32
      %dma_wait3A_184 = tpu.memref_slice %arg10[%dma_wait3A_181, %dma_wait3A_182, %dma_wait3A_183] : memref<2x80x32xbf16, #tpu.memory_space<vmem>> -> memref<1x80x32xbf16, #tpu.memory_space<vmem>>
      %dma_wait3A_185 = tpu.memref_squeeze %dma_wait3A_184 : memref<1x80x32xbf16, #tpu.memory_space<vmem>> -> memref<80x32xbf16, #tpu.memory_space<vmem>>
      %dma_wait3A_186 = arith.constant 0 : i32
      %dma_wait3A_187 = tpu.memref_slice %arg8[%add3A_158, %dma_wait3A_186] : memref<125x80xi32, #tpu.memory_space<vmem>> -> memref<1x80xi32, #tpu.memory_space<vmem>>
      %dma_wait3A_188 = tpu.memref_squeeze %dma_wait3A_187 : memref<1x80xi32, #tpu.memory_space<vmem>> -> memref<80xi32, #tpu.memory_space<vmem>>
      %dma_wait3A_189 = arith.constant 0 : i32
      %dma_wait3A_190 = arith.constant 0 : i32
      %dma_wait3A_191 = tpu.memref_slice %arg3[%dma_wait3A_189, %dma_wait3A_190] : memref<10000x32xbf16, #tpu.memory_space<hbm>> -> memref<10000x32xbf16, #tpu.memory_space<hbm>>
      tpu.wait_indirect_dma semaphore(%arg15 : memref<!tpu.dma_semaphore, #tpu.memory_space<semaphore_mem>>) src(%dma_wait3A_191 : memref<10000x32xbf16, #tpu.memory_space<hbm>>) dst(%dma_wait3A_185 : memref<80x32xbf16, #tpu.memory_space<vmem>>)
      %add3A_192 = arith.constant 1 : i32
      %add3A_193 = arith.addi %add3A_158, %add3A_192 : i32
      %dma_start3A_194 = arith.constant 1 : i32
      %dma_start3A_195 = arith.constant 0 : i32
      %dma_start3A_196 = arith.constant 0 : i32
      %dma_start3A_197 = tpu.memref_slice %arg9[%dma_start3A_194, %dma_start3A_195, %dma_start3A_196] : memref<2x80x96xbf16, #tpu.memory_space<vmem>> -> memref<1x40x96xbf16, #tpu.memory_space<vmem>>
      %dma_start3A_198 = tpu.memref_squeeze %dma_start3A_197 : memref<1x40x96xbf16, #tpu.memory_space<vmem>> -> memref<40x96xbf16, #tpu.memory_space<vmem>>
      %dma_start3A_199 = arith.constant 0 : i32
      %dma_start3A_200 = tpu.memref_slice %arg7[%add3A_193, %dma_start3A_199] : memref<125x80xi32, #tpu.memory_space<vmem>> -> memref<1x40xi32, #tpu.memory_space<vmem>>
      %dma_start3A_201 = tpu.memref_squeeze %dma_start3A_200 : memref<1x40xi32, #tpu.memory_space<vmem>> -> memref<40xi32, #tpu.memory_space<vmem>>
      %dma_start3A_202 = arith.constant 0 : i32
      %dma_start3A_203 = arith.constant 0 : i32
      %dma_start3A_204 = tpu.memref_slice %arg2[%dma_start3A_202, %dma_start3A_203] : memref<10000x96xbf16, #tpu.memory_space<hbm>> -> memref<10000x96xbf16, #tpu.memory_space<hbm>>
      tpu.enqueue_indirect_dma source(%dma_start3A_204 : memref<10000x96xbf16, #tpu.memory_space<hbm>>) target(%dma_start3A_198 : memref<40x96xbf16, #tpu.memory_space<vmem>>) offsets(%dma_start3A_201 : memref<40xi32, #tpu.memory_space<vmem>>) semaphore(%arg14 : memref<!tpu.dma_semaphore, #tpu.memory_space<semaphore_mem>>)
      %dma_start3A_205 = arith.constant 1 : i32
      %dma_start3A_206 = arith.constant 40 : i32
      %dma_start3A_207 = arith.constant 0 : i32
      %dma_start3A_208 = tpu.memref_slice %arg9[%dma_start3A_205, %dma_start3A_206, %dma_start3A_207] : memref<2x80x96xbf16, #tpu.memory_space<vmem>> -> memref<1x40x96xbf16, #tpu.memory_space<vmem>>
      %dma_start3A_209 = tpu.memref_squeeze %dma_start3A_208 : memref<1x40x96xbf16, #tpu.memory_space<vmem>> -> memref<40x96xbf16, #tpu.memory_space<vmem>>
      %dma_start3A_210 = arith.constant 40 : i32
      %dma_start3A_211 = tpu.memref_slice %arg7[%add3A_193, %dma_start3A_210] : memref<125x80xi32, #tpu.memory_space<vmem>> -> memref<1x40xi32, #tpu.memory_space<vmem>>
      %dma_start3A_212 = tpu.memref_squeeze %dma_start3A_211 : memref<1x40xi32, #tpu.memory_space<vmem>> -> memref<40xi32, #tpu.memory_space<vmem>>
      %dma_start3A_213 = arith.constant 0 : i32
      %dma_start3A_214 = arith.constant 0 : i32
      %dma_start3A_215 = tpu.memref_slice %arg2[%dma_start3A_213, %dma_start3A_214] : memref<10000x96xbf16, #tpu.memory_space<hbm>> -> memref<10000x96xbf16, #tpu.memory_space<hbm>>
      tpu.enqueue_indirect_dma source(%dma_start3A_215 : memref<10000x96xbf16, #tpu.memory_space<hbm>>) target(%dma_start3A_209 : memref<40x96xbf16, #tpu.memory_space<vmem>>) offsets(%dma_start3A_212 : memref<40xi32, #tpu.memory_space<vmem>>) semaphore(%arg20 : memref<!tpu.dma_semaphore, #tpu.memory_space<semaphore_mem>>)
      %dma_start3A_216 = arith.constant 1 : i32
      %dma_start3A_217 = arith.constant 0 : i32
      %dma_start3A_218 = arith.constant 0 : i32
      %dma_start3A_219 = tpu.memref_slice %arg10[%dma_start3A_216, %dma_start3A_217, %dma_start3A_218] : memref<2x80x32xbf16, #tpu.memory_space<vmem>> -> memref<1x80x32xbf16, #tpu.memory_space<vmem>>
      %dma_start3A_220 = tpu.memref_squeeze %dma_start3A_219 : memref<1x80x32xbf16, #tpu.memory_space<vmem>> -> memref<80x32xbf16, #tpu.memory_space<vmem>>
      %dma_start3A_221 = arith.constant 0 : i32
      %dma_start3A_222 = tpu.memref_slice %arg8[%add3A_193, %dma_start3A_221] : memref<125x80xi32, #tpu.memory_space<vmem>> -> memref<1x80xi32, #tpu.memory_space<vmem>>
      %dma_start3A_223 = tpu.memref_squeeze %dma_start3A_222 : memref<1x80xi32, #tpu.memory_space<vmem>> -> memref<80xi32, #tpu.memory_space<vmem>>
      %dma_start3A_224 = arith.constant 0 : i32
      %dma_start3A_225 = arith.constant 0 : i32
      %dma_start3A_226 = tpu.memref_slice %arg3[%dma_start3A_224, %dma_start3A_225] : memref<10000x32xbf16, #tpu.memory_space<hbm>> -> memref<10000x32xbf16, #tpu.memory_space<hbm>>
      tpu.enqueue_indirect_dma source(%dma_start3A_226 : memref<10000x32xbf16, #tpu.memory_space<hbm>>) target(%dma_start3A_220 : memref<80x32xbf16, #tpu.memory_space<vmem>>) offsets(%dma_start3A_223 : memref<80xi32, #tpu.memory_space<vmem>>) semaphore(%arg16 : memref<!tpu.dma_semaphore, #tpu.memory_space<semaphore_mem>>)
      %ge3A = arith.constant 1 : i32
      %ge3A_227 = arith.cmpi sge, %add3A_154, %ge3A : i32
      %convert_element_type3A = arith.extui %ge3A_227 : i1 to i32
      %cond3A = arith.constant 0 : i32
      %cond3A_228 = arith.cmpi ne, %convert_element_type3A, %cond3A : i32
      scf.if %cond3A_228 {
        %dma_wait3A_340 = arith.constant 0 : i32
        %dma_wait3A_341 = arith.constant 0 : i32
        %dma_wait3A_342 = arith.constant 0 : i32
        %dma_wait3A_343 = tpu.memref_slice %arg11[%dma_wait3A_340, %dma_wait3A_341, %dma_wait3A_342] : memref<2x80x80xf32, #tpu.memory_space<vmem>> -> memref<1x80x80xf32, #tpu.memory_space<vmem>>
        %dma_wait3A_344 = tpu.memref_squeeze %dma_wait3A_343 : memref<1x80x80xf32, #tpu.memory_space<vmem>> -> memref<80x80xf32, #tpu.memory_space<vmem>>
        %dma_wait3A_345 = arith.constant 0 : i32
        %dma_wait3A_346 = tpu.memref_slice %arg8[%add3A_158, %dma_wait3A_345] : memref<125x80xi32, #tpu.memory_space<vmem>> -> memref<1x80xi32, #tpu.memory_space<vmem>>
        %dma_wait3A_347 = tpu.memref_squeeze %dma_wait3A_346 : memref<1x80xi32, #tpu.memory_space<vmem>> -> memref<80xi32, #tpu.memory_space<vmem>>
        %dma_wait3A_348 = arith.constant 0 : i32
        %dma_wait3A_349 = arith.constant 0 : i32
        %dma_wait3A_350 = tpu.memref_slice %arg12[%dma_wait3A_348, %dma_wait3A_349] : memref<10112x80xf32, #tpu.memory_space<vmem_shared>> -> memref<10112x80xf32, #tpu.memory_space<vmem_shared>>
        tpu.wait_indirect_dma semaphore(%arg17 : memref<!tpu.dma_semaphore, #tpu.memory_space<semaphore_mem>>) src(%dma_wait3A_344 : memref<80x80xf32, #tpu.memory_space<vmem>>) dst(%dma_wait3A_350 : memref<10112x80xf32, #tpu.memory_space<vmem_shared>>)
      } else {
      }
      %parallel_loop3A_229 = arith.constant 0 : i32
      %parallel_loop3A_230 = arith.constant 80 : i32
      %parallel_loop3A_231 = arith.constant 1 : i32
      %parallel_loop3A_232 = arith.constant 0 : i32
      %parallel_loop3A_233 = arith.constant 0 : i32
      %parallel_loop3A_234 = arith.constant 0 : i32
      scf.for %parallel_loop3A_340 = %parallel_loop3A_229 to %parallel_loop3A_230 step %parallel_loop3A_231  : i32 {
        %parallel_loop3A_341 = arith.constant 0 : i32
        %parallel_loop3A_342 = arith.constant 0 : i32
        %parallel_loop3A_343 = tpu.memref_slice %arg9[%parallel_loop3A_232, %parallel_loop3A_341, %parallel_loop3A_342] : memref<2x80x96xbf16, #tpu.memory_space<vmem>> -> memref<1x80x96xbf16, #tpu.memory_space<vmem>>
        %parallel_loop3A_344 = tpu.memref_squeeze %parallel_loop3A_343 : memref<1x80x96xbf16, #tpu.memory_space<vmem>> -> memref<80x96xbf16, #tpu.memory_space<vmem>>
        %parallel_loop3A_345 = arith.index_cast %parallel_loop3A_340 : i32 to index
        %parallel_loop3A_346 = arith.constant 0 : index
        %parallel_loop3A_347 = tpu.vector_load %parallel_loop3A_344[%parallel_loop3A_345, %parallel_loop3A_346] {strides = array<i32>} : memref<80x96xbf16, #tpu.memory_space<vmem>>, vector<32xbf16>,
        %parallel_loop3A_348 = tpu.unpack_subelements %parallel_loop3A_347, 0 {pack_format = #tpu.pack_format<interleaved>} : vector<32xbf16> -> vector<16xf32>
        %parallel_loop3A_349 = tpu.unpack_subelements %parallel_loop3A_347, 1 {pack_format = #tpu.pack_format<interleaved>} : vector<32xbf16> -> vector<16xf32>
        %parallel_loop3A_350 = arith.constant 0 : i32
        %parallel_loop3A_351 = arith.constant 0 : i32
        %parallel_loop3A_352 = tpu.memref_slice %arg9[%parallel_loop3A_232, %parallel_loop3A_350, %parallel_loop3A_351] : memref<2x80x96xbf16, #tpu.memory_space<vmem>> -> memref<1x80x96xbf16, #tpu.memory_space<vmem>>
        %parallel_loop3A_353 = tpu.memref_squeeze %parallel_loop3A_352 : memref<1x80x96xbf16, #tpu.memory_space<vmem>> -> memref<80x96xbf16, #tpu.memory_space<vmem>>
        %parallel_loop3A_354 = arith.index_cast %parallel_loop3A_340 : i32 to index
        %parallel_loop3A_355 = arith.constant 32 : index
        %parallel_loop3A_356 = tpu.vector_load %parallel_loop3A_353[%parallel_loop3A_354, %parallel_loop3A_355] {strides = array<i32>} : memref<80x96xbf16, #tpu.memory_space<vmem>>, vector<32xbf16>,
        %parallel_loop3A_357 = tpu.unpack_subelements %parallel_loop3A_356, 0 {pack_format = #tpu.pack_format<interleaved>} : vector<32xbf16> -> vector<16xf32>
        %parallel_loop3A_358 = tpu.unpack_subelements %parallel_loop3A_356, 1 {pack_format = #tpu.pack_format<interleaved>} : vector<32xbf16> -> vector<16xf32>
        %parallel_loop3A_359 = arith.constant 0 : i32
        %parallel_loop3A_360 = arith.constant 0 : i32
        %parallel_loop3A_361 = tpu.memref_slice %arg9[%parallel_loop3A_232, %parallel_loop3A_359, %parallel_loop3A_360] : memref<2x80x96xbf16, #tpu.memory_space<vmem>> -> memref<1x80x96xbf16, #tpu.memory_space<vmem>>
        %parallel_loop3A_362 = tpu.memref_squeeze %parallel_loop3A_361 : memref<1x80x96xbf16, #tpu.memory_space<vmem>> -> memref<80x96xbf16, #tpu.memory_space<vmem>>
        %parallel_loop3A_363 = arith.index_cast %parallel_loop3A_340 : i32 to index
        %parallel_loop3A_364 = arith.constant 64 : index
        %parallel_loop3A_365 = tpu.vector_load %parallel_loop3A_362[%parallel_loop3A_363, %parallel_loop3A_364] {strides = array<i32>} : memref<80x96xbf16, #tpu.memory_space<vmem>>, vector<32xbf16>,
        %parallel_loop3A_366 = tpu.unpack_subelements %parallel_loop3A_365, 0 {pack_format = #tpu.pack_format<interleaved>} : vector<32xbf16> -> vector<16xf32>
        %parallel_loop3A_367 = tpu.unpack_subelements %parallel_loop3A_365, 1 {pack_format = #tpu.pack_format<interleaved>} : vector<32xbf16> -> vector<16xf32>
        %parallel_loop3A_368 = arith.constant 0 : i32
        %parallel_loop3A_369 = arith.constant 0 : i32
        %parallel_loop3A_370 = tpu.memref_slice %arg10[%parallel_loop3A_233, %parallel_loop3A_368, %parallel_loop3A_369] : memref<2x80x32xbf16, #tpu.memory_space<vmem>> -> memref<1x80x32xbf16, #tpu.memory_space<vmem>>
        %parallel_loop3A_371 = tpu.memref_squeeze %parallel_loop3A_370 : memref<1x80x32xbf16, #tpu.memory_space<vmem>> -> memref<80x32xbf16, #tpu.memory_space<vmem>>
        %parallel_loop3A_372 = arith.index_cast %parallel_loop3A_340 : i32 to index
        %parallel_loop3A_373 = arith.constant 0 : index
        %parallel_loop3A_374 = tpu.vector_load %parallel_loop3A_371[%parallel_loop3A_372, %parallel_loop3A_373] {strides = array<i32>} : memref<80x32xbf16, #tpu.memory_space<vmem>>, vector<32xbf16>,
        %parallel_loop3A_375 = tpu.unpack_subelements %parallel_loop3A_374, 0 {pack_format = #tpu.pack_format<interleaved>} : vector<32xbf16> -> vector<16xf32>
        %parallel_loop3A_376 = tpu.unpack_subelements %parallel_loop3A_374, 1 {pack_format = #tpu.pack_format<interleaved>} : vector<32xbf16> -> vector<16xf32>
        %parallel_loop3A_377 = arith.mulf %parallel_loop3A_366, %parallel_loop3A_375 : vector<16xf32>
        %parallel_loop3A_378 = vector.shape_cast %and3A_14 : vector<16xi32> to vector<16x1xi32>
        %parallel_loop3A_379 = vector.shape_cast %parallel_loop3A_378 : vector<16x1xi32> to vector<16xi32>
        %parallel_loop3A_380 = tpu.dynamic_gather %parallel_loop3A_377[%parallel_loop3A_379] in [0] : vector<16xf32>, vector<16xi32> -> vector<16xf32>
        %parallel_loop3A_381 = arith.maximumf %parallel_loop3A_377, %parallel_loop3A_380 : vector<16xf32>
        %parallel_loop3A_382 = arith.mulf %parallel_loop3A_348, %parallel_loop3A_381 : vector<16xf32>
        %parallel_loop3A_383 = arith.constant 0 : i32
        %parallel_loop3A_384 = arith.constant 0 : i32
        %parallel_loop3A_385 = tpu.memref_slice %arg11[%parallel_loop3A_234, %parallel_loop3A_383, %parallel_loop3A_384] : memref<2x80x80xf32, #tpu.memory_space<vmem>> -> memref<1x80x80xf32, #tpu.memory_space<vmem>>
        %parallel_loop3A_386 = tpu.memref_squeeze %parallel_loop3A_385 : memref<1x80x80xf32, #tpu.memory_space<vmem>> -> memref<80x80xf32, #tpu.memory_space<vmem>>
        %parallel_loop3A_387 = arith.index_cast %parallel_loop3A_340 : i32 to index
        %parallel_loop3A_388 = arith.constant 0 : index
        %parallel_loop3A_389 = tpu.vector_load %parallel_loop3A_386[%parallel_loop3A_387, %parallel_loop3A_388] {strides = array<i32>} : memref<80x80xf32, #tpu.memory_space<vmem>>, vector<16xf32>,
        tpu.vector_store %parallel_loop3A_386[%parallel_loop3A_387, %parallel_loop3A_388], %parallel_loop3A_382 {strides = array<i32>} : memref<80x80xf32, #tpu.memory_space<vmem>>, vector<16xf32>,
        %parallel_loop3A_390 = arith.mulf %parallel_loop3A_349, %parallel_loop3A_381 : vector<16xf32>
        %parallel_loop3A_391 = arith.constant 0 : i32
        %parallel_loop3A_392 = arith.constant 0 : i32
        %parallel_loop3A_393 = tpu.memref_slice %arg11[%parallel_loop3A_234, %parallel_loop3A_391, %parallel_loop3A_392] : memref<2x80x80xf32, #tpu.memory_space<vmem>> -> memref<1x80x80xf32, #tpu.memory_space<vmem>>
        %parallel_loop3A_394 = tpu.memref_squeeze %parallel_loop3A_393 : memref<1x80x80xf32, #tpu.memory_space<vmem>> -> memref<80x80xf32, #tpu.memory_space<vmem>>
        %parallel_loop3A_395 = arith.index_cast %parallel_loop3A_340 : i32 to index
        %parallel_loop3A_396 = arith.constant 16 : index
        %parallel_loop3A_397 = tpu.vector_load %parallel_loop3A_394[%parallel_loop3A_395, %parallel_loop3A_396] {strides = array<i32>} : memref<80x80xf32, #tpu.memory_space<vmem>>, vector<16xf32>,
        tpu.vector_store %parallel_loop3A_394[%parallel_loop3A_395, %parallel_loop3A_396], %parallel_loop3A_390 {strides = array<i32>} : memref<80x80xf32, #tpu.memory_space<vmem>>, vector<16xf32>,
        %parallel_loop3A_398 = arith.mulf %parallel_loop3A_357, %parallel_loop3A_381 : vector<16xf32>
        %parallel_loop3A_399 = arith.constant 0 : i32
        %parallel_loop3A_400 = arith.constant 0 : i32
        %parallel_loop3A_401 = tpu.memref_slice %arg11[%parallel_loop3A_234, %parallel_loop3A_399, %parallel_loop3A_400] : memref<2x80x80xf32, #tpu.memory_space<vmem>> -> memref<1x80x80xf32, #tpu.memory_space<vmem>>
        %parallel_loop3A_402 = tpu.memref_squeeze %parallel_loop3A_401 : memref<1x80x80xf32, #tpu.memory_space<vmem>> -> memref<80x80xf32, #tpu.memory_space<vmem>>
        %parallel_loop3A_403 = arith.index_cast %parallel_loop3A_340 : i32 to index
        %parallel_loop3A_404 = arith.constant 32 : index
        %parallel_loop3A_405 = tpu.vector_load %parallel_loop3A_402[%parallel_loop3A_403, %parallel_loop3A_404] {strides = array<i32>} : memref<80x80xf32, #tpu.memory_space<vmem>>, vector<16xf32>,
        tpu.vector_store %parallel_loop3A_402[%parallel_loop3A_403, %parallel_loop3A_404], %parallel_loop3A_398 {strides = array<i32>} : memref<80x80xf32, #tpu.memory_space<vmem>>, vector<16xf32>,
        %parallel_loop3A_406 = arith.mulf %parallel_loop3A_358, %parallel_loop3A_381 : vector<16xf32>
        %parallel_loop3A_407 = arith.constant 0 : i32
        %parallel_loop3A_408 = arith.constant 0 : i32
        %parallel_loop3A_409 = tpu.memref_slice %arg11[%parallel_loop3A_234, %parallel_loop3A_407, %parallel_loop3A_408] : memref<2x80x80xf32, #tpu.memory_space<vmem>> -> memref<1x80x80xf32, #tpu.memory_space<vmem>>
        %parallel_loop3A_410 = tpu.memref_squeeze %parallel_loop3A_409 : memref<1x80x80xf32, #tpu.memory_space<vmem>> -> memref<80x80xf32, #tpu.memory_space<vmem>>
        %parallel_loop3A_411 = arith.index_cast %parallel_loop3A_340 : i32 to index
        %parallel_loop3A_412 = arith.constant 48 : index
        %parallel_loop3A_413 = tpu.vector_load %parallel_loop3A_410[%parallel_loop3A_411, %parallel_loop3A_412] {strides = array<i32>} : memref<80x80xf32, #tpu.memory_space<vmem>>, vector<16xf32>,
        tpu.vector_store %parallel_loop3A_410[%parallel_loop3A_411, %parallel_loop3A_412], %parallel_loop3A_406 {strides = array<i32>} : memref<80x80xf32, #tpu.memory_space<vmem>>, vector<16xf32>,
        %parallel_loop3A_414 = arith.constant 0 : i32
        %parallel_loop3A_415 = arith.constant 0 : i32
        %parallel_loop3A_416 = tpu.memref_slice %arg11[%parallel_loop3A_234, %parallel_loop3A_414, %parallel_loop3A_415] : memref<2x80x80xf32, #tpu.memory_space<vmem>> -> memref<1x80x80xf32, #tpu.memory_space<vmem>>
        %parallel_loop3A_417 = tpu.memref_squeeze %parallel_loop3A_416 : memref<1x80x80xf32, #tpu.memory_space<vmem>> -> memref<80x80xf32, #tpu.memory_space<vmem>>
        %parallel_loop3A_418 = arith.index_cast %parallel_loop3A_340 : i32 to index
        %parallel_loop3A_419 = arith.constant 64 : index
        %parallel_loop3A_420 = tpu.vector_load %parallel_loop3A_417[%parallel_loop3A_418, %parallel_loop3A_419] {strides = array<i32>} : memref<80x80xf32, #tpu.memory_space<vmem>>, vector<16xf32>,
        tpu.vector_store %parallel_loop3A_417[%parallel_loop3A_418, %parallel_loop3A_419], %parallel_loop3A_381 {strides = array<i32>} : memref<80x80xf32, #tpu.memory_space<vmem>>, vector<16xf32>,
      } {sc.loop_unroll_factor = 4 : i64, sc.parallel_access}
      %dma_start3A_235 = arith.constant 0 : i32
      %dma_start3A_236 = arith.constant 0 : i32
      %dma_start3A_237 = arith.constant 0 : i32
      %dma_start3A_238 = tpu.memref_slice %arg11[%dma_start3A_235, %dma_start3A_236, %dma_start3A_237] : memref<2x80x80xf32, #tpu.memory_space<vmem>> -> memref<1x80x80xf32, #tpu.memory_space<vmem>>
      %dma_start3A_239 = tpu.memref_squeeze %dma_start3A_238 : memref<1x80x80xf32, #tpu.memory_space<vmem>> -> memref<80x80xf32, #tpu.memory_space<vmem>>
      %dma_start3A_240 = arith.constant 0 : i32
      %dma_start3A_241 = tpu.memref_slice %arg8[%add3A_158, %dma_start3A_240] : memref<125x80xi32, #tpu.memory_space<vmem>> -> memref<1x80xi32, #tpu.memory_space<vmem>>
      %dma_start3A_242 = tpu.memref_squeeze %dma_start3A_241 : memref<1x80xi32, #tpu.memory_space<vmem>> -> memref<80xi32, #tpu.memory_space<vmem>>
      %dma_start3A_243 = arith.constant 0 : i32
      %dma_start3A_244 = arith.constant 0 : i32
      %dma_start3A_245 = tpu.memref_slice %arg12[%dma_start3A_243, %dma_start3A_244] : memref<10112x80xf32, #tpu.memory_space<vmem_shared>> -> memref<10112x80xf32, #tpu.memory_space<vmem_shared>>
      tpu.enqueue_indirect_dma source(%dma_start3A_239 : memref<80x80xf32, #tpu.memory_space<vmem>>) target(%dma_start3A_245 : memref<10112x80xf32, #tpu.memory_space<vmem_shared>>) offsets(%dma_start3A_242 : memref<80xi32, #tpu.memory_space<vmem>>) semaphore(%arg17 : memref<!tpu.dma_semaphore, #tpu.memory_space<semaphore_mem>>) {add = true}
      %mul3A_246 = arith.constant 2 : i32
      %mul3A_247 = arith.muli %mul3A_246, %add3A_154 : i32
      %add3A_248 = arith.constant 1 : i32
      %add3A_249 = arith.addi %mul3A_247, %add3A_248 : i32
      %dma_wait3A_250 = arith.constant 1 : i32
      %dma_wait3A_251 = arith.constant 0 : i32
      %dma_wait3A_252 = arith.constant 0 : i32
      %dma_wait3A_253 = tpu.memref_slice %arg9[%dma_wait3A_250, %dma_wait3A_251, %dma_wait3A_252] : memref<2x80x96xbf16, #tpu.memory_space<vmem>> -> memref<1x40x96xbf16, #tpu.memory_space<vmem>>
      %dma_wait3A_254 = tpu.memref_squeeze %dma_wait3A_253 : memref<1x40x96xbf16, #tpu.memory_space<vmem>> -> memref<40x96xbf16, #tpu.memory_space<vmem>>
      %dma_wait3A_255 = arith.constant 0 : i32
      %dma_wait3A_256 = tpu.memref_slice %arg7[%add3A_249, %dma_wait3A_255] : memref<125x80xi32, #tpu.memory_space<vmem>> -> memref<1x40xi32, #tpu.memory_space<vmem>>
      %dma_wait3A_257 = tpu.memref_squeeze %dma_wait3A_256 : memref<1x40xi32, #tpu.memory_space<vmem>> -> memref<40xi32, #tpu.memory_space<vmem>>
      %dma_wait3A_258 = arith.constant 0 : i32
      %dma_wait3A_259 = arith.constant 0 : i32
      %dma_wait3A_260 = tpu.memref_slice %arg2[%dma_wait3A_258, %dma_wait3A_259] : memref<10000x96xbf16, #tpu.memory_space<hbm>> -> memref<10000x96xbf16, #tpu.memory_space<hbm>>
      tpu.wait_indirect_dma semaphore(%arg14 : memref<!tpu.dma_semaphore, #tpu.memory_space<semaphore_mem>>) src(%dma_wait3A_260 : memref<10000x96xbf16, #tpu.memory_space<hbm>>) dst(%dma_wait3A_254 : memref<40x96xbf16, #tpu.memory_space<vmem>>)
      %dma_wait3A_261 = arith.constant 1 : i32
      %dma_wait3A_262 = arith.constant 40 : i32
      %dma_wait3A_263 = arith.constant 0 : i32
      %dma_wait3A_264 = tpu.memref_slice %arg9[%dma_wait3A_261, %dma_wait3A_262, %dma_wait3A_263] : memref<2x80x96xbf16, #tpu.memory_space<vmem>> -> memref<1x40x96xbf16, #tpu.memory_space<vmem>>
      %dma_wait3A_265 = tpu.memref_squeeze %dma_wait3A_264 : memref<1x40x96xbf16, #tpu.memory_space<vmem>> -> memref<40x96xbf16, #tpu.memory_space<vmem>>
      %dma_wait3A_266 = arith.constant 40 : i32
      %dma_wait3A_267 = tpu.memref_slice %arg7[%add3A_249, %dma_wait3A_266] : memref<125x80xi32, #tpu.memory_space<vmem>> -> memref<1x40xi32, #tpu.memory_space<vmem>>
      %dma_wait3A_268 = tpu.memref_squeeze %dma_wait3A_267 : memref<1x40xi32, #tpu.memory_space<vmem>> -> memref<40xi32, #tpu.memory_space<vmem>>
      %dma_wait3A_269 = arith.constant 0 : i32
      %dma_wait3A_270 = arith.constant 0 : i32
      %dma_wait3A_271 = tpu.memref_slice %arg2[%dma_wait3A_269, %dma_wait3A_270] : memref<10000x96xbf16, #tpu.memory_space<hbm>> -> memref<10000x96xbf16, #tpu.memory_space<hbm>>
      tpu.wait_indirect_dma semaphore(%arg20 : memref<!tpu.dma_semaphore, #tpu.memory_space<semaphore_mem>>) src(%dma_wait3A_271 : memref<10000x96xbf16, #tpu.memory_space<hbm>>) dst(%dma_wait3A_265 : memref<40x96xbf16, #tpu.memory_space<vmem>>)
      %dma_wait3A_272 = arith.constant 1 : i32
      %dma_wait3A_273 = arith.constant 0 : i32
      %dma_wait3A_274 = arith.constant 0 : i32
      %dma_wait3A_275 = tpu.memref_slice %arg10[%dma_wait3A_272, %dma_wait3A_273, %dma_wait3A_274] : memref<2x80x32xbf16, #tpu.memory_space<vmem>> -> memref<1x80x32xbf16, #tpu.memory_space<vmem>>
      %dma_wait3A_276 = tpu.memref_squeeze %dma_wait3A_275 : memref<1x80x32xbf16, #tpu.memory_space<vmem>> -> memref<80x32xbf16, #tpu.memory_space<vmem>>
      %dma_wait3A_277 = arith.constant 0 : i32
      %dma_wait3A_278 = tpu.memref_slice %arg8[%add3A_249, %dma_wait3A_277] : memref<125x80xi32, #tpu.memory_space<vmem>> -> memref<1x80xi32, #tpu.memory_space<vmem>>
      %dma_wait3A_279 = tpu.memref_squeeze %dma_wait3A_278 : memref<1x80xi32, #tpu.memory_space<vmem>> -> memref<80xi32, #tpu.memory_space<vmem>>
      %dma_wait3A_280 = arith.constant 0 : i32
      %dma_wait3A_281 = arith.constant 0 : i32
      %dma_wait3A_282 = tpu.memref_slice %arg3[%dma_wait3A_280, %dma_wait3A_281] : memref<10000x32xbf16, #tpu.memory_space<hbm>> -> memref<10000x32xbf16, #tpu.memory_space<hbm>>
      tpu.wait_indirect_dma semaphore(%arg16 : memref<!tpu.dma_semaphore, #tpu.memory_space<semaphore_mem>>) src(%dma_wait3A_282 : memref<10000x32xbf16, #tpu.memory_space<hbm>>) dst(%dma_wait3A_276 : memref<80x32xbf16, #tpu.memory_space<vmem>>)
      %add3A_283 = arith.constant 1 : i32
      %add3A_284 = arith.addi %add3A_249, %add3A_283 : i32
      %dma_start3A_285 = arith.constant 0 : i32
      %dma_start3A_286 = arith.constant 0 : i32
      %dma_start3A_287 = arith.constant 0 : i32
      %dma_start3A_288 = tpu.memref_slice %arg9[%dma_start3A_285, %dma_start3A_286, %dma_start3A_287] : memref<2x80x96xbf16, #tpu.memory_space<vmem>> -> memref<1x40x96xbf16, #tpu.memory_space<vmem>>
      %dma_start3A_289 = tpu.memref_squeeze %dma_start3A_288 : memref<1x40x96xbf16, #tpu.memory_space<vmem>> -> memref<40x96xbf16, #tpu.memory_space<vmem>>
      %dma_start3A_290 = arith.constant 0 : i32
      %dma_start3A_291 = tpu.memref_slice %arg7[%add3A_284, %dma_start3A_290] : memref<125x80xi32, #tpu.memory_space<vmem>> -> memref<1x40xi32, #tpu.memory_space<vmem>>
      %dma_start3A_292 = tpu.memref_squeeze %dma_start3A_291 : memref<1x40xi32, #tpu.memory_space<vmem>> -> memref<40xi32, #tpu.memory_space<vmem>>
      %dma_start3A_293 = arith.constant 0 : i32
      %dma_start3A_294 = arith.constant 0 : i32
      %dma_start3A_295 = tpu.memref_slice %arg2[%dma_start3A_293, %dma_start3A_294] : memref<10000x96xbf16, #tpu.memory_space<hbm>> -> memref<10000x96xbf16, #tpu.memory_space<hbm>>
      tpu.enqueue_indirect_dma source(%dma_start3A_295 : memref<10000x96xbf16, #tpu.memory_space<hbm>>) target(%dma_start3A_289 : memref<40x96xbf16, #tpu.memory_space<vmem>>) offsets(%dma_start3A_292 : memref<40xi32, #tpu.memory_space<vmem>>) semaphore(%arg13 : memref<!tpu.dma_semaphore, #tpu.memory_space<semaphore_mem>>)
      %dma_start3A_296 = arith.constant 0 : i32
      %dma_start3A_297 = arith.constant 40 : i32
      %dma_start3A_298 = arith.constant 0 : i32
      %dma_start3A_299 = tpu.memref_slice %arg9[%dma_start3A_296, %dma_start3A_297, %dma_start3A_298] : memref<2x80x96xbf16, #tpu.memory_space<vmem>> -> memref<1x40x96xbf16, #tpu.memory_space<vmem>>
      %dma_start3A_300 = tpu.memref_squeeze %dma_start3A_299 : memref<1x40x96xbf16, #tpu.memory_space<vmem>> -> memref<40x96xbf16, #tpu.memory_space<vmem>>
      %dma_start3A_301 = arith.constant 40 : i32
      %dma_start3A_302 = tpu.memref_slice %arg7[%add3A_284, %dma_start3A_301] : memref<125x80xi32, #tpu.memory_space<vmem>> -> memref<1x40xi32, #tpu.memory_space<vmem>>
      %dma_start3A_303 = tpu.memref_squeeze %dma_start3A_302 : memref<1x40xi32, #tpu.memory_space<vmem>> -> memref<40xi32, #tpu.memory_space<vmem>>
      %dma_start3A_304 = arith.constant 0 : i32
      %dma_start3A_305 = arith.constant 0 : i32
      %dma_start3A_306 = tpu.memref_slice %arg2[%dma_start3A_304, %dma_start3A_305] : memref<10000x96xbf16, #tpu.memory_space<hbm>> -> memref<10000x96xbf16, #tpu.memory_space<hbm>>
      tpu.enqueue_indirect_dma source(%dma_start3A_306 : memref<10000x96xbf16, #tpu.memory_space<hbm>>) target(%dma_start3A_300 : memref<40x96xbf16, #tpu.memory_space<vmem>>) offsets(%dma_start3A_303 : memref<40xi32, #tpu.memory_space<vmem>>) semaphore(%arg19 : memref<!tpu.dma_semaphore, #tpu.memory_space<semaphore_mem>>)
      %dma_start3A_307 = arith.constant 0 : i32
      %dma_start3A_308 = arith.constant 0 : i32
      %dma_start3A_309 = arith.constant 0 : i32
      %dma_start3A_310 = tpu.memref_slice %arg10[%dma_start3A_307, %dma_start3A_308, %dma_start3A_309] : memref<2x80x32xbf16, #tpu.memory_space<vmem>> -> memref<1x80x32xbf16, #tpu.memory_space<vmem>>
      %dma_start3A_311 = tpu.memref_squeeze %dma_start3A_310 : memref<1x80x32xbf16, #tpu.memory_space<vmem>> -> memref<80x32xbf16, #tpu.memory_space<vmem>>
      %dma_start3A_312 = arith.constant 0 : i32
      %dma_start3A_313 = tpu.memref_slice %arg8[%add3A_284, %dma_start3A_312] : memref<125x80xi32, #tpu.memory_space<vmem>> -> memref<1x80xi32, #tpu.memory_space<vmem>>
      %dma_start3A_314 = tpu.memref_squeeze %dma_start3A_313 : memref<1x80xi32, #tpu.memory_space<vmem>> -> memref<80xi32, #tpu.memory_space<vmem>>
      %dma_start3A_315 = arith.constant 0 : i32
      %dma_start3A_316 = arith.constant 0 : i32
      %dma_start3A_317 = tpu.memref_slice %arg3[%dma_start3A_315, %dma_start3A_316] : memref<10000x32xbf16, #tpu.memory_space<hbm>> -> memref<10000x32xbf16, #tpu.memory_space<hbm>>
      tpu.enqueue_indirect_dma source(%dma_start3A_317 : memref<10000x32xbf16, #tpu.memory_space<hbm>>) target(%dma_start3A_311 : memref<80x32xbf16, #tpu.memory_space<vmem>>) offsets(%dma_start3A_314 : memref<80xi32, #tpu.memory_space<vmem>>) semaphore(%arg15 : memref<!tpu.dma_semaphore, #tpu.memory_space<semaphore_mem>>)
      %ge3A_318 = arith.constant 1 : i32
      %ge3A_319 = arith.cmpi sge, %add3A_154, %ge3A_318 : i32
      %convert_element_type3A_320 = arith.extui %ge3A_319 : i1 to i32
      %cond3A_321 = arith.constant 0 : i32
      %cond3A_322 = arith.cmpi ne, %convert_element_type3A_320, %cond3A_321 : i32
      scf.if %cond3A_322 {
        %dma_wait3A_340 = arith.constant 1 : i32
        %dma_wait3A_341 = arith.constant 0 : i32
        %dma_wait3A_342 = arith.constant 0 : i32
        %dma_wait3A_343 = tpu.memref_slice %arg11[%dma_wait3A_340, %dma_wait3A_341, %dma_wait3A_342] : memref<2x80x80xf32, #tpu.memory_space<vmem>> -> memref<1x80x80xf32, #tpu.memory_space<vmem>>
        %dma_wait3A_344 = tpu.memref_squeeze %dma_wait3A_343 : memref<1x80x80xf32, #tpu.memory_space<vmem>> -> memref<80x80xf32, #tpu.memory_space<vmem>>
        %dma_wait3A_345 = arith.constant 0 : i32
        %dma_wait3A_346 = tpu.memref_slice %arg8[%add3A_249, %dma_wait3A_345] : memref<125x80xi32, #tpu.memory_space<vmem>> -> memref<1x80xi32, #tpu.memory_space<vmem>>
        %dma_wait3A_347 = tpu.memref_squeeze %dma_wait3A_346 : memref<1x80xi32, #tpu.memory_space<vmem>> -> memref<80xi32, #tpu.memory_space<vmem>>
        %dma_wait3A_348 = arith.constant 0 : i32
        %dma_wait3A_349 = arith.constant 0 : i32
        %dma_wait3A_350 = tpu.memref_slice %arg12[%dma_wait3A_348, %dma_wait3A_349] : memref<10112x80xf32, #tpu.memory_space<vmem_shared>> -> memref<10112x80xf32, #tpu.memory_space<vmem_shared>>
        tpu.wait_indirect_dma semaphore(%arg18 : memref<!tpu.dma_semaphore, #tpu.memory_space<semaphore_mem>>) src(%dma_wait3A_344 : memref<80x80xf32, #tpu.memory_space<vmem>>) dst(%dma_wait3A_350 : memref<10112x80xf32, #tpu.memory_space<vmem_shared>>)
      } else {
      }
      %parallel_loop3A_323 = arith.constant 0 : i32
      %parallel_loop3A_324 = arith.constant 80 : i32
      %parallel_loop3A_325 = arith.constant 1 : i32
      %parallel_loop3A_326 = arith.constant 1 : i32
      %parallel_loop3A_327 = arith.constant 1 : i32
      %parallel_loop3A_328 = arith.constant 1 : i32
      scf.for %parallel_loop3A_340 = %parallel_loop3A_323 to %parallel_loop3A_324 step %parallel_loop3A_325  : i32 {
        %parallel_loop3A_341 = arith.constant 0 : i32
        %parallel_loop3A_342 = arith.constant 0 : i32
        %parallel_loop3A_343 = tpu.memref_slice %arg9[%parallel_loop3A_326, %parallel_loop3A_341, %parallel_loop3A_342] : memref<2x80x96xbf16, #tpu.memory_space<vmem>> -> memref<1x80x96xbf16, #tpu.memory_space<vmem>>
        %parallel_loop3A_344 = tpu.memref_squeeze %parallel_loop3A_343 : memref<1x80x96xbf16, #tpu.memory_space<vmem>> -> memref<80x96xbf16, #tpu.memory_space<vmem>>
        %parallel_loop3A_345 = arith.index_cast %parallel_loop3A_340 : i32 to index
        %parallel_loop3A_346 = arith.constant 0 : index
        %parallel_loop3A_347 = tpu.vector_load %parallel_loop3A_344[%parallel_loop3A_345, %parallel_loop3A_346] {strides = array<i32>} : memref<80x96xbf16, #tpu.memory_space<vmem>>, vector<32xbf16>,
        %parallel_loop3A_348 = tpu.unpack_subelements %parallel_loop3A_347, 0 {pack_format = #tpu.pack_format<interleaved>} : vector<32xbf16> -> vector<16xf32>
        %parallel_loop3A_349 = tpu.unpack_subelements %parallel_loop3A_347, 1 {pack_format = #tpu.pack_format<interleaved>} : vector<32xbf16> -> vector<16xf32>
        %parallel_loop3A_350 = arith.constant 0 : i32
        %parallel_loop3A_351 = arith.constant 0 : i32
        %parallel_loop3A_352 = tpu.memref_slice %arg9[%parallel_loop3A_326, %parallel_loop3A_350, %parallel_loop3A_351] : memref<2x80x96xbf16, #tpu.memory_space<vmem>> -> memref<1x80x96xbf16, #tpu.memory_space<vmem>>
        %parallel_loop3A_353 = tpu.memref_squeeze %parallel_loop3A_352 : memref<1x80x96xbf16, #tpu.memory_space<vmem>> -> memref<80x96xbf16, #tpu.memory_space<vmem>>
        %parallel_loop3A_354 = arith.index_cast %parallel_loop3A_340 : i32 to index
        %parallel_loop3A_355 = arith.constant 32 : index
        %parallel_loop3A_356 = tpu.vector_load %parallel_loop3A_353[%parallel_loop3A_354, %parallel_loop3A_355] {strides = array<i32>} : memref<80x96xbf16, #tpu.memory_space<vmem>>, vector<32xbf16>,
        %parallel_loop3A_357 = tpu.unpack_subelements %parallel_loop3A_356, 0 {pack_format = #tpu.pack_format<interleaved>} : vector<32xbf16> -> vector<16xf32>
        %parallel_loop3A_358 = tpu.unpack_subelements %parallel_loop3A_356, 1 {pack_format = #tpu.pack_format<interleaved>} : vector<32xbf16> -> vector<16xf32>
        %parallel_loop3A_359 = arith.constant 0 : i32
        %parallel_loop3A_360 = arith.constant 0 : i32
        %parallel_loop3A_361 = tpu.memref_slice %arg9[%parallel_loop3A_326, %parallel_loop3A_359, %parallel_loop3A_360] : memref<2x80x96xbf16, #tpu.memory_space<vmem>> -> memref<1x80x96xbf16, #tpu.memory_space<vmem>>
        %parallel_loop3A_362 = tpu.memref_squeeze %parallel_loop3A_361 : memref<1x80x96xbf16, #tpu.memory_space<vmem>> -> memref<80x96xbf16, #tpu.memory_space<vmem>>
        %parallel_loop3A_363 = arith.index_cast %parallel_loop3A_340 : i32 to index
        %parallel_loop3A_364 = arith.constant 64 : index
        %parallel_loop3A_365 = tpu.vector_load %parallel_loop3A_362[%parallel_loop3A_363, %parallel_loop3A_364] {strides = array<i32>} : memref<80x96xbf16, #tpu.memory_space<vmem>>, vector<32xbf16>,
        %parallel_loop3A_366 = tpu.unpack_subelements %parallel_loop3A_365, 0 {pack_format = #tpu.pack_format<interleaved>} : vector<32xbf16> -> vector<16xf32>
        %parallel_loop3A_367 = tpu.unpack_subelements %parallel_loop3A_365, 1 {pack_format = #tpu.pack_format<interleaved>} : vector<32xbf16> -> vector<16xf32>
        %parallel_loop3A_368 = arith.constant 0 : i32
        %parallel_loop3A_369 = arith.constant 0 : i32
        %parallel_loop3A_370 = tpu.memref_slice %arg10[%parallel_loop3A_327, %parallel_loop3A_368, %parallel_loop3A_369] : memref<2x80x32xbf16, #tpu.memory_space<vmem>> -> memref<1x80x32xbf16, #tpu.memory_space<vmem>>
        %parallel_loop3A_371 = tpu.memref_squeeze %parallel_loop3A_370 : memref<1x80x32xbf16, #tpu.memory_space<vmem>> -> memref<80x32xbf16, #tpu.memory_space<vmem>>
        %parallel_loop3A_372 = arith.index_cast %parallel_loop3A_340 : i32 to index
        %parallel_loop3A_373 = arith.constant 0 : index
        %parallel_loop3A_374 = tpu.vector_load %parallel_loop3A_371[%parallel_loop3A_372, %parallel_loop3A_373] {strides = array<i32>} : memref<80x32xbf16, #tpu.memory_space<vmem>>, vector<32xbf16>,
        %parallel_loop3A_375 = tpu.unpack_subelements %parallel_loop3A_374, 0 {pack_format = #tpu.pack_format<interleaved>} : vector<32xbf16> -> vector<16xf32>
        %parallel_loop3A_376 = tpu.unpack_subelements %parallel_loop3A_374, 1 {pack_format = #tpu.pack_format<interleaved>} : vector<32xbf16> -> vector<16xf32>
        %parallel_loop3A_377 = arith.mulf %parallel_loop3A_366, %parallel_loop3A_375 : vector<16xf32>
        %parallel_loop3A_378 = vector.shape_cast %and3A_14 : vector<16xi32> to vector<16x1xi32>
        %parallel_loop3A_379 = vector.shape_cast %parallel_loop3A_378 : vector<16x1xi32> to vector<16xi32>
        %parallel_loop3A_380 = tpu.dynamic_gather %parallel_loop3A_377[%parallel_loop3A_379] in [0] : vector<16xf32>, vector<16xi32> -> vector<16xf32>
        %parallel_loop3A_381 = arith.maximumf %parallel_loop3A_377, %parallel_loop3A_380 : vector<16xf32>
        %parallel_loop3A_382 = arith.mulf %parallel_loop3A_348, %parallel_loop3A_381 : vector<16xf32>
        %parallel_loop3A_383 = arith.constant 0 : i32
        %parallel_loop3A_384 = arith.constant 0 : i32
        %parallel_loop3A_385 = tpu.memref_slice %arg11[%parallel_loop3A_328, %parallel_loop3A_383, %parallel_loop3A_384] : memref<2x80x80xf32, #tpu.memory_space<vmem>> -> memref<1x80x80xf32, #tpu.memory_space<vmem>>
        %parallel_loop3A_386 = tpu.memref_squeeze %parallel_loop3A_385 : memref<1x80x80xf32, #tpu.memory_space<vmem>> -> memref<80x80xf32, #tpu.memory_space<vmem>>
        %parallel_loop3A_387 = arith.index_cast %parallel_loop3A_340 : i32 to index
        %parallel_loop3A_388 = arith.constant 0 : index
        %parallel_loop3A_389 = tpu.vector_load %parallel_loop3A_386[%parallel_loop3A_387, %parallel_loop3A_388] {strides = array<i32>} : memref<80x80xf32, #tpu.memory_space<vmem>>, vector<16xf32>,
        tpu.vector_store %parallel_loop3A_386[%parallel_loop3A_387, %parallel_loop3A_388], %parallel_loop3A_382 {strides = array<i32>} : memref<80x80xf32, #tpu.memory_space<vmem>>, vector<16xf32>,
        %parallel_loop3A_390 = arith.mulf %parallel_loop3A_349, %parallel_loop3A_381 : vector<16xf32>
        %parallel_loop3A_391 = arith.constant 0 : i32
        %parallel_loop3A_392 = arith.constant 0 : i32
        %parallel_loop3A_393 = tpu.memref_slice %arg11[%parallel_loop3A_328, %parallel_loop3A_391, %parallel_loop3A_392] : memref<2x80x80xf32, #tpu.memory_space<vmem>> -> memref<1x80x80xf32, #tpu.memory_space<vmem>>
        %parallel_loop3A_394 = tpu.memref_squeeze %parallel_loop3A_393 : memref<1x80x80xf32, #tpu.memory_space<vmem>> -> memref<80x80xf32, #tpu.memory_space<vmem>>
        %parallel_loop3A_395 = arith.index_cast %parallel_loop3A_340 : i32 to index
        %parallel_loop3A_396 = arith.constant 16 : index
        %parallel_loop3A_397 = tpu.vector_load %parallel_loop3A_394[%parallel_loop3A_395, %parallel_loop3A_396] {strides = array<i32>} : memref<80x80xf32, #tpu.memory_space<vmem>>, vector<16xf32>,
        tpu.vector_store %parallel_loop3A_394[%parallel_loop3A_395, %parallel_loop3A_396], %parallel_loop3A_390 {strides = array<i32>} : memref<80x80xf32, #tpu.memory_space<vmem>>, vector<16xf32>,
        %parallel_loop3A_398 = arith.mulf %parallel_loop3A_357, %parallel_loop3A_381 : vector<16xf32>
        %parallel_loop3A_399 = arith.constant 0 : i32
        %parallel_loop3A_400 = arith.constant 0 : i32
        %parallel_loop3A_401 = tpu.memref_slice %arg11[%parallel_loop3A_328, %parallel_loop3A_399, %parallel_loop3A_400] : memref<2x80x80xf32, #tpu.memory_space<vmem>> -> memref<1x80x80xf32, #tpu.memory_space<vmem>>
        %parallel_loop3A_402 = tpu.memref_squeeze %parallel_loop3A_401 : memref<1x80x80xf32, #tpu.memory_space<vmem>> -> memref<80x80xf32, #tpu.memory_space<vmem>>
        %parallel_loop3A_403 = arith.index_cast %parallel_loop3A_340 : i32 to index
        %parallel_loop3A_404 = arith.constant 32 : index
        %parallel_loop3A_405 = tpu.vector_load %parallel_loop3A_402[%parallel_loop3A_403, %parallel_loop3A_404] {strides = array<i32>} : memref<80x80xf32, #tpu.memory_space<vmem>>, vector<16xf32>,
        tpu.vector_store %parallel_loop3A_402[%parallel_loop3A_403, %parallel_loop3A_404], %parallel_loop3A_398 {strides = array<i32>} : memref<80x80xf32, #tpu.memory_space<vmem>>, vector<16xf32>,
        %parallel_loop3A_406 = arith.mulf %parallel_loop3A_358, %parallel_loop3A_381 : vector<16xf32>
        %parallel_loop3A_407 = arith.constant 0 : i32
        %parallel_loop3A_408 = arith.constant 0 : i32
        %parallel_loop3A_409 = tpu.memref_slice %arg11[%parallel_loop3A_328, %parallel_loop3A_407, %parallel_loop3A_408] : memref<2x80x80xf32, #tpu.memory_space<vmem>> -> memref<1x80x80xf32, #tpu.memory_space<vmem>>
        %parallel_loop3A_410 = tpu.memref_squeeze %parallel_loop3A_409 : memref<1x80x80xf32, #tpu.memory_space<vmem>> -> memref<80x80xf32, #tpu.memory_space<vmem>>
        %parallel_loop3A_411 = arith.index_cast %parallel_loop3A_340 : i32 to index
        %parallel_loop3A_412 = arith.constant 48 : index
        %parallel_loop3A_413 = tpu.vector_load %parallel_loop3A_410[%parallel_loop3A_411, %parallel_loop3A_412] {strides = array<i32>} : memref<80x80xf32, #tpu.memory_space<vmem>>, vector<16xf32>,
        tpu.vector_store %parallel_loop3A_410[%parallel_loop3A_411, %parallel_loop3A_412], %parallel_loop3A_406 {strides = array<i32>} : memref<80x80xf32, #tpu.memory_space<vmem>>, vector<16xf32>,
        %parallel_loop3A_414 = arith.constant 0 : i32
        %parallel_loop3A_415 = arith.constant 0 : i32
        %parallel_loop3A_416 = tpu.memref_slice %arg11[%parallel_loop3A_328, %parallel_loop3A_414, %parallel_loop3A_415] : memref<2x80x80xf32, #tpu.memory_space<vmem>> -> memref<1x80x80xf32, #tpu.memory_space<vmem>>
        %parallel_loop3A_417 = tpu.memref_squeeze %parallel_loop3A_416 : memref<1x80x80xf32, #tpu.memory_space<vmem>> -> memref<80x80xf32, #tpu.memory_space<vmem>>
        %parallel_loop3A_418 = arith.index_cast %parallel_loop3A_340 : i32 to index
        %parallel_loop3A_419 = arith.constant 64 : index
        %parallel_loop3A_420 = tpu.vector_load %parallel_loop3A_417[%parallel_loop3A_418, %parallel_loop3A_419] {strides = array<i32>} : memref<80x80xf32, #tpu.memory_space<vmem>>, vector<16xf32>,
        tpu.vector_store %parallel_loop3A_417[%parallel_loop3A_418, %parallel_loop3A_419], %parallel_loop3A_381 {strides = array<i32>} : memref<80x80xf32, #tpu.memory_space<vmem>>, vector<16xf32>,
      } {sc.loop_unroll_factor = 4 : i64, sc.parallel_access}
      %dma_start3A_329 = arith.constant 1 : i32
      %dma_start3A_330 = arith.constant 0 : i32
      %dma_start3A_331 = arith.constant 0 : i32
      %dma_start3A_332 = tpu.memref_slice %arg11[%dma_start3A_329, %dma_start3A_330, %dma_start3A_331] : memref<2x80x80xf32, #tpu.memory_space<vmem>> -> memref<1x80x80xf32, #tpu.memory_space<vmem>>
      %dma_start3A_333 = tpu.memref_squeeze %dma_start3A_332 : memref<1x80x80xf32, #tpu.memory_space<vmem>> -> memref<80x80xf32, #tpu.memory_space<vmem>>
      %dma_start3A_334 = arith.constant 0 : i32
      %dma_start3A_335 = tpu.memref_slice %arg8[%add3A_249, %dma_start3A_334] : memref<125x80xi32, #tpu.memory_space<vmem>> -> memref<1x80xi32, #tpu.memory_space<vmem>>
      %dma_start3A_336 = tpu.memref_squeeze %dma_start3A_335 : memref<1x80xi32, #tpu.memory_space<vmem>> -> memref<80xi32, #tpu.memory_space<vmem>>
      %dma_start3A_337 = arith.constant 0 : i32
      %dma_start3A_338 = arith.constant 0 : i32
      %dma_start3A_339 = tpu.memref_slice %arg12[%dma_start3A_337, %dma_start3A_338] : memref<10112x80xf32, #tpu.memory_space<vmem_shared>> -> memref<10112x80xf32, #tpu.memory_space<vmem_shared>>
      tpu.enqueue_indirect_dma source(%dma_start3A_333 : memref<80x80xf32, #tpu.memory_space<vmem>>) target(%dma_start3A_339 : memref<10112x80xf32, #tpu.memory_space<vmem_shared>>) offsets(%dma_start3A_336 : memref<80xi32, #tpu.memory_space<vmem>>) semaphore(%arg18 : memref<!tpu.dma_semaphore, #tpu.memory_space<semaphore_mem>>) {add = true}
    }
    %scan3A_56 = arith.constant 62 : i32
    %dma_wait3A = arith.constant 124 : i32
    %dma_wait3A_57 = arith.constant 0 : i32
    %dma_wait3A_58 = arith.constant 0 : i32
    %dma_wait3A_59 = arith.constant 0 : i32
    %dma_wait3A_60 = tpu.memref_slice %arg9[%dma_wait3A_57, %dma_wait3A_58, %dma_wait3A_59] : memref<2x80x96xbf16, #tpu.memory_space<vmem>> -> memref<1x40x96xbf16, #tpu.memory_space<vmem>>
    %dma_wait3A_61 = tpu.memref_squeeze %dma_wait3A_60 : memref<1x40x96xbf16, #tpu.memory_space<vmem>> -> memref<40x96xbf16, #tpu.memory_space<vmem>>
    %dma_wait3A_62 = arith.constant 0 : i32
    %dma_wait3A_63 = tpu.memref_slice %arg7[%dma_wait3A, %dma_wait3A_62] : memref<125x80xi32, #tpu.memory_space<vmem>> -> memref<1x40xi32, #tpu.memory_space<vmem>>
    %dma_wait3A_64 = tpu.memref_squeeze %dma_wait3A_63 : memref<1x40xi32, #tpu.memory_space<vmem>> -> memref<40xi32, #tpu.memory_space<vmem>>
    %dma_wait3A_65 = arith.constant 0 : i32
    %dma_wait3A_66 = arith.constant 0 : i32
    %dma_wait3A_67 = tpu.memref_slice %arg2[%dma_wait3A_65, %dma_wait3A_66] : memref<10000x96xbf16, #tpu.memory_space<hbm>> -> memref<10000x96xbf16, #tpu.memory_space<hbm>>
    tpu.wait_indirect_dma semaphore(%arg13 : memref<!tpu.dma_semaphore, #tpu.memory_space<semaphore_mem>>) src(%dma_wait3A_67 : memref<10000x96xbf16, #tpu.memory_space<hbm>>) dst(%dma_wait3A_61 : memref<40x96xbf16, #tpu.memory_space<vmem>>)
    %dma_wait3A_68 = arith.constant 124 : i32
    %dma_wait3A_69 = arith.constant 0 : i32
    %dma_wait3A_70 = arith.constant 40 : i32
    %dma_wait3A_71 = arith.constant 0 : i32
    %dma_wait3A_72 = tpu.memref_slice %arg9[%dma_wait3A_69, %dma_wait3A_70, %dma_wait3A_71] : memref<2x80x96xbf16, #tpu.memory_space<vmem>> -> memref<1x40x96xbf16, #tpu.memory_space<vmem>>
    %dma_wait3A_73 = tpu.memref_squeeze %dma_wait3A_72 : memref<1x40x96xbf16, #tpu.memory_space<vmem>> -> memref<40x96xbf16, #tpu.memory_space<vmem>>
    %dma_wait3A_74 = arith.constant 40 : i32
    %dma_wait3A_75 = tpu.memref_slice %arg7[%dma_wait3A_68, %dma_wait3A_74] : memref<125x80xi32, #tpu.memory_space<vmem>> -> memref<1x40xi32, #tpu.memory_space<vmem>>
    %dma_wait3A_76 = tpu.memref_squeeze %dma_wait3A_75 : memref<1x40xi32, #tpu.memory_space<vmem>> -> memref<40xi32, #tpu.memory_space<vmem>>
    %dma_wait3A_77 = arith.constant 0 : i32
    %dma_wait3A_78 = arith.constant 0 : i32
    %dma_wait3A_79 = tpu.memref_slice %arg2[%dma_wait3A_77, %dma_wait3A_78] : memref<10000x96xbf16, #tpu.memory_space<hbm>> -> memref<10000x96xbf16, #tpu.memory_space<hbm>>
    tpu.wait_indirect_dma semaphore(%arg19 : memref<!tpu.dma_semaphore, #tpu.memory_space<semaphore_mem>>) src(%dma_wait3A_79 : memref<10000x96xbf16, #tpu.memory_space<hbm>>) dst(%dma_wait3A_73 : memref<40x96xbf16, #tpu.memory_space<vmem>>)
    %dma_wait3A_80 = arith.constant 124 : i32
    %dma_wait3A_81 = arith.constant 0 : i32
    %dma_wait3A_82 = arith.constant 0 : i32
    %dma_wait3A_83 = arith.constant 0 : i32
    %dma_wait3A_84 = tpu.memref_slice %arg10[%dma_wait3A_81, %dma_wait3A_82, %dma_wait3A_83] : memref<2x80x32xbf16, #tpu.memory_space<vmem>> -> memref<1x80x32xbf16, #tpu.memory_space<vmem>>
    %dma_wait3A_85 = tpu.memref_squeeze %dma_wait3A_84 : memref<1x80x32xbf16, #tpu.memory_space<vmem>> -> memref<80x32xbf16, #tpu.memory_space<vmem>>
    %dma_wait3A_86 = arith.constant 0 : i32
    %dma_wait3A_87 = tpu.memref_slice %arg8[%dma_wait3A_80, %dma_wait3A_86] : memref<125x80xi32, #tpu.memory_space<vmem>> -> memref<1x80xi32, #tpu.memory_space<vmem>>
    %dma_wait3A_88 = tpu.memref_squeeze %dma_wait3A_87 : memref<1x80xi32, #tpu.memory_space<vmem>> -> memref<80xi32, #tpu.memory_space<vmem>>
    %dma_wait3A_89 = arith.constant 0 : i32
    %dma_wait3A_90 = arith.constant 0 : i32
    %dma_wait3A_91 = tpu.memref_slice %arg3[%dma_wait3A_89, %dma_wait3A_90] : memref<10000x32xbf16, #tpu.memory_space<hbm>> -> memref<10000x32xbf16, #tpu.memory_space<hbm>>
    tpu.wait_indirect_dma semaphore(%arg15 : memref<!tpu.dma_semaphore, #tpu.memory_space<semaphore_mem>>) src(%dma_wait3A_91 : memref<10000x32xbf16, #tpu.memory_space<hbm>>) dst(%dma_wait3A_85 : memref<80x32xbf16, #tpu.memory_space<vmem>>)
    %dma_wait3A_92 = arith.constant 0 : i32
    %dma_wait3A_93 = arith.constant 124 : i32
    %dma_wait3A_94 = arith.constant 0 : i32
    %dma_wait3A_95 = arith.constant 0 : i32
    %dma_wait3A_96 = tpu.memref_slice %arg11[%dma_wait3A_92, %dma_wait3A_94, %dma_wait3A_95] : memref<2x80x80xf32, #tpu.memory_space<vmem>> -> memref<1x80x80xf32, #tpu.memory_space<vmem>>
    %dma_wait3A_97 = tpu.memref_squeeze %dma_wait3A_96 : memref<1x80x80xf32, #tpu.memory_space<vmem>> -> memref<80x80xf32, #tpu.memory_space<vmem>>
    %dma_wait3A_98 = arith.constant 0 : i32
    %dma_wait3A_99 = tpu.memref_slice %arg8[%dma_wait3A_93, %dma_wait3A_98] : memref<125x80xi32, #tpu.memory_space<vmem>> -> memref<1x80xi32, #tpu.memory_space<vmem>>
    %dma_wait3A_100 = tpu.memref_squeeze %dma_wait3A_99 : memref<1x80xi32, #tpu.memory_space<vmem>> -> memref<80xi32, #tpu.memory_space<vmem>>
    %dma_wait3A_101 = arith.constant 0 : i32
    %dma_wait3A_102 = arith.constant 0 : i32
    %dma_wait3A_103 = tpu.memref_slice %arg12[%dma_wait3A_101, %dma_wait3A_102] : memref<10112x80xf32, #tpu.memory_space<vmem_shared>> -> memref<10112x80xf32, #tpu.memory_space<vmem_shared>>
    tpu.wait_indirect_dma semaphore(%arg17 : memref<!tpu.dma_semaphore, #tpu.memory_space<semaphore_mem>>) src(%dma_wait3A_97 : memref<80x80xf32, #tpu.memory_space<vmem>>) dst(%dma_wait3A_103 : memref<10112x80xf32, #tpu.memory_space<vmem_shared>>)
    %parallel_loop3A = arith.constant 0 : i32
    %parallel_loop3A_104 = arith.constant 80 : i32
    %parallel_loop3A_105 = arith.constant 1 : i32
    %parallel_loop3A_106 = arith.constant 0 : i32
    %parallel_loop3A_107 = arith.constant 0 : i32
    %parallel_loop3A_108 = arith.constant 0 : i32
    scf.for %parallel_loop3A_150 = %parallel_loop3A to %parallel_loop3A_104 step %parallel_loop3A_105  : i32 {
      %parallel_loop3A_151 = arith.constant 0 : i32
      %parallel_loop3A_152 = arith.constant 0 : i32
      %parallel_loop3A_153 = tpu.memref_slice %arg9[%parallel_loop3A_106, %parallel_loop3A_151, %parallel_loop3A_152] : memref<2x80x96xbf16, #tpu.memory_space<vmem>> -> memref<1x80x96xbf16, #tpu.memory_space<vmem>>
      %parallel_loop3A_154 = tpu.memref_squeeze %parallel_loop3A_153 : memref<1x80x96xbf16, #tpu.memory_space<vmem>> -> memref<80x96xbf16, #tpu.memory_space<vmem>>
      %parallel_loop3A_155 = arith.index_cast %parallel_loop3A_150 : i32 to index
      %parallel_loop3A_156 = arith.constant 0 : index
      %parallel_loop3A_157 = tpu.vector_load %parallel_loop3A_154[%parallel_loop3A_155, %parallel_loop3A_156] {strides = array<i32>} : memref<80x96xbf16, #tpu.memory_space<vmem>>, vector<32xbf16>,
      %parallel_loop3A_158 = tpu.unpack_subelements %parallel_loop3A_157, 0 {pack_format = #tpu.pack_format<interleaved>} : vector<32xbf16> -> vector<16xf32>
      %parallel_loop3A_159 = tpu.unpack_subelements %parallel_loop3A_157, 1 {pack_format = #tpu.pack_format<interleaved>} : vector<32xbf16> -> vector<16xf32>
      %parallel_loop3A_160 = arith.constant 0 : i32
      %parallel_loop3A_161 = arith.constant 0 : i32
      %parallel_loop3A_162 = tpu.memref_slice %arg9[%parallel_loop3A_106, %parallel_loop3A_160, %parallel_loop3A_161] : memref<2x80x96xbf16, #tpu.memory_space<vmem>> -> memref<1x80x96xbf16, #tpu.memory_space<vmem>>
      %parallel_loop3A_163 = tpu.memref_squeeze %parallel_loop3A_162 : memref<1x80x96xbf16, #tpu.memory_space<vmem>> -> memref<80x96xbf16, #tpu.memory_space<vmem>>
      %parallel_loop3A_164 = arith.index_cast %parallel_loop3A_150 : i32 to index
      %parallel_loop3A_165 = arith.constant 32 : index
      %parallel_loop3A_166 = tpu.vector_load %parallel_loop3A_163[%parallel_loop3A_164, %parallel_loop3A_165] {strides = array<i32>} : memref<80x96xbf16, #tpu.memory_space<vmem>>, vector<32xbf16>,
      %parallel_loop3A_167 = tpu.unpack_subelements %parallel_loop3A_166, 0 {pack_format = #tpu.pack_format<interleaved>} : vector<32xbf16> -> vector<16xf32>
      %parallel_loop3A_168 = tpu.unpack_subelements %parallel_loop3A_166, 1 {pack_format = #tpu.pack_format<interleaved>} : vector<32xbf16> -> vector<16xf32>
      %parallel_loop3A_169 = arith.constant 0 : i32
      %parallel_loop3A_170 = arith.constant 0 : i32
      %parallel_loop3A_171 = tpu.memref_slice %arg9[%parallel_loop3A_106, %parallel_loop3A_169, %parallel_loop3A_170] : memref<2x80x96xbf16, #tpu.memory_space<vmem>> -> memref<1x80x96xbf16, #tpu.memory_space<vmem>>
      %parallel_loop3A_172 = tpu.memref_squeeze %parallel_loop3A_171 : memref<1x80x96xbf16, #tpu.memory_space<vmem>> -> memref<80x96xbf16, #tpu.memory_space<vmem>>
      %parallel_loop3A_173 = arith.index_cast %parallel_loop3A_150 : i32 to index
      %parallel_loop3A_174 = arith.constant 64 : index
      %parallel_loop3A_175 = tpu.vector_load %parallel_loop3A_172[%parallel_loop3A_173, %parallel_loop3A_174] {strides = array<i32>} : memref<80x96xbf16, #tpu.memory_space<vmem>>, vector<32xbf16>,
      %parallel_loop3A_176 = tpu.unpack_subelements %parallel_loop3A_175, 0 {pack_format = #tpu.pack_format<interleaved>} : vector<32xbf16> -> vector<16xf32>
      %parallel_loop3A_177 = tpu.unpack_subelements %parallel_loop3A_175, 1 {pack_format = #tpu.pack_format<interleaved>} : vector<32xbf16> -> vector<16xf32>
      %parallel_loop3A_178 = arith.constant 0 : i32
      %parallel_loop3A_179 = arith.constant 0 : i32
      %parallel_loop3A_180 = tpu.memref_slice %arg10[%parallel_loop3A_107, %parallel_loop3A_178, %parallel_loop3A_179] : memref<2x80x32xbf16, #tpu.memory_space<vmem>> -> memref<1x80x32xbf16, #tpu.memory_space<vmem>>
      %parallel_loop3A_181 = tpu.memref_squeeze %parallel_loop3A_180 : memref<1x80x32xbf16, #tpu.memory_space<vmem>> -> memref<80x32xbf16, #tpu.memory_space<vmem>>
      %parallel_loop3A_182 = arith.index_cast %parallel_loop3A_150 : i32 to index
      %parallel_loop3A_183 = arith.constant 0 : index
      %parallel_loop3A_184 = tpu.vector_load %parallel_loop3A_181[%parallel_loop3A_182, %parallel_loop3A_183] {strides = array<i32>} : memref<80x32xbf16, #tpu.memory_space<vmem>>, vector<32xbf16>,
      %parallel_loop3A_185 = tpu.unpack_subelements %parallel_loop3A_184, 0 {pack_format = #tpu.pack_format<interleaved>} : vector<32xbf16> -> vector<16xf32>
      %parallel_loop3A_186 = tpu.unpack_subelements %parallel_loop3A_184, 1 {pack_format = #tpu.pack_format<interleaved>} : vector<32xbf16> -> vector<16xf32>
      %parallel_loop3A_187 = arith.mulf %parallel_loop3A_176, %parallel_loop3A_185 : vector<16xf32>
      %parallel_loop3A_188 = vector.shape_cast %and3A_14 : vector<16xi32> to vector<16x1xi32>
      %parallel_loop3A_189 = vector.shape_cast %parallel_loop3A_188 : vector<16x1xi32> to vector<16xi32>
      %parallel_loop3A_190 = tpu.dynamic_gather %parallel_loop3A_187[%parallel_loop3A_189] in [0] : vector<16xf32>, vector<16xi32> -> vector<16xf32>
      %parallel_loop3A_191 = arith.maximumf %parallel_loop3A_187, %parallel_loop3A_190 : vector<16xf32>
      %parallel_loop3A_192 = arith.mulf %parallel_loop3A_158, %parallel_loop3A_191 : vector<16xf32>
      %parallel_loop3A_193 = arith.constant 0 : i32
      %parallel_loop3A_194 = arith.constant 0 : i32
      %parallel_loop3A_195 = tpu.memref_slice %arg11[%parallel_loop3A_108, %parallel_loop3A_193, %parallel_loop3A_194] : memref<2x80x80xf32, #tpu.memory_space<vmem>> -> memref<1x80x80xf32, #tpu.memory_space<vmem>>
      %parallel_loop3A_196 = tpu.memref_squeeze %parallel_loop3A_195 : memref<1x80x80xf32, #tpu.memory_space<vmem>> -> memref<80x80xf32, #tpu.memory_space<vmem>>
      %parallel_loop3A_197 = arith.index_cast %parallel_loop3A_150 : i32 to index
      %parallel_loop3A_198 = arith.constant 0 : index
      %parallel_loop3A_199 = tpu.vector_load %parallel_loop3A_196[%parallel_loop3A_197, %parallel_loop3A_198] {strides = array<i32>} : memref<80x80xf32, #tpu.memory_space<vmem>>, vector<16xf32>,
      tpu.vector_store %parallel_loop3A_196[%parallel_loop3A_197, %parallel_loop3A_198], %parallel_loop3A_192 {strides = array<i32>} : memref<80x80xf32, #tpu.memory_space<vmem>>, vector<16xf32>,
      %parallel_loop3A_200 = arith.mulf %parallel_loop3A_159, %parallel_loop3A_191 : vector<16xf32>
      %parallel_loop3A_201 = arith.constant 0 : i32
      %parallel_loop3A_202 = arith.constant 0 : i32
      %parallel_loop3A_203 = tpu.memref_slice %arg11[%parallel_loop3A_108, %parallel_loop3A_201, %parallel_loop3A_202] : memref<2x80x80xf32, #tpu.memory_space<vmem>> -> memref<1x80x80xf32, #tpu.memory_space<vmem>>
      %parallel_loop3A_204 = tpu.memref_squeeze %parallel_loop3A_203 : memref<1x80x80xf32, #tpu.memory_space<vmem>> -> memref<80x80xf32, #tpu.memory_space<vmem>>
      %parallel_loop3A_205 = arith.index_cast %parallel_loop3A_150 : i32 to index
      %parallel_loop3A_206 = arith.constant 16 : index
      %parallel_loop3A_207 = tpu.vector_load %parallel_loop3A_204[%parallel_loop3A_205, %parallel_loop3A_206] {strides = array<i32>} : memref<80x80xf32, #tpu.memory_space<vmem>>, vector<16xf32>,
      tpu.vector_store %parallel_loop3A_204[%parallel_loop3A_205, %parallel_loop3A_206], %parallel_loop3A_200 {strides = array<i32>} : memref<80x80xf32, #tpu.memory_space<vmem>>, vector<16xf32>,
      %parallel_loop3A_208 = arith.mulf %parallel_loop3A_167, %parallel_loop3A_191 : vector<16xf32>
      %parallel_loop3A_209 = arith.constant 0 : i32
      %parallel_loop3A_210 = arith.constant 0 : i32
      %parallel_loop3A_211 = tpu.memref_slice %arg11[%parallel_loop3A_108, %parallel_loop3A_209, %parallel_loop3A_210] : memref<2x80x80xf32, #tpu.memory_space<vmem>> -> memref<1x80x80xf32, #tpu.memory_space<vmem>>
      %parallel_loop3A_212 = tpu.memref_squeeze %parallel_loop3A_211 : memref<1x80x80xf32, #tpu.memory_space<vmem>> -> memref<80x80xf32, #tpu.memory_space<vmem>>
      %parallel_loop3A_213 = arith.index_cast %parallel_loop3A_150 : i32 to index
      %parallel_loop3A_214 = arith.constant 32 : index
      %parallel_loop3A_215 = tpu.vector_load %parallel_loop3A_212[%parallel_loop3A_213, %parallel_loop3A_214] {strides = array<i32>} : memref<80x80xf32, #tpu.memory_space<vmem>>, vector<16xf32>,
      tpu.vector_store %parallel_loop3A_212[%parallel_loop3A_213, %parallel_loop3A_214], %parallel_loop3A_208 {strides = array<i32>} : memref<80x80xf32, #tpu.memory_space<vmem>>, vector<16xf32>,
      %parallel_loop3A_216 = arith.mulf %parallel_loop3A_168, %parallel_loop3A_191 : vector<16xf32>
      %parallel_loop3A_217 = arith.constant 0 : i32
      %parallel_loop3A_218 = arith.constant 0 : i32
      %parallel_loop3A_219 = tpu.memref_slice %arg11[%parallel_loop3A_108, %parallel_loop3A_217, %parallel_loop3A_218] : memref<2x80x80xf32, #tpu.memory_space<vmem>> -> memref<1x80x80xf32, #tpu.memory_space<vmem>>
      %parallel_loop3A_220 = tpu.memref_squeeze %parallel_loop3A_219 : memref<1x80x80xf32, #tpu.memory_space<vmem>> -> memref<80x80xf32, #tpu.memory_space<vmem>>
      %parallel_loop3A_221 = arith.index_cast %parallel_loop3A_150 : i32 to index
      %parallel_loop3A_222 = arith.constant 48 : index
      %parallel_loop3A_223 = tpu.vector_load %parallel_loop3A_220[%parallel_loop3A_221, %parallel_loop3A_222] {strides = array<i32>} : memref<80x80xf32, #tpu.memory_space<vmem>>, vector<16xf32>,
      tpu.vector_store %parallel_loop3A_220[%parallel_loop3A_221, %parallel_loop3A_222], %parallel_loop3A_216 {strides = array<i32>} : memref<80x80xf32, #tpu.memory_space<vmem>>, vector<16xf32>,
      %parallel_loop3A_224 = arith.constant 0 : i32
      %parallel_loop3A_225 = arith.constant 0 : i32
      %parallel_loop3A_226 = tpu.memref_slice %arg11[%parallel_loop3A_108, %parallel_loop3A_224, %parallel_loop3A_225] : memref<2x80x80xf32, #tpu.memory_space<vmem>> -> memref<1x80x80xf32, #tpu.memory_space<vmem>>
      %parallel_loop3A_227 = tpu.memref_squeeze %parallel_loop3A_226 : memref<1x80x80xf32, #tpu.memory_space<vmem>> -> memref<80x80xf32, #tpu.memory_space<vmem>>
      %parallel_loop3A_228 = arith.index_cast %parallel_loop3A_150 : i32 to index
      %parallel_loop3A_229 = arith.constant 64 : index
      %parallel_loop3A_230 = tpu.vector_load %parallel_loop3A_227[%parallel_loop3A_228, %parallel_loop3A_229] {strides = array<i32>} : memref<80x80xf32, #tpu.memory_space<vmem>>, vector<16xf32>,
      tpu.vector_store %parallel_loop3A_227[%parallel_loop3A_228, %parallel_loop3A_229], %parallel_loop3A_191 {strides = array<i32>} : memref<80x80xf32, #tpu.memory_space<vmem>>, vector<16xf32>,
    } {sc.loop_unroll_factor = 4 : i64, sc.parallel_access}
    %dma_start3A_109 = arith.constant 0 : i32
    %dma_start3A_110 = arith.constant 124 : i32
    %dma_start3A_111 = arith.constant 0 : i32
    %dma_start3A_112 = arith.constant 0 : i32
    %dma_start3A_113 = tpu.memref_slice %arg11[%dma_start3A_109, %dma_start3A_111, %dma_start3A_112] : memref<2x80x80xf32, #tpu.memory_space<vmem>> -> memref<1x80x80xf32, #tpu.memory_space<vmem>>
    %dma_start3A_114 = tpu.memref_squeeze %dma_start3A_113 : memref<1x80x80xf32, #tpu.memory_space<vmem>> -> memref<80x80xf32, #tpu.memory_space<vmem>>
    %dma_start3A_115 = arith.constant 0 : i32
    %dma_start3A_116 = tpu.memref_slice %arg8[%dma_start3A_110, %dma_start3A_115] : memref<125x80xi32, #tpu.memory_space<vmem>> -> memref<1x80xi32, #tpu.memory_space<vmem>>
    %dma_start3A_117 = tpu.memref_squeeze %dma_start3A_116 : memref<1x80xi32, #tpu.memory_space<vmem>> -> memref<80xi32, #tpu.memory_space<vmem>>
    %dma_start3A_118 = arith.constant 0 : i32
    %dma_start3A_119 = arith.constant 0 : i32
    %dma_start3A_120 = tpu.memref_slice %arg12[%dma_start3A_118, %dma_start3A_119] : memref<10112x80xf32, #tpu.memory_space<vmem_shared>> -> memref<10112x80xf32, #tpu.memory_space<vmem_shared>>
    tpu.enqueue_indirect_dma source(%dma_start3A_114 : memref<80x80xf32, #tpu.memory_space<vmem>>) target(%dma_start3A_120 : memref<10112x80xf32, #tpu.memory_space<vmem_shared>>) offsets(%dma_start3A_117 : memref<80xi32, #tpu.memory_space<vmem>>) semaphore(%arg17 : memref<!tpu.dma_semaphore, #tpu.memory_space<semaphore_mem>>) {add = true}
    %dma_wait3A_121 = arith.constant 0 : i32
    %dma_wait3A_122 = arith.constant 124 : i32
    %dma_wait3A_123 = arith.constant 0 : i32
    %dma_wait3A_124 = arith.constant 0 : i32
    %dma_wait3A_125 = tpu.memref_slice %arg11[%dma_wait3A_121, %dma_wait3A_123, %dma_wait3A_124] : memref<2x80x80xf32, #tpu.memory_space<vmem>> -> memref<1x80x80xf32, #tpu.memory_space<vmem>>
    %dma_wait3A_126 = tpu.memref_squeeze %dma_wait3A_125 : memref<1x80x80xf32, #tpu.memory_space<vmem>> -> memref<80x80xf32, #tpu.memory_space<vmem>>
    %dma_wait3A_127 = arith.constant 0 : i32
    %dma_wait3A_128 = tpu.memref_slice %arg8[%dma_wait3A_122, %dma_wait3A_127] : memref<125x80xi32, #tpu.memory_space<vmem>> -> memref<1x80xi32, #tpu.memory_space<vmem>>
    %dma_wait3A_129 = tpu.memref_squeeze %dma_wait3A_128 : memref<1x80xi32, #tpu.memory_space<vmem>> -> memref<80xi32, #tpu.memory_space<vmem>>
    %dma_wait3A_130 = arith.constant 0 : i32
    %dma_wait3A_131 = arith.constant 0 : i32
    %dma_wait3A_132 = tpu.memref_slice %arg12[%dma_wait3A_130, %dma_wait3A_131] : memref<10112x80xf32, #tpu.memory_space<vmem_shared>> -> memref<10112x80xf32, #tpu.memory_space<vmem_shared>>
    tpu.wait_indirect_dma semaphore(%arg17 : memref<!tpu.dma_semaphore, #tpu.memory_space<semaphore_mem>>) src(%dma_wait3A_126 : memref<80x80xf32, #tpu.memory_space<vmem>>) dst(%dma_wait3A_132 : memref<10112x80xf32, #tpu.memory_space<vmem_shared>>)
    %dma_wait3A_133 = arith.constant 1 : i32
    %dma_wait3A_134 = arith.constant 123 : i32
    %dma_wait3A_135 = arith.constant 0 : i32
    %dma_wait3A_136 = arith.constant 0 : i32
    %dma_wait3A_137 = tpu.memref_slice %arg11[%dma_wait3A_133, %dma_wait3A_135, %dma_wait3A_136] : memref<2x80x80xf32, #tpu.memory_space<vmem>> -> memref<1x80x80xf32, #tpu.memory_space<vmem>>
    %dma_wait3A_138 = tpu.memref_squeeze %dma_wait3A_137 : memref<1x80x80xf32, #tpu.memory_space<vmem>> -> memref<80x80xf32, #tpu.memory_space<vmem>>
    %dma_wait3A_139 = arith.constant 0 : i32
    %dma_wait3A_140 = tpu.memref_slice %arg8[%dma_wait3A_134, %dma_wait3A_139] : memref<125x80xi32, #tpu.memory_space<vmem>> -> memref<1x80xi32, #tpu.memory_space<vmem>>
    %dma_wait3A_141 = tpu.memref_squeeze %dma_wait3A_140 : memref<1x80xi32, #tpu.memory_space<vmem>> -> memref<80xi32, #tpu.memory_space<vmem>>
    %dma_wait3A_142 = arith.constant 0 : i32
    %dma_wait3A_143 = arith.constant 0 : i32
    %dma_wait3A_144 = tpu.memref_slice %arg12[%dma_wait3A_142, %dma_wait3A_143] : memref<10112x80xf32, #tpu.memory_space<vmem_shared>> -> memref<10112x80xf32, #tpu.memory_space<vmem_shared>>
    tpu.wait_indirect_dma semaphore(%arg18 : memref<!tpu.dma_semaphore, #tpu.memory_space<semaphore_mem>>) src(%dma_wait3A_138 : memref<80x80xf32, #tpu.memory_space<vmem>>) dst(%dma_wait3A_144 : memref<10112x80xf32, #tpu.memory_space<vmem_shared>>)
    %barrier3A_145 = arith.constant 0 : index
    tpu.barrier barrier_id(%barrier3A_145)
    %mul3A_146 = arith.constant 632 : i32
    %mul3A_147 = arith.muli %arg1, %mul3A_146 : i32
    %mul3A_148 = arith.constant 632 : i32
    %mul3A_149 = arith.muli %arg1, %mul3A_148 : i32
    "tpu.region"() ({
      %run_scoped3A_150 = tpu.sem_alloc : memref<!tpu.dma_semaphore, #tpu.memory_space<semaphore_mem>>
      %dma_start3A_151 = arith.constant 0 : i32
      %dma_start3A_152 = tpu.memref_slice %arg6[%arg0, %mul3A_149, %dma_start3A_151] : memref<2x10112x128xf32, #tpu.memory_space<hbm>> -> memref<1x632x80xf32, #tpu.memory_space<hbm>>
      %dma_start3A_153 = tpu.memref_squeeze %dma_start3A_152 : memref<1x632x80xf32, #tpu.memory_space<hbm>> -> memref<632x80xf32, #tpu.memory_space<hbm>>
      %dma_start3A_154 = arith.constant 0 : i32
      %dma_start3A_155 = tpu.memref_slice %arg12[%mul3A_147, %dma_start3A_154] : memref<10112x80xf32, #tpu.memory_space<vmem_shared>> -> memref<632x80xf32, #tpu.memory_space<vmem_shared>>
      tpu.enqueue_dma source(%dma_start3A_155 : memref<632x80xf32, #tpu.memory_space<vmem_shared>>) target(%dma_start3A_153 : memref<632x80xf32, #tpu.memory_space<hbm>>) target_semaphore(%run_scoped3A_150 : memref<!tpu.dma_semaphore, #tpu.memory_space<semaphore_mem>>)
      %dma_wait3A_156 = arith.constant 0 : i32
      %dma_wait3A_157 = tpu.memref_slice %arg6[%arg0, %mul3A_149, %dma_wait3A_156] : memref<2x10112x128xf32, #tpu.memory_space<hbm>> -> memref<1x632x80xf32, #tpu.memory_space<hbm>>
      %dma_wait3A_158 = tpu.memref_squeeze %dma_wait3A_157 : memref<1x632x80xf32, #tpu.memory_space<hbm>> -> memref<632x80xf32, #tpu.memory_space<hbm>>
      %dma_wait3A_159 = arith.constant 0 : i32
      %dma_wait3A_160 = tpu.memref_slice %arg12[%mul3A_147, %dma_wait3A_159] : memref<10112x80xf32, #tpu.memory_space<vmem_shared>> -> memref<632x80xf32, #tpu.memory_space<vmem_shared>>
      tpu.wait_dma2 semaphore(%run_scoped3A_150 : memref<!tpu.dma_semaphore, #tpu.memory_space<semaphore_mem>>) src(%dma_wait3A_160 : memref<632x80xf32, #tpu.memory_space<vmem_shared>>) dst(%dma_wait3A_158 : memref<632x80xf32, #tpu.memory_space<hbm>>)
      tpu.yield
    }) : () -> ()
    return
  }
}

#map = affine_map<(d0, d1) -> (0, 0)>
#map1 = affine_map<(d0, d1) -> (0, 0, 0)>
module attributes {stable_mosaic.version = 14 : i64} {
  func.func @k(%arg0: i32, %arg1: i32, %arg2: memref<10000x64xbf16, #tpu.memory_space<hbm>>, %arg3: memref<10000x32xbf16, #tpu.memory_space<hbm>>, %arg4: memref<2x4000x80xi32, #tpu.memory_space<hbm>>, %arg5: memref<10112x48xf32, #tpu.memory_space<hbm>>, %arg6: memref<2x10112x128xf32, #tpu.memory_space<hbm>>, %arg7: memref<125x80xi32, #tpu.memory_space<vmem>>, %arg8: memref<125x80xi32, #tpu.memory_space<vmem>>, %arg9: memref<2x80x64xbf16, #tpu.memory_space<vmem>>, %arg10: memref<2x80x32xbf16, #tpu.memory_space<vmem>>, %arg11: memref<2x80x48xf32, #tpu.memory_space<vmem>>, %arg12: memref<10112x48xf32, #tpu.memory_space<vmem_shared>>, %arg13: memref<!tpu.dma_semaphore, #tpu.memory_space<semaphore_mem>>, %arg14: memref<!tpu.dma_semaphore, #tpu.memory_space<semaphore_mem>>, %arg15: memref<!tpu.dma_semaphore, #tpu.memory_space<semaphore_mem>>, %arg16: memref<!tpu.dma_semaphore, #tpu.memory_space<semaphore_mem>>, %arg17: memref<!tpu.dma_semaphore, #tpu.memory_space<semaphore_mem>>, %arg18: memref<!tpu.dma_semaphore, #tpu.memory_space<semaphore_mem>>, %arg19: memref<!tpu.dma_semaphore, #tpu.memory_space<semaphore_mem>>, %arg20: memref<!tpu.dma_semaphore, #tpu.memory_space<semaphore_mem>>) attributes {dimension_semantics = [#tpu.dimension_semantics<core_parallel>, #tpu.dimension_semantics<subcore_parallel>], iteration_bounds = array<i64: 2, 16>, scalar_prefetch = 0 : i64, scratch_operands = 14 : i64, tpu.core_type = #tpu.core_type<sc_vector_subcore>, window_params = [{transform_indices = #map}, {transform_indices = #map}, {transform_indices = #map1}, {transform_indices = #map}, {transform_indices = #map1}]} {
    %mul3A = arith.constant 16 : i32
    %mul3A_0 = arith.muli %arg0, %mul3A : i32
    %add3A = arith.addi %mul3A_0, %arg1 : i32
    %mul3A_1 = arith.constant 632 : i32
    %mul3A_2 = arith.muli %arg1, %mul3A_1 : i32
    %mul3A_3 = arith.constant 632 : i32
    %mul3A_4 = arith.muli %arg1, %mul3A_3 : i32
    "tpu.region"() ({
      %run_scoped3A_150 = tpu.sem_alloc : memref<!tpu.dma_semaphore, #tpu.memory_space<semaphore_mem>>
      %dma_start3A_151 = arith.constant 0 : i32
      %dma_start3A_152 = tpu.memref_slice %arg12[%mul3A_4, %dma_start3A_151] : memref<10112x48xf32, #tpu.memory_space<vmem_shared>> -> memref<632x48xf32, #tpu.memory_space<vmem_shared>>
      %dma_start3A_153 = arith.constant 0 : i32
      %dma_start3A_154 = tpu.memref_slice %arg5[%mul3A_2, %dma_start3A_153] : memref<10112x48xf32, #tpu.memory_space<hbm>> -> memref<632x48xf32, #tpu.memory_space<hbm>>
      tpu.enqueue_dma source(%dma_start3A_154 : memref<632x48xf32, #tpu.memory_space<hbm>>) target(%dma_start3A_152 : memref<632x48xf32, #tpu.memory_space<vmem_shared>>) target_semaphore(%run_scoped3A_150 : memref<!tpu.dma_semaphore, #tpu.memory_space<semaphore_mem>>)
      %dma_wait3A_155 = arith.constant 0 : i32
      %dma_wait3A_156 = tpu.memref_slice %arg12[%mul3A_4, %dma_wait3A_155] : memref<10112x48xf32, #tpu.memory_space<vmem_shared>> -> memref<632x48xf32, #tpu.memory_space<vmem_shared>>
      %dma_wait3A_157 = arith.constant 0 : i32
      %dma_wait3A_158 = tpu.memref_slice %arg5[%mul3A_2, %dma_wait3A_157] : memref<10112x48xf32, #tpu.memory_space<hbm>> -> memref<632x48xf32, #tpu.memory_space<hbm>>
      tpu.wait_dma2 semaphore(%run_scoped3A_150 : memref<!tpu.dma_semaphore, #tpu.memory_space<semaphore_mem>>) src(%dma_wait3A_158 : memref<632x48xf32, #tpu.memory_space<hbm>>) dst(%dma_wait3A_156 : memref<632x48xf32, #tpu.memory_space<vmem_shared>>)
      tpu.yield
    }) : () -> ()
    %mul3A_5 = arith.constant 125 : i32
    %mul3A_6 = arith.muli %add3A, %mul3A_5 : i32
    %run_scoped3A = arith.constant 0 : i32
    "tpu.region"() ({
      %run_scoped3A_150 = tpu.sem_alloc : memref<!tpu.dma_semaphore, #tpu.memory_space<semaphore_mem>>
      %dma_start3A_151 = arith.constant 0 : i32
      %dma_start3A_152 = tpu.memref_slice %arg4[%run_scoped3A, %mul3A_6, %dma_start3A_151] : memref<2x4000x80xi32, #tpu.memory_space<hbm>> -> memref<1x125x80xi32, #tpu.memory_space<hbm>>
      %dma_start3A_153 = tpu.memref_squeeze %dma_start3A_152 : memref<1x125x80xi32, #tpu.memory_space<hbm>> -> memref<125x80xi32, #tpu.memory_space<hbm>>
      %dma_start3A_154 = arith.constant 0 : i32
      %dma_start3A_155 = tpu.memref_slice %arg4[%run_scoped3A, %mul3A_6, %dma_start3A_154] : memref<2x4000x80xi32, #tpu.memory_space<hbm>> -> memref<1x125x80xi32, #tpu.memory_space<hbm>>
      %dma_start3A_156 = tpu.memref_squeeze %dma_start3A_155 : memref<1x125x80xi32, #tpu.memory_space<hbm>> -> memref<125x80xi32, #tpu.memory_space<hbm>>
      tpu.enqueue_dma source(%dma_start3A_156 : memref<125x80xi32, #tpu.memory_space<hbm>>) target(%arg7 : memref<125x80xi32, #tpu.memory_space<vmem>>) target_semaphore(%run_scoped3A_150 : memref<!tpu.dma_semaphore, #tpu.memory_space<semaphore_mem>>)
      %dma_wait3A_157 = arith.constant 0 : i32
      %dma_wait3A_158 = tpu.memref_slice %arg4[%run_scoped3A, %mul3A_6, %dma_wait3A_157] : memref<2x4000x80xi32, #tpu.memory_space<hbm>> -> memref<1x125x80xi32, #tpu.memory_space<hbm>>
      %dma_wait3A_159 = tpu.memref_squeeze %dma_wait3A_158 : memref<1x125x80xi32, #tpu.memory_space<hbm>> -> memref<125x80xi32, #tpu.memory_space<hbm>>
      %dma_wait3A_160 = arith.constant 0 : i32
      %dma_wait3A_161 = tpu.memref_slice %arg4[%run_scoped3A, %mul3A_6, %dma_wait3A_160] : memref<2x4000x80xi32, #tpu.memory_space<hbm>> -> memref<1x125x80xi32, #tpu.memory_space<hbm>>
      %dma_wait3A_162 = tpu.memref_squeeze %dma_wait3A_161 : memref<1x125x80xi32, #tpu.memory_space<hbm>> -> memref<125x80xi32, #tpu.memory_space<hbm>>
      tpu.wait_dma2 semaphore(%run_scoped3A_150 : memref<!tpu.dma_semaphore, #tpu.memory_space<semaphore_mem>>) src(%dma_wait3A_162 : memref<125x80xi32, #tpu.memory_space<hbm>>) dst(%arg7 : memref<125x80xi32, #tpu.memory_space<vmem>>)
      tpu.yield
    }) : () -> ()
    %mul3A_7 = arith.constant 125 : i32
    %mul3A_8 = arith.muli %add3A, %mul3A_7 : i32
    %run_scoped3A_9 = arith.constant 1 : i32
    "tpu.region"() ({
      %run_scoped3A_150 = tpu.sem_alloc : memref<!tpu.dma_semaphore, #tpu.memory_space<semaphore_mem>>
      %dma_start3A_151 = arith.constant 0 : i32
      %dma_start3A_152 = tpu.memref_slice %arg4[%run_scoped3A_9, %mul3A_8, %dma_start3A_151] : memref<2x4000x80xi32, #tpu.memory_space<hbm>> -> memref<1x125x80xi32, #tpu.memory_space<hbm>>
      %dma_start3A_153 = tpu.memref_squeeze %dma_start3A_152 : memref<1x125x80xi32, #tpu.memory_space<hbm>> -> memref<125x80xi32, #tpu.memory_space<hbm>>
      %dma_start3A_154 = arith.constant 0 : i32
      %dma_start3A_155 = tpu.memref_slice %arg4[%run_scoped3A_9, %mul3A_8, %dma_start3A_154] : memref<2x4000x80xi32, #tpu.memory_space<hbm>> -> memref<1x125x80xi32, #tpu.memory_space<hbm>>
      %dma_start3A_156 = tpu.memref_squeeze %dma_start3A_155 : memref<1x125x80xi32, #tpu.memory_space<hbm>> -> memref<125x80xi32, #tpu.memory_space<hbm>>
      tpu.enqueue_dma source(%dma_start3A_156 : memref<125x80xi32, #tpu.memory_space<hbm>>) target(%arg8 : memref<125x80xi32, #tpu.memory_space<vmem>>) target_semaphore(%run_scoped3A_150 : memref<!tpu.dma_semaphore, #tpu.memory_space<semaphore_mem>>)
      %dma_wait3A_157 = arith.constant 0 : i32
      %dma_wait3A_158 = tpu.memref_slice %arg4[%run_scoped3A_9, %mul3A_8, %dma_wait3A_157] : memref<2x4000x80xi32, #tpu.memory_space<hbm>> -> memref<1x125x80xi32, #tpu.memory_space<hbm>>
      %dma_wait3A_159 = tpu.memref_squeeze %dma_wait3A_158 : memref<1x125x80xi32, #tpu.memory_space<hbm>> -> memref<125x80xi32, #tpu.memory_space<hbm>>
      %dma_wait3A_160 = arith.constant 0 : i32
      %dma_wait3A_161 = tpu.memref_slice %arg4[%run_scoped3A_9, %mul3A_8, %dma_wait3A_160] : memref<2x4000x80xi32, #tpu.memory_space<hbm>> -> memref<1x125x80xi32, #tpu.memory_space<hbm>>
      %dma_wait3A_162 = tpu.memref_squeeze %dma_wait3A_161 : memref<1x125x80xi32, #tpu.memory_space<hbm>> -> memref<125x80xi32, #tpu.memory_space<hbm>>
      tpu.wait_dma2 semaphore(%run_scoped3A_150 : memref<!tpu.dma_semaphore, #tpu.memory_space<semaphore_mem>>) src(%dma_wait3A_162 : memref<125x80xi32, #tpu.memory_space<hbm>>) dst(%arg8 : memref<125x80xi32, #tpu.memory_space<vmem>>)
      tpu.yield
    }) : () -> ()
    %barrier3A = arith.constant 0 : index
    tpu.barrier barrier_id(%barrier3A)
    %iota3A = tpu.iota {dimensions = array<i32: 0>} : vector<16xi32>
    %add3A_10 = arith.constant 8 : i32
    %add3A_11 = vector.broadcast %add3A_10 : i32 to vector<16xi32>
    %add3A_12 = arith.addi %iota3A, %add3A_11 : vector<16xi32>
    %and3A = arith.constant 15 : i32
    %and3A_13 = vector.broadcast %and3A : i32 to vector<16xi32>
    %and3A_14 = arith.andi %add3A_12, %and3A_13 : vector<16xi32>
    %broadcast_in_dim3A = arith.constant 9 : i32
    %broadcast_in_dim3A_15 = vector.broadcast %broadcast_in_dim3A : i32 to vector<16xi32>
    %broadcast_in_dim3A_16 = arith.constant 0 : i32
    %broadcast_in_dim3A_17 = vector.broadcast %broadcast_in_dim3A_16 : i32 to vector<16xi32>
    %dma_start3A = arith.constant 0 : i32
    %dma_start3A_18 = arith.constant 0 : i32
    %dma_start3A_19 = arith.constant 0 : i32
    %dma_start3A_20 = arith.constant 0 : i32
    %dma_start3A_21 = tpu.memref_slice %arg9[%dma_start3A_18, %dma_start3A_19, %dma_start3A_20] : memref<2x80x64xbf16, #tpu.memory_space<vmem>> -> memref<1x40x64xbf16, #tpu.memory_space<vmem>>
    %dma_start3A_22 = tpu.memref_squeeze %dma_start3A_21 : memref<1x40x64xbf16, #tpu.memory_space<vmem>> -> memref<40x64xbf16, #tpu.memory_space<vmem>>
    %dma_start3A_23 = arith.constant 0 : i32
    %dma_start3A_24 = tpu.memref_slice %arg7[%dma_start3A, %dma_start3A_23] : memref<125x80xi32, #tpu.memory_space<vmem>> -> memref<1x40xi32, #tpu.memory_space<vmem>>
    %dma_start3A_25 = tpu.memref_squeeze %dma_start3A_24 : memref<1x40xi32, #tpu.memory_space<vmem>> -> memref<40xi32, #tpu.memory_space<vmem>>
    %dma_start3A_26 = arith.constant 0 : i32
    %dma_start3A_27 = arith.constant 0 : i32
    %dma_start3A_28 = tpu.memref_slice %arg2[%dma_start3A_26, %dma_start3A_27] : memref<10000x64xbf16, #tpu.memory_space<hbm>> -> memref<10000x64xbf16, #tpu.memory_space<hbm>>
    tpu.enqueue_indirect_dma source(%dma_start3A_28 : memref<10000x64xbf16, #tpu.memory_space<hbm>>) target(%dma_start3A_22 : memref<40x64xbf16, #tpu.memory_space<vmem>>) offsets(%dma_start3A_25 : memref<40xi32, #tpu.memory_space<vmem>>) semaphore(%arg13 : memref<!tpu.dma_semaphore, #tpu.memory_space<semaphore_mem>>)
    %dma_start3A_29 = arith.constant 0 : i32
    %dma_start3A_30 = arith.constant 0 : i32
    %dma_start3A_31 = arith.constant 40 : i32
    %dma_start3A_32 = arith.constant 0 : i32
    %dma_start3A_33 = tpu.memref_slice %arg9[%dma_start3A_30, %dma_start3A_31, %dma_start3A_32] : memref<2x80x64xbf16, #tpu.memory_space<vmem>> -> memref<1x40x64xbf16, #tpu.memory_space<vmem>>
    %dma_start3A_34 = tpu.memref_squeeze %dma_start3A_33 : memref<1x40x64xbf16, #tpu.memory_space<vmem>> -> memref<40x64xbf16, #tpu.memory_space<vmem>>
    %dma_start3A_35 = arith.constant 40 : i32
    %dma_start3A_36 = tpu.memref_slice %arg7[%dma_start3A_29, %dma_start3A_35] : memref<125x80xi32, #tpu.memory_space<vmem>> -> memref<1x40xi32, #tpu.memory_space<vmem>>
    %dma_start3A_37 = tpu.memref_squeeze %dma_start3A_36 : memref<1x40xi32, #tpu.memory_space<vmem>> -> memref<40xi32, #tpu.memory_space<vmem>>
    %dma_start3A_38 = arith.constant 0 : i32
    %dma_start3A_39 = arith.constant 0 : i32
    %dma_start3A_40 = tpu.memref_slice %arg2[%dma_start3A_38, %dma_start3A_39] : memref<10000x64xbf16, #tpu.memory_space<hbm>> -> memref<10000x64xbf16, #tpu.memory_space<hbm>>
    tpu.enqueue_indirect_dma source(%dma_start3A_40 : memref<10000x64xbf16, #tpu.memory_space<hbm>>) target(%dma_start3A_34 : memref<40x64xbf16, #tpu.memory_space<vmem>>) offsets(%dma_start3A_37 : memref<40xi32, #tpu.memory_space<vmem>>) semaphore(%arg19 : memref<!tpu.dma_semaphore, #tpu.memory_space<semaphore_mem>>)
    %dma_start3A_41 = arith.constant 0 : i32
    %dma_start3A_42 = arith.constant 0 : i32
    %dma_start3A_43 = arith.constant 0 : i32
    %dma_start3A_44 = arith.constant 0 : i32
    %dma_start3A_45 = tpu.memref_slice %arg10[%dma_start3A_42, %dma_start3A_43, %dma_start3A_44] : memref<2x80x32xbf16, #tpu.memory_space<vmem>> -> memref<1x80x32xbf16, #tpu.memory_space<vmem>>
    %dma_start3A_46 = tpu.memref_squeeze %dma_start3A_45 : memref<1x80x32xbf16, #tpu.memory_space<vmem>> -> memref<80x32xbf16, #tpu.memory_space<vmem>>
    %dma_start3A_47 = arith.constant 0 : i32
    %dma_start3A_48 = tpu.memref_slice %arg8[%dma_start3A_41, %dma_start3A_47] : memref<125x80xi32, #tpu.memory_space<vmem>> -> memref<1x80xi32, #tpu.memory_space<vmem>>
    %dma_start3A_49 = tpu.memref_squeeze %dma_start3A_48 : memref<1x80xi32, #tpu.memory_space<vmem>> -> memref<80xi32, #tpu.memory_space<vmem>>
    %dma_start3A_50 = arith.constant 0 : i32
    %dma_start3A_51 = arith.constant 0 : i32
    %dma_start3A_52 = tpu.memref_slice %arg3[%dma_start3A_50, %dma_start3A_51] : memref<10000x32xbf16, #tpu.memory_space<hbm>> -> memref<10000x32xbf16, #tpu.memory_space<hbm>>
    tpu.enqueue_indirect_dma source(%dma_start3A_52 : memref<10000x32xbf16, #tpu.memory_space<hbm>>) target(%dma_start3A_46 : memref<80x32xbf16, #tpu.memory_space<vmem>>) offsets(%dma_start3A_49 : memref<80xi32, #tpu.memory_space<vmem>>) semaphore(%arg15 : memref<!tpu.dma_semaphore, #tpu.memory_space<semaphore_mem>>)
    %scan3A = arith.constant 0 : i32
    %scan3A_53 = arith.constant 62 : i32
    %scan3A_54 = arith.addi %scan3A, %scan3A_53 : i32
    %scan3A_55 = arith.constant 1 : i32
    scf.for %scan3A_150 = %scan3A to %scan3A_54 step %scan3A_55  : i32 {
      %mul3A_151 = arith.constant 1 : i32
      %mul3A_152 = arith.muli %scan3A_150, %mul3A_151 : i32
      %add3A_153 = arith.constant 0 : i32
      %add3A_154 = arith.addi %add3A_153, %mul3A_152 : i32
      %mul3A_155 = arith.constant 2 : i32
      %mul3A_156 = arith.muli %mul3A_155, %add3A_154 : i32
      %add3A_157 = arith.constant 0 : i32
      %add3A_158 = arith.addi %mul3A_156, %add3A_157 : i32
      %dma_wait3A_159 = arith.constant 0 : i32
      %dma_wait3A_160 = arith.constant 0 : i32
      %dma_wait3A_161 = arith.constant 0 : i32
      %dma_wait3A_162 = tpu.memref_slice %arg9[%dma_wait3A_159, %dma_wait3A_160, %dma_wait3A_161] : memref<2x80x64xbf16, #tpu.memory_space<vmem>> -> memref<1x40x64xbf16, #tpu.memory_space<vmem>>
      %dma_wait3A_163 = tpu.memref_squeeze %dma_wait3A_162 : memref<1x40x64xbf16, #tpu.memory_space<vmem>> -> memref<40x64xbf16, #tpu.memory_space<vmem>>
      %dma_wait3A_164 = arith.constant 0 : i32
      %dma_wait3A_165 = tpu.memref_slice %arg7[%add3A_158, %dma_wait3A_164] : memref<125x80xi32, #tpu.memory_space<vmem>> -> memref<1x40xi32, #tpu.memory_space<vmem>>
      %dma_wait3A_166 = tpu.memref_squeeze %dma_wait3A_165 : memref<1x40xi32, #tpu.memory_space<vmem>> -> memref<40xi32, #tpu.memory_space<vmem>>
      %dma_wait3A_167 = arith.constant 0 : i32
      %dma_wait3A_168 = arith.constant 0 : i32
      %dma_wait3A_169 = tpu.memref_slice %arg2[%dma_wait3A_167, %dma_wait3A_168] : memref<10000x64xbf16, #tpu.memory_space<hbm>> -> memref<10000x64xbf16, #tpu.memory_space<hbm>>
      tpu.wait_indirect_dma semaphore(%arg13 : memref<!tpu.dma_semaphore, #tpu.memory_space<semaphore_mem>>) src(%dma_wait3A_169 : memref<10000x64xbf16, #tpu.memory_space<hbm>>) dst(%dma_wait3A_163 : memref<40x64xbf16, #tpu.memory_space<vmem>>)
      %dma_wait3A_170 = arith.constant 0 : i32
      %dma_wait3A_171 = arith.constant 40 : i32
      %dma_wait3A_172 = arith.constant 0 : i32
      %dma_wait3A_173 = tpu.memref_slice %arg9[%dma_wait3A_170, %dma_wait3A_171, %dma_wait3A_172] : memref<2x80x64xbf16, #tpu.memory_space<vmem>> -> memref<1x40x64xbf16, #tpu.memory_space<vmem>>
      %dma_wait3A_174 = tpu.memref_squeeze %dma_wait3A_173 : memref<1x40x64xbf16, #tpu.memory_space<vmem>> -> memref<40x64xbf16, #tpu.memory_space<vmem>>
      %dma_wait3A_175 = arith.constant 40 : i32
      %dma_wait3A_176 = tpu.memref_slice %arg7[%add3A_158, %dma_wait3A_175] : memref<125x80xi32, #tpu.memory_space<vmem>> -> memref<1x40xi32, #tpu.memory_space<vmem>>
      %dma_wait3A_177 = tpu.memref_squeeze %dma_wait3A_176 : memref<1x40xi32, #tpu.memory_space<vmem>> -> memref<40xi32, #tpu.memory_space<vmem>>
      %dma_wait3A_178 = arith.constant 0 : i32
      %dma_wait3A_179 = arith.constant 0 : i32
      %dma_wait3A_180 = tpu.memref_slice %arg2[%dma_wait3A_178, %dma_wait3A_179] : memref<10000x64xbf16, #tpu.memory_space<hbm>> -> memref<10000x64xbf16, #tpu.memory_space<hbm>>
      tpu.wait_indirect_dma semaphore(%arg19 : memref<!tpu.dma_semaphore, #tpu.memory_space<semaphore_mem>>) src(%dma_wait3A_180 : memref<10000x64xbf16, #tpu.memory_space<hbm>>) dst(%dma_wait3A_174 : memref<40x64xbf16, #tpu.memory_space<vmem>>)
      %dma_wait3A_181 = arith.constant 0 : i32
      %dma_wait3A_182 = arith.constant 0 : i32
      %dma_wait3A_183 = arith.constant 0 : i32
      %dma_wait3A_184 = tpu.memref_slice %arg10[%dma_wait3A_181, %dma_wait3A_182, %dma_wait3A_183] : memref<2x80x32xbf16, #tpu.memory_space<vmem>> -> memref<1x80x32xbf16, #tpu.memory_space<vmem>>
      %dma_wait3A_185 = tpu.memref_squeeze %dma_wait3A_184 : memref<1x80x32xbf16, #tpu.memory_space<vmem>> -> memref<80x32xbf16, #tpu.memory_space<vmem>>
      %dma_wait3A_186 = arith.constant 0 : i32
      %dma_wait3A_187 = tpu.memref_slice %arg8[%add3A_158, %dma_wait3A_186] : memref<125x80xi32, #tpu.memory_space<vmem>> -> memref<1x80xi32, #tpu.memory_space<vmem>>
      %dma_wait3A_188 = tpu.memref_squeeze %dma_wait3A_187 : memref<1x80xi32, #tpu.memory_space<vmem>> -> memref<80xi32, #tpu.memory_space<vmem>>
      %dma_wait3A_189 = arith.constant 0 : i32
      %dma_wait3A_190 = arith.constant 0 : i32
      %dma_wait3A_191 = tpu.memref_slice %arg3[%dma_wait3A_189, %dma_wait3A_190] : memref<10000x32xbf16, #tpu.memory_space<hbm>> -> memref<10000x32xbf16, #tpu.memory_space<hbm>>
      tpu.wait_indirect_dma semaphore(%arg15 : memref<!tpu.dma_semaphore, #tpu.memory_space<semaphore_mem>>) src(%dma_wait3A_191 : memref<10000x32xbf16, #tpu.memory_space<hbm>>) dst(%dma_wait3A_185 : memref<80x32xbf16, #tpu.memory_space<vmem>>)
      %add3A_192 = arith.constant 1 : i32
      %add3A_193 = arith.addi %add3A_158, %add3A_192 : i32
      %dma_start3A_194 = arith.constant 1 : i32
      %dma_start3A_195 = arith.constant 0 : i32
      %dma_start3A_196 = arith.constant 0 : i32
      %dma_start3A_197 = tpu.memref_slice %arg9[%dma_start3A_194, %dma_start3A_195, %dma_start3A_196] : memref<2x80x64xbf16, #tpu.memory_space<vmem>> -> memref<1x40x64xbf16, #tpu.memory_space<vmem>>
      %dma_start3A_198 = tpu.memref_squeeze %dma_start3A_197 : memref<1x40x64xbf16, #tpu.memory_space<vmem>> -> memref<40x64xbf16, #tpu.memory_space<vmem>>
      %dma_start3A_199 = arith.constant 0 : i32
      %dma_start3A_200 = tpu.memref_slice %arg7[%add3A_193, %dma_start3A_199] : memref<125x80xi32, #tpu.memory_space<vmem>> -> memref<1x40xi32, #tpu.memory_space<vmem>>
      %dma_start3A_201 = tpu.memref_squeeze %dma_start3A_200 : memref<1x40xi32, #tpu.memory_space<vmem>> -> memref<40xi32, #tpu.memory_space<vmem>>
      %dma_start3A_202 = arith.constant 0 : i32
      %dma_start3A_203 = arith.constant 0 : i32
      %dma_start3A_204 = tpu.memref_slice %arg2[%dma_start3A_202, %dma_start3A_203] : memref<10000x64xbf16, #tpu.memory_space<hbm>> -> memref<10000x64xbf16, #tpu.memory_space<hbm>>
      tpu.enqueue_indirect_dma source(%dma_start3A_204 : memref<10000x64xbf16, #tpu.memory_space<hbm>>) target(%dma_start3A_198 : memref<40x64xbf16, #tpu.memory_space<vmem>>) offsets(%dma_start3A_201 : memref<40xi32, #tpu.memory_space<vmem>>) semaphore(%arg14 : memref<!tpu.dma_semaphore, #tpu.memory_space<semaphore_mem>>)
      %dma_start3A_205 = arith.constant 1 : i32
      %dma_start3A_206 = arith.constant 40 : i32
      %dma_start3A_207 = arith.constant 0 : i32
      %dma_start3A_208 = tpu.memref_slice %arg9[%dma_start3A_205, %dma_start3A_206, %dma_start3A_207] : memref<2x80x64xbf16, #tpu.memory_space<vmem>> -> memref<1x40x64xbf16, #tpu.memory_space<vmem>>
      %dma_start3A_209 = tpu.memref_squeeze %dma_start3A_208 : memref<1x40x64xbf16, #tpu.memory_space<vmem>> -> memref<40x64xbf16, #tpu.memory_space<vmem>>
      %dma_start3A_210 = arith.constant 40 : i32
      %dma_start3A_211 = tpu.memref_slice %arg7[%add3A_193, %dma_start3A_210] : memref<125x80xi32, #tpu.memory_space<vmem>> -> memref<1x40xi32, #tpu.memory_space<vmem>>
      %dma_start3A_212 = tpu.memref_squeeze %dma_start3A_211 : memref<1x40xi32, #tpu.memory_space<vmem>> -> memref<40xi32, #tpu.memory_space<vmem>>
      %dma_start3A_213 = arith.constant 0 : i32
      %dma_start3A_214 = arith.constant 0 : i32
      %dma_start3A_215 = tpu.memref_slice %arg2[%dma_start3A_213, %dma_start3A_214] : memref<10000x64xbf16, #tpu.memory_space<hbm>> -> memref<10000x64xbf16, #tpu.memory_space<hbm>>
      tpu.enqueue_indirect_dma source(%dma_start3A_215 : memref<10000x64xbf16, #tpu.memory_space<hbm>>) target(%dma_start3A_209 : memref<40x64xbf16, #tpu.memory_space<vmem>>) offsets(%dma_start3A_212 : memref<40xi32, #tpu.memory_space<vmem>>) semaphore(%arg20 : memref<!tpu.dma_semaphore, #tpu.memory_space<semaphore_mem>>)
      %dma_start3A_216 = arith.constant 1 : i32
      %dma_start3A_217 = arith.constant 0 : i32
      %dma_start3A_218 = arith.constant 0 : i32
      %dma_start3A_219 = tpu.memref_slice %arg10[%dma_start3A_216, %dma_start3A_217, %dma_start3A_218] : memref<2x80x32xbf16, #tpu.memory_space<vmem>> -> memref<1x80x32xbf16, #tpu.memory_space<vmem>>
      %dma_start3A_220 = tpu.memref_squeeze %dma_start3A_219 : memref<1x80x32xbf16, #tpu.memory_space<vmem>> -> memref<80x32xbf16, #tpu.memory_space<vmem>>
      %dma_start3A_221 = arith.constant 0 : i32
      %dma_start3A_222 = tpu.memref_slice %arg8[%add3A_193, %dma_start3A_221] : memref<125x80xi32, #tpu.memory_space<vmem>> -> memref<1x80xi32, #tpu.memory_space<vmem>>
      %dma_start3A_223 = tpu.memref_squeeze %dma_start3A_222 : memref<1x80xi32, #tpu.memory_space<vmem>> -> memref<80xi32, #tpu.memory_space<vmem>>
      %dma_start3A_224 = arith.constant 0 : i32
      %dma_start3A_225 = arith.constant 0 : i32
      %dma_start3A_226 = tpu.memref_slice %arg3[%dma_start3A_224, %dma_start3A_225] : memref<10000x32xbf16, #tpu.memory_space<hbm>> -> memref<10000x32xbf16, #tpu.memory_space<hbm>>
      tpu.enqueue_indirect_dma source(%dma_start3A_226 : memref<10000x32xbf16, #tpu.memory_space<hbm>>) target(%dma_start3A_220 : memref<80x32xbf16, #tpu.memory_space<vmem>>) offsets(%dma_start3A_223 : memref<80xi32, #tpu.memory_space<vmem>>) semaphore(%arg16 : memref<!tpu.dma_semaphore, #tpu.memory_space<semaphore_mem>>)
      %ge3A = arith.constant 1 : i32
      %ge3A_227 = arith.cmpi sge, %add3A_154, %ge3A : i32
      %convert_element_type3A = arith.extui %ge3A_227 : i1 to i32
      %cond3A = arith.constant 0 : i32
      %cond3A_228 = arith.cmpi ne, %convert_element_type3A, %cond3A : i32
      scf.if %cond3A_228 {
        %dma_wait3A_340 = arith.constant 0 : i32
        %dma_wait3A_341 = arith.constant 0 : i32
        %dma_wait3A_342 = arith.constant 0 : i32
        %dma_wait3A_343 = tpu.memref_slice %arg11[%dma_wait3A_340, %dma_wait3A_341, %dma_wait3A_342] : memref<2x80x48xf32, #tpu.memory_space<vmem>> -> memref<1x80x48xf32, #tpu.memory_space<vmem>>
        %dma_wait3A_344 = tpu.memref_squeeze %dma_wait3A_343 : memref<1x80x48xf32, #tpu.memory_space<vmem>> -> memref<80x48xf32, #tpu.memory_space<vmem>>
        %dma_wait3A_345 = arith.constant 0 : i32
        %dma_wait3A_346 = tpu.memref_slice %arg8[%add3A_158, %dma_wait3A_345] : memref<125x80xi32, #tpu.memory_space<vmem>> -> memref<1x80xi32, #tpu.memory_space<vmem>>
        %dma_wait3A_347 = tpu.memref_squeeze %dma_wait3A_346 : memref<1x80xi32, #tpu.memory_space<vmem>> -> memref<80xi32, #tpu.memory_space<vmem>>
        %dma_wait3A_348 = arith.constant 0 : i32
        %dma_wait3A_349 = arith.constant 0 : i32
        %dma_wait3A_350 = tpu.memref_slice %arg12[%dma_wait3A_348, %dma_wait3A_349] : memref<10112x48xf32, #tpu.memory_space<vmem_shared>> -> memref<10112x48xf32, #tpu.memory_space<vmem_shared>>
        tpu.wait_indirect_dma semaphore(%arg17 : memref<!tpu.dma_semaphore, #tpu.memory_space<semaphore_mem>>) src(%dma_wait3A_344 : memref<80x48xf32, #tpu.memory_space<vmem>>) dst(%dma_wait3A_350 : memref<10112x48xf32, #tpu.memory_space<vmem_shared>>)
      } else {
      }
      %parallel_loop3A_229 = arith.constant 0 : i32
      %parallel_loop3A_230 = arith.constant 80 : i32
      %parallel_loop3A_231 = arith.constant 1 : i32
      %parallel_loop3A_232 = arith.constant 0 : i32
      %parallel_loop3A_233 = arith.constant 0 : i32
      %parallel_loop3A_234 = arith.constant 0 : i32
      scf.for %parallel_loop3A_340 = %parallel_loop3A_229 to %parallel_loop3A_230 step %parallel_loop3A_231  : i32 {
        %parallel_loop3A_341 = arith.constant 0 : i32
        %parallel_loop3A_342 = arith.constant 0 : i32
        %parallel_loop3A_343 = tpu.memref_slice %arg9[%parallel_loop3A_232, %parallel_loop3A_341, %parallel_loop3A_342] : memref<2x80x64xbf16, #tpu.memory_space<vmem>> -> memref<1x80x64xbf16, #tpu.memory_space<vmem>>
        %parallel_loop3A_344 = tpu.memref_squeeze %parallel_loop3A_343 : memref<1x80x64xbf16, #tpu.memory_space<vmem>> -> memref<80x64xbf16, #tpu.memory_space<vmem>>
        %parallel_loop3A_345 = arith.index_cast %parallel_loop3A_340 : i32 to index
        %parallel_loop3A_346 = arith.constant 0 : index
        %parallel_loop3A_347 = tpu.vector_load %parallel_loop3A_344[%parallel_loop3A_345, %parallel_loop3A_346] {strides = array<i32>} : memref<80x64xbf16, #tpu.memory_space<vmem>>, vector<32xbf16>,
        %parallel_loop3A_348 = tpu.unpack_subelements %parallel_loop3A_347, 0 {pack_format = #tpu.pack_format<interleaved>} : vector<32xbf16> -> vector<16xf32>
        %parallel_loop3A_349 = tpu.unpack_subelements %parallel_loop3A_347, 1 {pack_format = #tpu.pack_format<interleaved>} : vector<32xbf16> -> vector<16xf32>
        %parallel_loop3A_350 = arith.constant 0 : i32
        %parallel_loop3A_351 = arith.constant 0 : i32
        %parallel_loop3A_352 = tpu.memref_slice %arg9[%parallel_loop3A_232, %parallel_loop3A_350, %parallel_loop3A_351] : memref<2x80x64xbf16, #tpu.memory_space<vmem>> -> memref<1x80x64xbf16, #tpu.memory_space<vmem>>
        %parallel_loop3A_353 = tpu.memref_squeeze %parallel_loop3A_352 : memref<1x80x64xbf16, #tpu.memory_space<vmem>> -> memref<80x64xbf16, #tpu.memory_space<vmem>>
        %parallel_loop3A_354 = arith.index_cast %parallel_loop3A_340 : i32 to index
        %parallel_loop3A_355 = arith.constant 32 : index
        %parallel_loop3A_356 = tpu.vector_load %parallel_loop3A_353[%parallel_loop3A_354, %parallel_loop3A_355] {strides = array<i32>} : memref<80x64xbf16, #tpu.memory_space<vmem>>, vector<32xbf16>,
        %parallel_loop3A_357 = tpu.unpack_subelements %parallel_loop3A_356, 0 {pack_format = #tpu.pack_format<interleaved>} : vector<32xbf16> -> vector<16xf32>
        %parallel_loop3A_358 = tpu.unpack_subelements %parallel_loop3A_356, 1 {pack_format = #tpu.pack_format<interleaved>} : vector<32xbf16> -> vector<16xf32>
        %parallel_loop3A_359 = arith.constant 0 : i32
        %parallel_loop3A_360 = arith.constant 0 : i32
        %parallel_loop3A_361 = tpu.memref_slice %arg10[%parallel_loop3A_233, %parallel_loop3A_359, %parallel_loop3A_360] : memref<2x80x32xbf16, #tpu.memory_space<vmem>> -> memref<1x80x32xbf16, #tpu.memory_space<vmem>>
        %parallel_loop3A_362 = tpu.memref_squeeze %parallel_loop3A_361 : memref<1x80x32xbf16, #tpu.memory_space<vmem>> -> memref<80x32xbf16, #tpu.memory_space<vmem>>
        %parallel_loop3A_363 = arith.index_cast %parallel_loop3A_340 : i32 to index
        %parallel_loop3A_364 = arith.constant 0 : index
        %parallel_loop3A_365 = tpu.vector_load %parallel_loop3A_362[%parallel_loop3A_363, %parallel_loop3A_364] {strides = array<i32>} : memref<80x32xbf16, #tpu.memory_space<vmem>>, vector<32xbf16>,
        %parallel_loop3A_366 = tpu.unpack_subelements %parallel_loop3A_365, 0 {pack_format = #tpu.pack_format<interleaved>} : vector<32xbf16> -> vector<16xf32>
        %parallel_loop3A_367 = tpu.unpack_subelements %parallel_loop3A_365, 1 {pack_format = #tpu.pack_format<interleaved>} : vector<32xbf16> -> vector<16xf32>
        %parallel_loop3A_368 = vector.shape_cast %broadcast_in_dim3A_15 : vector<16xi32> to vector<16x1xi32>
        %parallel_loop3A_369 = vector.shape_cast %parallel_loop3A_368 : vector<16x1xi32> to vector<16xi32>
        %parallel_loop3A_370 = tpu.dynamic_gather %parallel_loop3A_357[%parallel_loop3A_369] in [0] : vector<16xf32>, vector<16xi32> -> vector<16xf32>
        %parallel_loop3A_371 = vector.shape_cast %broadcast_in_dim3A_17 : vector<16xi32> to vector<16x1xi32>
        %parallel_loop3A_372 = vector.shape_cast %parallel_loop3A_371 : vector<16x1xi32> to vector<16xi32>
        %parallel_loop3A_373 = tpu.dynamic_gather %parallel_loop3A_366[%parallel_loop3A_372] in [0] : vector<16xf32>, vector<16xi32> -> vector<16xf32>
        %parallel_loop3A_374 = arith.addf %parallel_loop3A_370, %parallel_loop3A_373 : vector<16xf32>
        %parallel_loop3A_375 = arith.constant 2.000000e-01 : f32
        %parallel_loop3A_376 = vector.broadcast %parallel_loop3A_375 : f32 to vector<16xf32>
        %parallel_loop3A_377 = arith.mulf %parallel_loop3A_376, %parallel_loop3A_374 : vector<16xf32>
        %parallel_loop3A_378 = arith.maximumf %parallel_loop3A_374, %parallel_loop3A_377 : vector<16xf32>
        %parallel_loop3A_379 = math.exp %parallel_loop3A_378 : vector<16xf32>
        %parallel_loop3A_380 = arith.mulf %parallel_loop3A_348, %parallel_loop3A_379 : vector<16xf32>
        %parallel_loop3A_381 = arith.constant 0 : i32
        %parallel_loop3A_382 = arith.constant 0 : i32
        %parallel_loop3A_383 = tpu.memref_slice %arg11[%parallel_loop3A_234, %parallel_loop3A_381, %parallel_loop3A_382] : memref<2x80x48xf32, #tpu.memory_space<vmem>> -> memref<1x80x48xf32, #tpu.memory_space<vmem>>
        %parallel_loop3A_384 = tpu.memref_squeeze %parallel_loop3A_383 : memref<1x80x48xf32, #tpu.memory_space<vmem>> -> memref<80x48xf32, #tpu.memory_space<vmem>>
        %parallel_loop3A_385 = arith.index_cast %parallel_loop3A_340 : i32 to index
        %parallel_loop3A_386 = arith.constant 0 : index
        %parallel_loop3A_387 = tpu.vector_load %parallel_loop3A_384[%parallel_loop3A_385, %parallel_loop3A_386] {strides = array<i32>} : memref<80x48xf32, #tpu.memory_space<vmem>>, vector<16xf32>,
        tpu.vector_store %parallel_loop3A_384[%parallel_loop3A_385, %parallel_loop3A_386], %parallel_loop3A_380 {strides = array<i32>} : memref<80x48xf32, #tpu.memory_space<vmem>>, vector<16xf32>,
        %parallel_loop3A_388 = arith.mulf %parallel_loop3A_349, %parallel_loop3A_379 : vector<16xf32>
        %parallel_loop3A_389 = arith.constant 0 : i32
        %parallel_loop3A_390 = arith.constant 0 : i32
        %parallel_loop3A_391 = tpu.memref_slice %arg11[%parallel_loop3A_234, %parallel_loop3A_389, %parallel_loop3A_390] : memref<2x80x48xf32, #tpu.memory_space<vmem>> -> memref<1x80x48xf32, #tpu.memory_space<vmem>>
        %parallel_loop3A_392 = tpu.memref_squeeze %parallel_loop3A_391 : memref<1x80x48xf32, #tpu.memory_space<vmem>> -> memref<80x48xf32, #tpu.memory_space<vmem>>
        %parallel_loop3A_393 = arith.index_cast %parallel_loop3A_340 : i32 to index
        %parallel_loop3A_394 = arith.constant 16 : index
        %parallel_loop3A_395 = tpu.vector_load %parallel_loop3A_392[%parallel_loop3A_393, %parallel_loop3A_394] {strides = array<i32>} : memref<80x48xf32, #tpu.memory_space<vmem>>, vector<16xf32>,
        tpu.vector_store %parallel_loop3A_392[%parallel_loop3A_393, %parallel_loop3A_394], %parallel_loop3A_388 {strides = array<i32>} : memref<80x48xf32, #tpu.memory_space<vmem>>, vector<16xf32>,
        %parallel_loop3A_396 = arith.mulf %parallel_loop3A_357, %parallel_loop3A_379 : vector<16xf32>
        %parallel_loop3A_397 = arith.constant 0 : i32
        %parallel_loop3A_398 = arith.constant 0 : i32
        %parallel_loop3A_399 = tpu.memref_slice %arg11[%parallel_loop3A_234, %parallel_loop3A_397, %parallel_loop3A_398] : memref<2x80x48xf32, #tpu.memory_space<vmem>> -> memref<1x80x48xf32, #tpu.memory_space<vmem>>
        %parallel_loop3A_400 = tpu.memref_squeeze %parallel_loop3A_399 : memref<1x80x48xf32, #tpu.memory_space<vmem>> -> memref<80x48xf32, #tpu.memory_space<vmem>>
        %parallel_loop3A_401 = arith.index_cast %parallel_loop3A_340 : i32 to index
        %parallel_loop3A_402 = arith.constant 32 : index
        %parallel_loop3A_403 = tpu.vector_load %parallel_loop3A_400[%parallel_loop3A_401, %parallel_loop3A_402] {strides = array<i32>} : memref<80x48xf32, #tpu.memory_space<vmem>>, vector<16xf32>,
        tpu.vector_store %parallel_loop3A_400[%parallel_loop3A_401, %parallel_loop3A_402], %parallel_loop3A_396 {strides = array<i32>} : memref<80x48xf32, #tpu.memory_space<vmem>>, vector<16xf32>,
      } {sc.loop_unroll_factor = 4 : i64, sc.parallel_access}
      %dma_start3A_235 = arith.constant 0 : i32
      %dma_start3A_236 = arith.constant 0 : i32
      %dma_start3A_237 = arith.constant 0 : i32
      %dma_start3A_238 = tpu.memref_slice %arg11[%dma_start3A_235, %dma_start3A_236, %dma_start3A_237] : memref<2x80x48xf32, #tpu.memory_space<vmem>> -> memref<1x80x48xf32, #tpu.memory_space<vmem>>
      %dma_start3A_239 = tpu.memref_squeeze %dma_start3A_238 : memref<1x80x48xf32, #tpu.memory_space<vmem>> -> memref<80x48xf32, #tpu.memory_space<vmem>>
      %dma_start3A_240 = arith.constant 0 : i32
      %dma_start3A_241 = tpu.memref_slice %arg8[%add3A_158, %dma_start3A_240] : memref<125x80xi32, #tpu.memory_space<vmem>> -> memref<1x80xi32, #tpu.memory_space<vmem>>
      %dma_start3A_242 = tpu.memref_squeeze %dma_start3A_241 : memref<1x80xi32, #tpu.memory_space<vmem>> -> memref<80xi32, #tpu.memory_space<vmem>>
      %dma_start3A_243 = arith.constant 0 : i32
      %dma_start3A_244 = arith.constant 0 : i32
      %dma_start3A_245 = tpu.memref_slice %arg12[%dma_start3A_243, %dma_start3A_244] : memref<10112x48xf32, #tpu.memory_space<vmem_shared>> -> memref<10112x48xf32, #tpu.memory_space<vmem_shared>>
      tpu.enqueue_indirect_dma source(%dma_start3A_239 : memref<80x48xf32, #tpu.memory_space<vmem>>) target(%dma_start3A_245 : memref<10112x48xf32, #tpu.memory_space<vmem_shared>>) offsets(%dma_start3A_242 : memref<80xi32, #tpu.memory_space<vmem>>) semaphore(%arg17 : memref<!tpu.dma_semaphore, #tpu.memory_space<semaphore_mem>>) {add = true}
      %mul3A_246 = arith.constant 2 : i32
      %mul3A_247 = arith.muli %mul3A_246, %add3A_154 : i32
      %add3A_248 = arith.constant 1 : i32
      %add3A_249 = arith.addi %mul3A_247, %add3A_248 : i32
      %dma_wait3A_250 = arith.constant 1 : i32
      %dma_wait3A_251 = arith.constant 0 : i32
      %dma_wait3A_252 = arith.constant 0 : i32
      %dma_wait3A_253 = tpu.memref_slice %arg9[%dma_wait3A_250, %dma_wait3A_251, %dma_wait3A_252] : memref<2x80x64xbf16, #tpu.memory_space<vmem>> -> memref<1x40x64xbf16, #tpu.memory_space<vmem>>
      %dma_wait3A_254 = tpu.memref_squeeze %dma_wait3A_253 : memref<1x40x64xbf16, #tpu.memory_space<vmem>> -> memref<40x64xbf16, #tpu.memory_space<vmem>>
      %dma_wait3A_255 = arith.constant 0 : i32
      %dma_wait3A_256 = tpu.memref_slice %arg7[%add3A_249, %dma_wait3A_255] : memref<125x80xi32, #tpu.memory_space<vmem>> -> memref<1x40xi32, #tpu.memory_space<vmem>>
      %dma_wait3A_257 = tpu.memref_squeeze %dma_wait3A_256 : memref<1x40xi32, #tpu.memory_space<vmem>> -> memref<40xi32, #tpu.memory_space<vmem>>
      %dma_wait3A_258 = arith.constant 0 : i32
      %dma_wait3A_259 = arith.constant 0 : i32
      %dma_wait3A_260 = tpu.memref_slice %arg2[%dma_wait3A_258, %dma_wait3A_259] : memref<10000x64xbf16, #tpu.memory_space<hbm>> -> memref<10000x64xbf16, #tpu.memory_space<hbm>>
      tpu.wait_indirect_dma semaphore(%arg14 : memref<!tpu.dma_semaphore, #tpu.memory_space<semaphore_mem>>) src(%dma_wait3A_260 : memref<10000x64xbf16, #tpu.memory_space<hbm>>) dst(%dma_wait3A_254 : memref<40x64xbf16, #tpu.memory_space<vmem>>)
      %dma_wait3A_261 = arith.constant 1 : i32
      %dma_wait3A_262 = arith.constant 40 : i32
      %dma_wait3A_263 = arith.constant 0 : i32
      %dma_wait3A_264 = tpu.memref_slice %arg9[%dma_wait3A_261, %dma_wait3A_262, %dma_wait3A_263] : memref<2x80x64xbf16, #tpu.memory_space<vmem>> -> memref<1x40x64xbf16, #tpu.memory_space<vmem>>
      %dma_wait3A_265 = tpu.memref_squeeze %dma_wait3A_264 : memref<1x40x64xbf16, #tpu.memory_space<vmem>> -> memref<40x64xbf16, #tpu.memory_space<vmem>>
      %dma_wait3A_266 = arith.constant 40 : i32
      %dma_wait3A_267 = tpu.memref_slice %arg7[%add3A_249, %dma_wait3A_266] : memref<125x80xi32, #tpu.memory_space<vmem>> -> memref<1x40xi32, #tpu.memory_space<vmem>>
      %dma_wait3A_268 = tpu.memref_squeeze %dma_wait3A_267 : memref<1x40xi32, #tpu.memory_space<vmem>> -> memref<40xi32, #tpu.memory_space<vmem>>
      %dma_wait3A_269 = arith.constant 0 : i32
      %dma_wait3A_270 = arith.constant 0 : i32
      %dma_wait3A_271 = tpu.memref_slice %arg2[%dma_wait3A_269, %dma_wait3A_270] : memref<10000x64xbf16, #tpu.memory_space<hbm>> -> memref<10000x64xbf16, #tpu.memory_space<hbm>>
      tpu.wait_indirect_dma semaphore(%arg20 : memref<!tpu.dma_semaphore, #tpu.memory_space<semaphore_mem>>) src(%dma_wait3A_271 : memref<10000x64xbf16, #tpu.memory_space<hbm>>) dst(%dma_wait3A_265 : memref<40x64xbf16, #tpu.memory_space<vmem>>)
      %dma_wait3A_272 = arith.constant 1 : i32
      %dma_wait3A_273 = arith.constant 0 : i32
      %dma_wait3A_274 = arith.constant 0 : i32
      %dma_wait3A_275 = tpu.memref_slice %arg10[%dma_wait3A_272, %dma_wait3A_273, %dma_wait3A_274] : memref<2x80x32xbf16, #tpu.memory_space<vmem>> -> memref<1x80x32xbf16, #tpu.memory_space<vmem>>
      %dma_wait3A_276 = tpu.memref_squeeze %dma_wait3A_275 : memref<1x80x32xbf16, #tpu.memory_space<vmem>> -> memref<80x32xbf16, #tpu.memory_space<vmem>>
      %dma_wait3A_277 = arith.constant 0 : i32
      %dma_wait3A_278 = tpu.memref_slice %arg8[%add3A_249, %dma_wait3A_277] : memref<125x80xi32, #tpu.memory_space<vmem>> -> memref<1x80xi32, #tpu.memory_space<vmem>>
      %dma_wait3A_279 = tpu.memref_squeeze %dma_wait3A_278 : memref<1x80xi32, #tpu.memory_space<vmem>> -> memref<80xi32, #tpu.memory_space<vmem>>
      %dma_wait3A_280 = arith.constant 0 : i32
      %dma_wait3A_281 = arith.constant 0 : i32
      %dma_wait3A_282 = tpu.memref_slice %arg3[%dma_wait3A_280, %dma_wait3A_281] : memref<10000x32xbf16, #tpu.memory_space<hbm>> -> memref<10000x32xbf16, #tpu.memory_space<hbm>>
      tpu.wait_indirect_dma semaphore(%arg16 : memref<!tpu.dma_semaphore, #tpu.memory_space<semaphore_mem>>) src(%dma_wait3A_282 : memref<10000x32xbf16, #tpu.memory_space<hbm>>) dst(%dma_wait3A_276 : memref<80x32xbf16, #tpu.memory_space<vmem>>)
      %add3A_283 = arith.constant 1 : i32
      %add3A_284 = arith.addi %add3A_249, %add3A_283 : i32
      %dma_start3A_285 = arith.constant 0 : i32
      %dma_start3A_286 = arith.constant 0 : i32
      %dma_start3A_287 = arith.constant 0 : i32
      %dma_start3A_288 = tpu.memref_slice %arg9[%dma_start3A_285, %dma_start3A_286, %dma_start3A_287] : memref<2x80x64xbf16, #tpu.memory_space<vmem>> -> memref<1x40x64xbf16, #tpu.memory_space<vmem>>
      %dma_start3A_289 = tpu.memref_squeeze %dma_start3A_288 : memref<1x40x64xbf16, #tpu.memory_space<vmem>> -> memref<40x64xbf16, #tpu.memory_space<vmem>>
      %dma_start3A_290 = arith.constant 0 : i32
      %dma_start3A_291 = tpu.memref_slice %arg7[%add3A_284, %dma_start3A_290] : memref<125x80xi32, #tpu.memory_space<vmem>> -> memref<1x40xi32, #tpu.memory_space<vmem>>
      %dma_start3A_292 = tpu.memref_squeeze %dma_start3A_291 : memref<1x40xi32, #tpu.memory_space<vmem>> -> memref<40xi32, #tpu.memory_space<vmem>>
      %dma_start3A_293 = arith.constant 0 : i32
      %dma_start3A_294 = arith.constant 0 : i32
      %dma_start3A_295 = tpu.memref_slice %arg2[%dma_start3A_293, %dma_start3A_294] : memref<10000x64xbf16, #tpu.memory_space<hbm>> -> memref<10000x64xbf16, #tpu.memory_space<hbm>>
      tpu.enqueue_indirect_dma source(%dma_start3A_295 : memref<10000x64xbf16, #tpu.memory_space<hbm>>) target(%dma_start3A_289 : memref<40x64xbf16, #tpu.memory_space<vmem>>) offsets(%dma_start3A_292 : memref<40xi32, #tpu.memory_space<vmem>>) semaphore(%arg13 : memref<!tpu.dma_semaphore, #tpu.memory_space<semaphore_mem>>)
      %dma_start3A_296 = arith.constant 0 : i32
      %dma_start3A_297 = arith.constant 40 : i32
      %dma_start3A_298 = arith.constant 0 : i32
      %dma_start3A_299 = tpu.memref_slice %arg9[%dma_start3A_296, %dma_start3A_297, %dma_start3A_298] : memref<2x80x64xbf16, #tpu.memory_space<vmem>> -> memref<1x40x64xbf16, #tpu.memory_space<vmem>>
      %dma_start3A_300 = tpu.memref_squeeze %dma_start3A_299 : memref<1x40x64xbf16, #tpu.memory_space<vmem>> -> memref<40x64xbf16, #tpu.memory_space<vmem>>
      %dma_start3A_301 = arith.constant 40 : i32
      %dma_start3A_302 = tpu.memref_slice %arg7[%add3A_284, %dma_start3A_301] : memref<125x80xi32, #tpu.memory_space<vmem>> -> memref<1x40xi32, #tpu.memory_space<vmem>>
      %dma_start3A_303 = tpu.memref_squeeze %dma_start3A_302 : memref<1x40xi32, #tpu.memory_space<vmem>> -> memref<40xi32, #tpu.memory_space<vmem>>
      %dma_start3A_304 = arith.constant 0 : i32
      %dma_start3A_305 = arith.constant 0 : i32
      %dma_start3A_306 = tpu.memref_slice %arg2[%dma_start3A_304, %dma_start3A_305] : memref<10000x64xbf16, #tpu.memory_space<hbm>> -> memref<10000x64xbf16, #tpu.memory_space<hbm>>
      tpu.enqueue_indirect_dma source(%dma_start3A_306 : memref<10000x64xbf16, #tpu.memory_space<hbm>>) target(%dma_start3A_300 : memref<40x64xbf16, #tpu.memory_space<vmem>>) offsets(%dma_start3A_303 : memref<40xi32, #tpu.memory_space<vmem>>) semaphore(%arg19 : memref<!tpu.dma_semaphore, #tpu.memory_space<semaphore_mem>>)
      %dma_start3A_307 = arith.constant 0 : i32
      %dma_start3A_308 = arith.constant 0 : i32
      %dma_start3A_309 = arith.constant 0 : i32
      %dma_start3A_310 = tpu.memref_slice %arg10[%dma_start3A_307, %dma_start3A_308, %dma_start3A_309] : memref<2x80x32xbf16, #tpu.memory_space<vmem>> -> memref<1x80x32xbf16, #tpu.memory_space<vmem>>
      %dma_start3A_311 = tpu.memref_squeeze %dma_start3A_310 : memref<1x80x32xbf16, #tpu.memory_space<vmem>> -> memref<80x32xbf16, #tpu.memory_space<vmem>>
      %dma_start3A_312 = arith.constant 0 : i32
      %dma_start3A_313 = tpu.memref_slice %arg8[%add3A_284, %dma_start3A_312] : memref<125x80xi32, #tpu.memory_space<vmem>> -> memref<1x80xi32, #tpu.memory_space<vmem>>
      %dma_start3A_314 = tpu.memref_squeeze %dma_start3A_313 : memref<1x80xi32, #tpu.memory_space<vmem>> -> memref<80xi32, #tpu.memory_space<vmem>>
      %dma_start3A_315 = arith.constant 0 : i32
      %dma_start3A_316 = arith.constant 0 : i32
      %dma_start3A_317 = tpu.memref_slice %arg3[%dma_start3A_315, %dma_start3A_316] : memref<10000x32xbf16, #tpu.memory_space<hbm>> -> memref<10000x32xbf16, #tpu.memory_space<hbm>>
      tpu.enqueue_indirect_dma source(%dma_start3A_317 : memref<10000x32xbf16, #tpu.memory_space<hbm>>) target(%dma_start3A_311 : memref<80x32xbf16, #tpu.memory_space<vmem>>) offsets(%dma_start3A_314 : memref<80xi32, #tpu.memory_space<vmem>>) semaphore(%arg15 : memref<!tpu.dma_semaphore, #tpu.memory_space<semaphore_mem>>)
      %ge3A_318 = arith.constant 1 : i32
      %ge3A_319 = arith.cmpi sge, %add3A_154, %ge3A_318 : i32
      %convert_element_type3A_320 = arith.extui %ge3A_319 : i1 to i32
      %cond3A_321 = arith.constant 0 : i32
      %cond3A_322 = arith.cmpi ne, %convert_element_type3A_320, %cond3A_321 : i32
      scf.if %cond3A_322 {
        %dma_wait3A_340 = arith.constant 1 : i32
        %dma_wait3A_341 = arith.constant 0 : i32
        %dma_wait3A_342 = arith.constant 0 : i32
        %dma_wait3A_343 = tpu.memref_slice %arg11[%dma_wait3A_340, %dma_wait3A_341, %dma_wait3A_342] : memref<2x80x48xf32, #tpu.memory_space<vmem>> -> memref<1x80x48xf32, #tpu.memory_space<vmem>>
        %dma_wait3A_344 = tpu.memref_squeeze %dma_wait3A_343 : memref<1x80x48xf32, #tpu.memory_space<vmem>> -> memref<80x48xf32, #tpu.memory_space<vmem>>
        %dma_wait3A_345 = arith.constant 0 : i32
        %dma_wait3A_346 = tpu.memref_slice %arg8[%add3A_249, %dma_wait3A_345] : memref<125x80xi32, #tpu.memory_space<vmem>> -> memref<1x80xi32, #tpu.memory_space<vmem>>
        %dma_wait3A_347 = tpu.memref_squeeze %dma_wait3A_346 : memref<1x80xi32, #tpu.memory_space<vmem>> -> memref<80xi32, #tpu.memory_space<vmem>>
        %dma_wait3A_348 = arith.constant 0 : i32
        %dma_wait3A_349 = arith.constant 0 : i32
        %dma_wait3A_350 = tpu.memref_slice %arg12[%dma_wait3A_348, %dma_wait3A_349] : memref<10112x48xf32, #tpu.memory_space<vmem_shared>> -> memref<10112x48xf32, #tpu.memory_space<vmem_shared>>
        tpu.wait_indirect_dma semaphore(%arg18 : memref<!tpu.dma_semaphore, #tpu.memory_space<semaphore_mem>>) src(%dma_wait3A_344 : memref<80x48xf32, #tpu.memory_space<vmem>>) dst(%dma_wait3A_350 : memref<10112x48xf32, #tpu.memory_space<vmem_shared>>)
      } else {
      }
      %parallel_loop3A_323 = arith.constant 0 : i32
      %parallel_loop3A_324 = arith.constant 80 : i32
      %parallel_loop3A_325 = arith.constant 1 : i32
      %parallel_loop3A_326 = arith.constant 1 : i32
      %parallel_loop3A_327 = arith.constant 1 : i32
      %parallel_loop3A_328 = arith.constant 1 : i32
      scf.for %parallel_loop3A_340 = %parallel_loop3A_323 to %parallel_loop3A_324 step %parallel_loop3A_325  : i32 {
        %parallel_loop3A_341 = arith.constant 0 : i32
        %parallel_loop3A_342 = arith.constant 0 : i32
        %parallel_loop3A_343 = tpu.memref_slice %arg9[%parallel_loop3A_326, %parallel_loop3A_341, %parallel_loop3A_342] : memref<2x80x64xbf16, #tpu.memory_space<vmem>> -> memref<1x80x64xbf16, #tpu.memory_space<vmem>>
        %parallel_loop3A_344 = tpu.memref_squeeze %parallel_loop3A_343 : memref<1x80x64xbf16, #tpu.memory_space<vmem>> -> memref<80x64xbf16, #tpu.memory_space<vmem>>
        %parallel_loop3A_345 = arith.index_cast %parallel_loop3A_340 : i32 to index
        %parallel_loop3A_346 = arith.constant 0 : index
        %parallel_loop3A_347 = tpu.vector_load %parallel_loop3A_344[%parallel_loop3A_345, %parallel_loop3A_346] {strides = array<i32>} : memref<80x64xbf16, #tpu.memory_space<vmem>>, vector<32xbf16>,
        %parallel_loop3A_348 = tpu.unpack_subelements %parallel_loop3A_347, 0 {pack_format = #tpu.pack_format<interleaved>} : vector<32xbf16> -> vector<16xf32>
        %parallel_loop3A_349 = tpu.unpack_subelements %parallel_loop3A_347, 1 {pack_format = #tpu.pack_format<interleaved>} : vector<32xbf16> -> vector<16xf32>
        %parallel_loop3A_350 = arith.constant 0 : i32
        %parallel_loop3A_351 = arith.constant 0 : i32
        %parallel_loop3A_352 = tpu.memref_slice %arg9[%parallel_loop3A_326, %parallel_loop3A_350, %parallel_loop3A_351] : memref<2x80x64xbf16, #tpu.memory_space<vmem>> -> memref<1x80x64xbf16, #tpu.memory_space<vmem>>
        %parallel_loop3A_353 = tpu.memref_squeeze %parallel_loop3A_352 : memref<1x80x64xbf16, #tpu.memory_space<vmem>> -> memref<80x64xbf16, #tpu.memory_space<vmem>>
        %parallel_loop3A_354 = arith.index_cast %parallel_loop3A_340 : i32 to index
        %parallel_loop3A_355 = arith.constant 32 : index
        %parallel_loop3A_356 = tpu.vector_load %parallel_loop3A_353[%parallel_loop3A_354, %parallel_loop3A_355] {strides = array<i32>} : memref<80x64xbf16, #tpu.memory_space<vmem>>, vector<32xbf16>,
        %parallel_loop3A_357 = tpu.unpack_subelements %parallel_loop3A_356, 0 {pack_format = #tpu.pack_format<interleaved>} : vector<32xbf16> -> vector<16xf32>
        %parallel_loop3A_358 = tpu.unpack_subelements %parallel_loop3A_356, 1 {pack_format = #tpu.pack_format<interleaved>} : vector<32xbf16> -> vector<16xf32>
        %parallel_loop3A_359 = arith.constant 0 : i32
        %parallel_loop3A_360 = arith.constant 0 : i32
        %parallel_loop3A_361 = tpu.memref_slice %arg10[%parallel_loop3A_327, %parallel_loop3A_359, %parallel_loop3A_360] : memref<2x80x32xbf16, #tpu.memory_space<vmem>> -> memref<1x80x32xbf16, #tpu.memory_space<vmem>>
        %parallel_loop3A_362 = tpu.memref_squeeze %parallel_loop3A_361 : memref<1x80x32xbf16, #tpu.memory_space<vmem>> -> memref<80x32xbf16, #tpu.memory_space<vmem>>
        %parallel_loop3A_363 = arith.index_cast %parallel_loop3A_340 : i32 to index
        %parallel_loop3A_364 = arith.constant 0 : index
        %parallel_loop3A_365 = tpu.vector_load %parallel_loop3A_362[%parallel_loop3A_363, %parallel_loop3A_364] {strides = array<i32>} : memref<80x32xbf16, #tpu.memory_space<vmem>>, vector<32xbf16>,
        %parallel_loop3A_366 = tpu.unpack_subelements %parallel_loop3A_365, 0 {pack_format = #tpu.pack_format<interleaved>} : vector<32xbf16> -> vector<16xf32>
        %parallel_loop3A_367 = tpu.unpack_subelements %parallel_loop3A_365, 1 {pack_format = #tpu.pack_format<interleaved>} : vector<32xbf16> -> vector<16xf32>
        %parallel_loop3A_368 = vector.shape_cast %broadcast_in_dim3A_15 : vector<16xi32> to vector<16x1xi32>
        %parallel_loop3A_369 = vector.shape_cast %parallel_loop3A_368 : vector<16x1xi32> to vector<16xi32>
        %parallel_loop3A_370 = tpu.dynamic_gather %parallel_loop3A_357[%parallel_loop3A_369] in [0] : vector<16xf32>, vector<16xi32> -> vector<16xf32>
        %parallel_loop3A_371 = vector.shape_cast %broadcast_in_dim3A_17 : vector<16xi32> to vector<16x1xi32>
        %parallel_loop3A_372 = vector.shape_cast %parallel_loop3A_371 : vector<16x1xi32> to vector<16xi32>
        %parallel_loop3A_373 = tpu.dynamic_gather %parallel_loop3A_366[%parallel_loop3A_372] in [0] : vector<16xf32>, vector<16xi32> -> vector<16xf32>
        %parallel_loop3A_374 = arith.addf %parallel_loop3A_370, %parallel_loop3A_373 : vector<16xf32>
        %parallel_loop3A_375 = arith.constant 2.000000e-01 : f32
        %parallel_loop3A_376 = vector.broadcast %parallel_loop3A_375 : f32 to vector<16xf32>
        %parallel_loop3A_377 = arith.mulf %parallel_loop3A_376, %parallel_loop3A_374 : vector<16xf32>
        %parallel_loop3A_378 = arith.maximumf %parallel_loop3A_374, %parallel_loop3A_377 : vector<16xf32>
        %parallel_loop3A_379 = math.exp %parallel_loop3A_378 : vector<16xf32>
        %parallel_loop3A_380 = arith.mulf %parallel_loop3A_348, %parallel_loop3A_379 : vector<16xf32>
        %parallel_loop3A_381 = arith.constant 0 : i32
        %parallel_loop3A_382 = arith.constant 0 : i32
        %parallel_loop3A_383 = tpu.memref_slice %arg11[%parallel_loop3A_328, %parallel_loop3A_381, %parallel_loop3A_382] : memref<2x80x48xf32, #tpu.memory_space<vmem>> -> memref<1x80x48xf32, #tpu.memory_space<vmem>>
        %parallel_loop3A_384 = tpu.memref_squeeze %parallel_loop3A_383 : memref<1x80x48xf32, #tpu.memory_space<vmem>> -> memref<80x48xf32, #tpu.memory_space<vmem>>
        %parallel_loop3A_385 = arith.index_cast %parallel_loop3A_340 : i32 to index
        %parallel_loop3A_386 = arith.constant 0 : index
        %parallel_loop3A_387 = tpu.vector_load %parallel_loop3A_384[%parallel_loop3A_385, %parallel_loop3A_386] {strides = array<i32>} : memref<80x48xf32, #tpu.memory_space<vmem>>, vector<16xf32>,
        tpu.vector_store %parallel_loop3A_384[%parallel_loop3A_385, %parallel_loop3A_386], %parallel_loop3A_380 {strides = array<i32>} : memref<80x48xf32, #tpu.memory_space<vmem>>, vector<16xf32>,
        %parallel_loop3A_388 = arith.mulf %parallel_loop3A_349, %parallel_loop3A_379 : vector<16xf32>
        %parallel_loop3A_389 = arith.constant 0 : i32
        %parallel_loop3A_390 = arith.constant 0 : i32
        %parallel_loop3A_391 = tpu.memref_slice %arg11[%parallel_loop3A_328, %parallel_loop3A_389, %parallel_loop3A_390] : memref<2x80x48xf32, #tpu.memory_space<vmem>> -> memref<1x80x48xf32, #tpu.memory_space<vmem>>
        %parallel_loop3A_392 = tpu.memref_squeeze %parallel_loop3A_391 : memref<1x80x48xf32, #tpu.memory_space<vmem>> -> memref<80x48xf32, #tpu.memory_space<vmem>>
        %parallel_loop3A_393 = arith.index_cast %parallel_loop3A_340 : i32 to index
        %parallel_loop3A_394 = arith.constant 16 : index
        %parallel_loop3A_395 = tpu.vector_load %parallel_loop3A_392[%parallel_loop3A_393, %parallel_loop3A_394] {strides = array<i32>} : memref<80x48xf32, #tpu.memory_space<vmem>>, vector<16xf32>,
        tpu.vector_store %parallel_loop3A_392[%parallel_loop3A_393, %parallel_loop3A_394], %parallel_loop3A_388 {strides = array<i32>} : memref<80x48xf32, #tpu.memory_space<vmem>>, vector<16xf32>,
        %parallel_loop3A_396 = arith.mulf %parallel_loop3A_357, %parallel_loop3A_379 : vector<16xf32>
        %parallel_loop3A_397 = arith.constant 0 : i32
        %parallel_loop3A_398 = arith.constant 0 : i32
        %parallel_loop3A_399 = tpu.memref_slice %arg11[%parallel_loop3A_328, %parallel_loop3A_397, %parallel_loop3A_398] : memref<2x80x48xf32, #tpu.memory_space<vmem>> -> memref<1x80x48xf32, #tpu.memory_space<vmem>>
        %parallel_loop3A_400 = tpu.memref_squeeze %parallel_loop3A_399 : memref<1x80x48xf32, #tpu.memory_space<vmem>> -> memref<80x48xf32, #tpu.memory_space<vmem>>
        %parallel_loop3A_401 = arith.index_cast %parallel_loop3A_340 : i32 to index
        %parallel_loop3A_402 = arith.constant 32 : index
        %parallel_loop3A_403 = tpu.vector_load %parallel_loop3A_400[%parallel_loop3A_401, %parallel_loop3A_402] {strides = array<i32>} : memref<80x48xf32, #tpu.memory_space<vmem>>, vector<16xf32>,
        tpu.vector_store %parallel_loop3A_400[%parallel_loop3A_401, %parallel_loop3A_402], %parallel_loop3A_396 {strides = array<i32>} : memref<80x48xf32, #tpu.memory_space<vmem>>, vector<16xf32>,
      } {sc.loop_unroll_factor = 4 : i64, sc.parallel_access}
      %dma_start3A_329 = arith.constant 1 : i32
      %dma_start3A_330 = arith.constant 0 : i32
      %dma_start3A_331 = arith.constant 0 : i32
      %dma_start3A_332 = tpu.memref_slice %arg11[%dma_start3A_329, %dma_start3A_330, %dma_start3A_331] : memref<2x80x48xf32, #tpu.memory_space<vmem>> -> memref<1x80x48xf32, #tpu.memory_space<vmem>>
      %dma_start3A_333 = tpu.memref_squeeze %dma_start3A_332 : memref<1x80x48xf32, #tpu.memory_space<vmem>> -> memref<80x48xf32, #tpu.memory_space<vmem>>
      %dma_start3A_334 = arith.constant 0 : i32
      %dma_start3A_335 = tpu.memref_slice %arg8[%add3A_249, %dma_start3A_334] : memref<125x80xi32, #tpu.memory_space<vmem>> -> memref<1x80xi32, #tpu.memory_space<vmem>>
      %dma_start3A_336 = tpu.memref_squeeze %dma_start3A_335 : memref<1x80xi32, #tpu.memory_space<vmem>> -> memref<80xi32, #tpu.memory_space<vmem>>
      %dma_start3A_337 = arith.constant 0 : i32
      %dma_start3A_338 = arith.constant 0 : i32
      %dma_start3A_339 = tpu.memref_slice %arg12[%dma_start3A_337, %dma_start3A_338] : memref<10112x48xf32, #tpu.memory_space<vmem_shared>> -> memref<10112x48xf32, #tpu.memory_space<vmem_shared>>
      tpu.enqueue_indirect_dma source(%dma_start3A_333 : memref<80x48xf32, #tpu.memory_space<vmem>>) target(%dma_start3A_339 : memref<10112x48xf32, #tpu.memory_space<vmem_shared>>) offsets(%dma_start3A_336 : memref<80xi32, #tpu.memory_space<vmem>>) semaphore(%arg18 : memref<!tpu.dma_semaphore, #tpu.memory_space<semaphore_mem>>) {add = true}
    }
    %scan3A_56 = arith.constant 62 : i32
    %dma_wait3A = arith.constant 124 : i32
    %dma_wait3A_57 = arith.constant 0 : i32
    %dma_wait3A_58 = arith.constant 0 : i32
    %dma_wait3A_59 = arith.constant 0 : i32
    %dma_wait3A_60 = tpu.memref_slice %arg9[%dma_wait3A_57, %dma_wait3A_58, %dma_wait3A_59] : memref<2x80x64xbf16, #tpu.memory_space<vmem>> -> memref<1x40x64xbf16, #tpu.memory_space<vmem>>
    %dma_wait3A_61 = tpu.memref_squeeze %dma_wait3A_60 : memref<1x40x64xbf16, #tpu.memory_space<vmem>> -> memref<40x64xbf16, #tpu.memory_space<vmem>>
    %dma_wait3A_62 = arith.constant 0 : i32
    %dma_wait3A_63 = tpu.memref_slice %arg7[%dma_wait3A, %dma_wait3A_62] : memref<125x80xi32, #tpu.memory_space<vmem>> -> memref<1x40xi32, #tpu.memory_space<vmem>>
    %dma_wait3A_64 = tpu.memref_squeeze %dma_wait3A_63 : memref<1x40xi32, #tpu.memory_space<vmem>> -> memref<40xi32, #tpu.memory_space<vmem>>
    %dma_wait3A_65 = arith.constant 0 : i32
    %dma_wait3A_66 = arith.constant 0 : i32
    %dma_wait3A_67 = tpu.memref_slice %arg2[%dma_wait3A_65, %dma_wait3A_66] : memref<10000x64xbf16, #tpu.memory_space<hbm>> -> memref<10000x64xbf16, #tpu.memory_space<hbm>>
    tpu.wait_indirect_dma semaphore(%arg13 : memref<!tpu.dma_semaphore, #tpu.memory_space<semaphore_mem>>) src(%dma_wait3A_67 : memref<10000x64xbf16, #tpu.memory_space<hbm>>) dst(%dma_wait3A_61 : memref<40x64xbf16, #tpu.memory_space<vmem>>)
    %dma_wait3A_68 = arith.constant 124 : i32
    %dma_wait3A_69 = arith.constant 0 : i32
    %dma_wait3A_70 = arith.constant 40 : i32
    %dma_wait3A_71 = arith.constant 0 : i32
    %dma_wait3A_72 = tpu.memref_slice %arg9[%dma_wait3A_69, %dma_wait3A_70, %dma_wait3A_71] : memref<2x80x64xbf16, #tpu.memory_space<vmem>> -> memref<1x40x64xbf16, #tpu.memory_space<vmem>>
    %dma_wait3A_73 = tpu.memref_squeeze %dma_wait3A_72 : memref<1x40x64xbf16, #tpu.memory_space<vmem>> -> memref<40x64xbf16, #tpu.memory_space<vmem>>
    %dma_wait3A_74 = arith.constant 40 : i32
    %dma_wait3A_75 = tpu.memref_slice %arg7[%dma_wait3A_68, %dma_wait3A_74] : memref<125x80xi32, #tpu.memory_space<vmem>> -> memref<1x40xi32, #tpu.memory_space<vmem>>
    %dma_wait3A_76 = tpu.memref_squeeze %dma_wait3A_75 : memref<1x40xi32, #tpu.memory_space<vmem>> -> memref<40xi32, #tpu.memory_space<vmem>>
    %dma_wait3A_77 = arith.constant 0 : i32
    %dma_wait3A_78 = arith.constant 0 : i32
    %dma_wait3A_79 = tpu.memref_slice %arg2[%dma_wait3A_77, %dma_wait3A_78] : memref<10000x64xbf16, #tpu.memory_space<hbm>> -> memref<10000x64xbf16, #tpu.memory_space<hbm>>
    tpu.wait_indirect_dma semaphore(%arg19 : memref<!tpu.dma_semaphore, #tpu.memory_space<semaphore_mem>>) src(%dma_wait3A_79 : memref<10000x64xbf16, #tpu.memory_space<hbm>>) dst(%dma_wait3A_73 : memref<40x64xbf16, #tpu.memory_space<vmem>>)
    %dma_wait3A_80 = arith.constant 124 : i32
    %dma_wait3A_81 = arith.constant 0 : i32
    %dma_wait3A_82 = arith.constant 0 : i32
    %dma_wait3A_83 = arith.constant 0 : i32
    %dma_wait3A_84 = tpu.memref_slice %arg10[%dma_wait3A_81, %dma_wait3A_82, %dma_wait3A_83] : memref<2x80x32xbf16, #tpu.memory_space<vmem>> -> memref<1x80x32xbf16, #tpu.memory_space<vmem>>
    %dma_wait3A_85 = tpu.memref_squeeze %dma_wait3A_84 : memref<1x80x32xbf16, #tpu.memory_space<vmem>> -> memref<80x32xbf16, #tpu.memory_space<vmem>>
    %dma_wait3A_86 = arith.constant 0 : i32
    %dma_wait3A_87 = tpu.memref_slice %arg8[%dma_wait3A_80, %dma_wait3A_86] : memref<125x80xi32, #tpu.memory_space<vmem>> -> memref<1x80xi32, #tpu.memory_space<vmem>>
    %dma_wait3A_88 = tpu.memref_squeeze %dma_wait3A_87 : memref<1x80xi32, #tpu.memory_space<vmem>> -> memref<80xi32, #tpu.memory_space<vmem>>
    %dma_wait3A_89 = arith.constant 0 : i32
    %dma_wait3A_90 = arith.constant 0 : i32
    %dma_wait3A_91 = tpu.memref_slice %arg3[%dma_wait3A_89, %dma_wait3A_90] : memref<10000x32xbf16, #tpu.memory_space<hbm>> -> memref<10000x32xbf16, #tpu.memory_space<hbm>>
    tpu.wait_indirect_dma semaphore(%arg15 : memref<!tpu.dma_semaphore, #tpu.memory_space<semaphore_mem>>) src(%dma_wait3A_91 : memref<10000x32xbf16, #tpu.memory_space<hbm>>) dst(%dma_wait3A_85 : memref<80x32xbf16, #tpu.memory_space<vmem>>)
    %dma_wait3A_92 = arith.constant 0 : i32
    %dma_wait3A_93 = arith.constant 124 : i32
    %dma_wait3A_94 = arith.constant 0 : i32
    %dma_wait3A_95 = arith.constant 0 : i32
    %dma_wait3A_96 = tpu.memref_slice %arg11[%dma_wait3A_92, %dma_wait3A_94, %dma_wait3A_95] : memref<2x80x48xf32, #tpu.memory_space<vmem>> -> memref<1x80x48xf32, #tpu.memory_space<vmem>>
    %dma_wait3A_97 = tpu.memref_squeeze %dma_wait3A_96 : memref<1x80x48xf32, #tpu.memory_space<vmem>> -> memref<80x48xf32, #tpu.memory_space<vmem>>
    %dma_wait3A_98 = arith.constant 0 : i32
    %dma_wait3A_99 = tpu.memref_slice %arg8[%dma_wait3A_93, %dma_wait3A_98] : memref<125x80xi32, #tpu.memory_space<vmem>> -> memref<1x80xi32, #tpu.memory_space<vmem>>
    %dma_wait3A_100 = tpu.memref_squeeze %dma_wait3A_99 : memref<1x80xi32, #tpu.memory_space<vmem>> -> memref<80xi32, #tpu.memory_space<vmem>>
    %dma_wait3A_101 = arith.constant 0 : i32
    %dma_wait3A_102 = arith.constant 0 : i32
    %dma_wait3A_103 = tpu.memref_slice %arg12[%dma_wait3A_101, %dma_wait3A_102] : memref<10112x48xf32, #tpu.memory_space<vmem_shared>> -> memref<10112x48xf32, #tpu.memory_space<vmem_shared>>
    tpu.wait_indirect_dma semaphore(%arg17 : memref<!tpu.dma_semaphore, #tpu.memory_space<semaphore_mem>>) src(%dma_wait3A_97 : memref<80x48xf32, #tpu.memory_space<vmem>>) dst(%dma_wait3A_103 : memref<10112x48xf32, #tpu.memory_space<vmem_shared>>)
    %parallel_loop3A = arith.constant 0 : i32
    %parallel_loop3A_104 = arith.constant 80 : i32
    %parallel_loop3A_105 = arith.constant 1 : i32
    %parallel_loop3A_106 = arith.constant 0 : i32
    %parallel_loop3A_107 = arith.constant 0 : i32
    %parallel_loop3A_108 = arith.constant 0 : i32
    scf.for %parallel_loop3A_150 = %parallel_loop3A to %parallel_loop3A_104 step %parallel_loop3A_105  : i32 {
      %parallel_loop3A_151 = arith.constant 0 : i32
      %parallel_loop3A_152 = arith.constant 0 : i32
      %parallel_loop3A_153 = tpu.memref_slice %arg9[%parallel_loop3A_106, %parallel_loop3A_151, %parallel_loop3A_152] : memref<2x80x64xbf16, #tpu.memory_space<vmem>> -> memref<1x80x64xbf16, #tpu.memory_space<vmem>>
      %parallel_loop3A_154 = tpu.memref_squeeze %parallel_loop3A_153 : memref<1x80x64xbf16, #tpu.memory_space<vmem>> -> memref<80x64xbf16, #tpu.memory_space<vmem>>
      %parallel_loop3A_155 = arith.index_cast %parallel_loop3A_150 : i32 to index
      %parallel_loop3A_156 = arith.constant 0 : index
      %parallel_loop3A_157 = tpu.vector_load %parallel_loop3A_154[%parallel_loop3A_155, %parallel_loop3A_156] {strides = array<i32>} : memref<80x64xbf16, #tpu.memory_space<vmem>>, vector<32xbf16>,
      %parallel_loop3A_158 = tpu.unpack_subelements %parallel_loop3A_157, 0 {pack_format = #tpu.pack_format<interleaved>} : vector<32xbf16> -> vector<16xf32>
      %parallel_loop3A_159 = tpu.unpack_subelements %parallel_loop3A_157, 1 {pack_format = #tpu.pack_format<interleaved>} : vector<32xbf16> -> vector<16xf32>
      %parallel_loop3A_160 = arith.constant 0 : i32
      %parallel_loop3A_161 = arith.constant 0 : i32
      %parallel_loop3A_162 = tpu.memref_slice %arg9[%parallel_loop3A_106, %parallel_loop3A_160, %parallel_loop3A_161] : memref<2x80x64xbf16, #tpu.memory_space<vmem>> -> memref<1x80x64xbf16, #tpu.memory_space<vmem>>
      %parallel_loop3A_163 = tpu.memref_squeeze %parallel_loop3A_162 : memref<1x80x64xbf16, #tpu.memory_space<vmem>> -> memref<80x64xbf16, #tpu.memory_space<vmem>>
      %parallel_loop3A_164 = arith.index_cast %parallel_loop3A_150 : i32 to index
      %parallel_loop3A_165 = arith.constant 32 : index
      %parallel_loop3A_166 = tpu.vector_load %parallel_loop3A_163[%parallel_loop3A_164, %parallel_loop3A_165] {strides = array<i32>} : memref<80x64xbf16, #tpu.memory_space<vmem>>, vector<32xbf16>,
      %parallel_loop3A_167 = tpu.unpack_subelements %parallel_loop3A_166, 0 {pack_format = #tpu.pack_format<interleaved>} : vector<32xbf16> -> vector<16xf32>
      %parallel_loop3A_168 = tpu.unpack_subelements %parallel_loop3A_166, 1 {pack_format = #tpu.pack_format<interleaved>} : vector<32xbf16> -> vector<16xf32>
      %parallel_loop3A_169 = arith.constant 0 : i32
      %parallel_loop3A_170 = arith.constant 0 : i32
      %parallel_loop3A_171 = tpu.memref_slice %arg10[%parallel_loop3A_107, %parallel_loop3A_169, %parallel_loop3A_170] : memref<2x80x32xbf16, #tpu.memory_space<vmem>> -> memref<1x80x32xbf16, #tpu.memory_space<vmem>>
      %parallel_loop3A_172 = tpu.memref_squeeze %parallel_loop3A_171 : memref<1x80x32xbf16, #tpu.memory_space<vmem>> -> memref<80x32xbf16, #tpu.memory_space<vmem>>
      %parallel_loop3A_173 = arith.index_cast %parallel_loop3A_150 : i32 to index
      %parallel_loop3A_174 = arith.constant 0 : index
      %parallel_loop3A_175 = tpu.vector_load %parallel_loop3A_172[%parallel_loop3A_173, %parallel_loop3A_174] {strides = array<i32>} : memref<80x32xbf16, #tpu.memory_space<vmem>>, vector<32xbf16>,
      %parallel_loop3A_176 = tpu.unpack_subelements %parallel_loop3A_175, 0 {pack_format = #tpu.pack_format<interleaved>} : vector<32xbf16> -> vector<16xf32>
      %parallel_loop3A_177 = tpu.unpack_subelements %parallel_loop3A_175, 1 {pack_format = #tpu.pack_format<interleaved>} : vector<32xbf16> -> vector<16xf32>
      %parallel_loop3A_178 = vector.shape_cast %broadcast_in_dim3A_15 : vector<16xi32> to vector<16x1xi32>
      %parallel_loop3A_179 = vector.shape_cast %parallel_loop3A_178 : vector<16x1xi32> to vector<16xi32>
      %parallel_loop3A_180 = tpu.dynamic_gather %parallel_loop3A_167[%parallel_loop3A_179] in [0] : vector<16xf32>, vector<16xi32> -> vector<16xf32>
      %parallel_loop3A_181 = vector.shape_cast %broadcast_in_dim3A_17 : vector<16xi32> to vector<16x1xi32>
      %parallel_loop3A_182 = vector.shape_cast %parallel_loop3A_181 : vector<16x1xi32> to vector<16xi32>
      %parallel_loop3A_183 = tpu.dynamic_gather %parallel_loop3A_176[%parallel_loop3A_182] in [0] : vector<16xf32>, vector<16xi32> -> vector<16xf32>
      %parallel_loop3A_184 = arith.addf %parallel_loop3A_180, %parallel_loop3A_183 : vector<16xf32>
      %parallel_loop3A_185 = arith.constant 2.000000e-01 : f32
      %parallel_loop3A_186 = vector.broadcast %parallel_loop3A_185 : f32 to vector<16xf32>
      %parallel_loop3A_187 = arith.mulf %parallel_loop3A_186, %parallel_loop3A_184 : vector<16xf32>
      %parallel_loop3A_188 = arith.maximumf %parallel_loop3A_184, %parallel_loop3A_187 : vector<16xf32>
      %parallel_loop3A_189 = math.exp %parallel_loop3A_188 : vector<16xf32>
      %parallel_loop3A_190 = arith.mulf %parallel_loop3A_158, %parallel_loop3A_189 : vector<16xf32>
      %parallel_loop3A_191 = arith.constant 0 : i32
      %parallel_loop3A_192 = arith.constant 0 : i32
      %parallel_loop3A_193 = tpu.memref_slice %arg11[%parallel_loop3A_108, %parallel_loop3A_191, %parallel_loop3A_192] : memref<2x80x48xf32, #tpu.memory_space<vmem>> -> memref<1x80x48xf32, #tpu.memory_space<vmem>>
      %parallel_loop3A_194 = tpu.memref_squeeze %parallel_loop3A_193 : memref<1x80x48xf32, #tpu.memory_space<vmem>> -> memref<80x48xf32, #tpu.memory_space<vmem>>
      %parallel_loop3A_195 = arith.index_cast %parallel_loop3A_150 : i32 to index
      %parallel_loop3A_196 = arith.constant 0 : index
      %parallel_loop3A_197 = tpu.vector_load %parallel_loop3A_194[%parallel_loop3A_195, %parallel_loop3A_196] {strides = array<i32>} : memref<80x48xf32, #tpu.memory_space<vmem>>, vector<16xf32>,
      tpu.vector_store %parallel_loop3A_194[%parallel_loop3A_195, %parallel_loop3A_196], %parallel_loop3A_190 {strides = array<i32>} : memref<80x48xf32, #tpu.memory_space<vmem>>, vector<16xf32>,
      %parallel_loop3A_198 = arith.mulf %parallel_loop3A_159, %parallel_loop3A_189 : vector<16xf32>
      %parallel_loop3A_199 = arith.constant 0 : i32
      %parallel_loop3A_200 = arith.constant 0 : i32
      %parallel_loop3A_201 = tpu.memref_slice %arg11[%parallel_loop3A_108, %parallel_loop3A_199, %parallel_loop3A_200] : memref<2x80x48xf32, #tpu.memory_space<vmem>> -> memref<1x80x48xf32, #tpu.memory_space<vmem>>
      %parallel_loop3A_202 = tpu.memref_squeeze %parallel_loop3A_201 : memref<1x80x48xf32, #tpu.memory_space<vmem>> -> memref<80x48xf32, #tpu.memory_space<vmem>>
      %parallel_loop3A_203 = arith.index_cast %parallel_loop3A_150 : i32 to index
      %parallel_loop3A_204 = arith.constant 16 : index
      %parallel_loop3A_205 = tpu.vector_load %parallel_loop3A_202[%parallel_loop3A_203, %parallel_loop3A_204] {strides = array<i32>} : memref<80x48xf32, #tpu.memory_space<vmem>>, vector<16xf32>,
      tpu.vector_store %parallel_loop3A_202[%parallel_loop3A_203, %parallel_loop3A_204], %parallel_loop3A_198 {strides = array<i32>} : memref<80x48xf32, #tpu.memory_space<vmem>>, vector<16xf32>,
      %parallel_loop3A_206 = arith.mulf %parallel_loop3A_167, %parallel_loop3A_189 : vector<16xf32>
      %parallel_loop3A_207 = arith.constant 0 : i32
      %parallel_loop3A_208 = arith.constant 0 : i32
      %parallel_loop3A_209 = tpu.memref_slice %arg11[%parallel_loop3A_108, %parallel_loop3A_207, %parallel_loop3A_208] : memref<2x80x48xf32, #tpu.memory_space<vmem>> -> memref<1x80x48xf32, #tpu.memory_space<vmem>>
      %parallel_loop3A_210 = tpu.memref_squeeze %parallel_loop3A_209 : memref<1x80x48xf32, #tpu.memory_space<vmem>> -> memref<80x48xf32, #tpu.memory_space<vmem>>
      %parallel_loop3A_211 = arith.index_cast %parallel_loop3A_150 : i32 to index
      %parallel_loop3A_212 = arith.constant 32 : index
      %parallel_loop3A_213 = tpu.vector_load %parallel_loop3A_210[%parallel_loop3A_211, %parallel_loop3A_212] {strides = array<i32>} : memref<80x48xf32, #tpu.memory_space<vmem>>, vector<16xf32>,
      tpu.vector_store %parallel_loop3A_210[%parallel_loop3A_211, %parallel_loop3A_212], %parallel_loop3A_206 {strides = array<i32>} : memref<80x48xf32, #tpu.memory_space<vmem>>, vector<16xf32>,
    } {sc.loop_unroll_factor = 4 : i64, sc.parallel_access}
    %dma_start3A_109 = arith.constant 0 : i32
    %dma_start3A_110 = arith.constant 124 : i32
    %dma_start3A_111 = arith.constant 0 : i32
    %dma_start3A_112 = arith.constant 0 : i32
    %dma_start3A_113 = tpu.memref_slice %arg11[%dma_start3A_109, %dma_start3A_111, %dma_start3A_112] : memref<2x80x48xf32, #tpu.memory_space<vmem>> -> memref<1x80x48xf32, #tpu.memory_space<vmem>>
    %dma_start3A_114 = tpu.memref_squeeze %dma_start3A_113 : memref<1x80x48xf32, #tpu.memory_space<vmem>> -> memref<80x48xf32, #tpu.memory_space<vmem>>
    %dma_start3A_115 = arith.constant 0 : i32
    %dma_start3A_116 = tpu.memref_slice %arg8[%dma_start3A_110, %dma_start3A_115] : memref<125x80xi32, #tpu.memory_space<vmem>> -> memref<1x80xi32, #tpu.memory_space<vmem>>
    %dma_start3A_117 = tpu.memref_squeeze %dma_start3A_116 : memref<1x80xi32, #tpu.memory_space<vmem>> -> memref<80xi32, #tpu.memory_space<vmem>>
    %dma_start3A_118 = arith.constant 0 : i32
    %dma_start3A_119 = arith.constant 0 : i32
    %dma_start3A_120 = tpu.memref_slice %arg12[%dma_start3A_118, %dma_start3A_119] : memref<10112x48xf32, #tpu.memory_space<vmem_shared>> -> memref<10112x48xf32, #tpu.memory_space<vmem_shared>>
    tpu.enqueue_indirect_dma source(%dma_start3A_114 : memref<80x48xf32, #tpu.memory_space<vmem>>) target(%dma_start3A_120 : memref<10112x48xf32, #tpu.memory_space<vmem_shared>>) offsets(%dma_start3A_117 : memref<80xi32, #tpu.memory_space<vmem>>) semaphore(%arg17 : memref<!tpu.dma_semaphore, #tpu.memory_space<semaphore_mem>>) {add = true}
    %dma_wait3A_121 = arith.constant 0 : i32
    %dma_wait3A_122 = arith.constant 124 : i32
    %dma_wait3A_123 = arith.constant 0 : i32
    %dma_wait3A_124 = arith.constant 0 : i32
    %dma_wait3A_125 = tpu.memref_slice %arg11[%dma_wait3A_121, %dma_wait3A_123, %dma_wait3A_124] : memref<2x80x48xf32, #tpu.memory_space<vmem>> -> memref<1x80x48xf32, #tpu.memory_space<vmem>>
    %dma_wait3A_126 = tpu.memref_squeeze %dma_wait3A_125 : memref<1x80x48xf32, #tpu.memory_space<vmem>> -> memref<80x48xf32, #tpu.memory_space<vmem>>
    %dma_wait3A_127 = arith.constant 0 : i32
    %dma_wait3A_128 = tpu.memref_slice %arg8[%dma_wait3A_122, %dma_wait3A_127] : memref<125x80xi32, #tpu.memory_space<vmem>> -> memref<1x80xi32, #tpu.memory_space<vmem>>
    %dma_wait3A_129 = tpu.memref_squeeze %dma_wait3A_128 : memref<1x80xi32, #tpu.memory_space<vmem>> -> memref<80xi32, #tpu.memory_space<vmem>>
    %dma_wait3A_130 = arith.constant 0 : i32
    %dma_wait3A_131 = arith.constant 0 : i32
    %dma_wait3A_132 = tpu.memref_slice %arg12[%dma_wait3A_130, %dma_wait3A_131] : memref<10112x48xf32, #tpu.memory_space<vmem_shared>> -> memref<10112x48xf32, #tpu.memory_space<vmem_shared>>
    tpu.wait_indirect_dma semaphore(%arg17 : memref<!tpu.dma_semaphore, #tpu.memory_space<semaphore_mem>>) src(%dma_wait3A_126 : memref<80x48xf32, #tpu.memory_space<vmem>>) dst(%dma_wait3A_132 : memref<10112x48xf32, #tpu.memory_space<vmem_shared>>)
    %dma_wait3A_133 = arith.constant 1 : i32
    %dma_wait3A_134 = arith.constant 123 : i32
    %dma_wait3A_135 = arith.constant 0 : i32
    %dma_wait3A_136 = arith.constant 0 : i32
    %dma_wait3A_137 = tpu.memref_slice %arg11[%dma_wait3A_133, %dma_wait3A_135, %dma_wait3A_136] : memref<2x80x48xf32, #tpu.memory_space<vmem>> -> memref<1x80x48xf32, #tpu.memory_space<vmem>>
    %dma_wait3A_138 = tpu.memref_squeeze %dma_wait3A_137 : memref<1x80x48xf32, #tpu.memory_space<vmem>> -> memref<80x48xf32, #tpu.memory_space<vmem>>
    %dma_wait3A_139 = arith.constant 0 : i32
    %dma_wait3A_140 = tpu.memref_slice %arg8[%dma_wait3A_134, %dma_wait3A_139] : memref<125x80xi32, #tpu.memory_space<vmem>> -> memref<1x80xi32, #tpu.memory_space<vmem>>
    %dma_wait3A_141 = tpu.memref_squeeze %dma_wait3A_140 : memref<1x80xi32, #tpu.memory_space<vmem>> -> memref<80xi32, #tpu.memory_space<vmem>>
    %dma_wait3A_142 = arith.constant 0 : i32
    %dma_wait3A_143 = arith.constant 0 : i32
    %dma_wait3A_144 = tpu.memref_slice %arg12[%dma_wait3A_142, %dma_wait3A_143] : memref<10112x48xf32, #tpu.memory_space<vmem_shared>> -> memref<10112x48xf32, #tpu.memory_space<vmem_shared>>
    tpu.wait_indirect_dma semaphore(%arg18 : memref<!tpu.dma_semaphore, #tpu.memory_space<semaphore_mem>>) src(%dma_wait3A_138 : memref<80x48xf32, #tpu.memory_space<vmem>>) dst(%dma_wait3A_144 : memref<10112x48xf32, #tpu.memory_space<vmem_shared>>)
    %barrier3A_145 = arith.constant 0 : index
    tpu.barrier barrier_id(%barrier3A_145)
    %mul3A_146 = arith.constant 632 : i32
    %mul3A_147 = arith.muli %arg1, %mul3A_146 : i32
    %mul3A_148 = arith.constant 632 : i32
    %mul3A_149 = arith.muli %arg1, %mul3A_148 : i32
    "tpu.region"() ({
      %run_scoped3A_150 = tpu.sem_alloc : memref<!tpu.dma_semaphore, #tpu.memory_space<semaphore_mem>>
      %dma_start3A_151 = arith.constant 0 : i32
      %dma_start3A_152 = tpu.memref_slice %arg6[%arg0, %mul3A_149, %dma_start3A_151] : memref<2x10112x128xf32, #tpu.memory_space<hbm>> -> memref<1x632x48xf32, #tpu.memory_space<hbm>>
      %dma_start3A_153 = tpu.memref_squeeze %dma_start3A_152 : memref<1x632x48xf32, #tpu.memory_space<hbm>> -> memref<632x48xf32, #tpu.memory_space<hbm>>
      %dma_start3A_154 = arith.constant 0 : i32
      %dma_start3A_155 = tpu.memref_slice %arg12[%mul3A_147, %dma_start3A_154] : memref<10112x48xf32, #tpu.memory_space<vmem_shared>> -> memref<632x48xf32, #tpu.memory_space<vmem_shared>>
      tpu.enqueue_dma source(%dma_start3A_155 : memref<632x48xf32, #tpu.memory_space<vmem_shared>>) target(%dma_start3A_153 : memref<632x48xf32, #tpu.memory_space<hbm>>) target_semaphore(%run_scoped3A_150 : memref<!tpu.dma_semaphore, #tpu.memory_space<semaphore_mem>>)
      %dma_wait3A_156 = arith.constant 0 : i32
      %dma_wait3A_157 = tpu.memref_slice %arg6[%arg0, %mul3A_149, %dma_wait3A_156] : memref<2x10112x128xf32, #tpu.memory_space<hbm>> -> memref<1x632x48xf32, #tpu.memory_space<hbm>>
      %dma_wait3A_158 = tpu.memref_squeeze %dma_wait3A_157 : memref<1x632x48xf32, #tpu.memory_space<hbm>> -> memref<632x48xf32, #tpu.memory_space<hbm>>
      %dma_wait3A_159 = arith.constant 0 : i32
      %dma_wait3A_160 = tpu.memref_slice %arg12[%mul3A_147, %dma_wait3A_159] : memref<10112x48xf32, #tpu.memory_space<vmem_shared>> -> memref<632x48xf32, #tpu.memory_space<vmem_shared>>
      tpu.wait_dma2 semaphore(%run_scoped3A_150 : memref<!tpu.dma_semaphore, #tpu.memory_space<semaphore_mem>>) src(%dma_wait3A_160 : memref<632x48xf32, #tpu.memory_space<vmem_shared>>) dst(%dma_wait3A_158 : memref<632x48xf32, #tpu.memory_space<hbm>>)
      tpu.yield
    }) : () -> ()
    return
  }
}

module attributes {stable_mosaic.version = 14 : i64} {
  func.func @body(%arg0: i32, %arg1: memref<2000x128xf32, #tpu.memory_space<vmem>>, %arg2: memref<2000x16xf32, #tpu.memory_space<vmem>>, %arg3: memref<16x16xf32, #tpu.memory_space<vmem>>, %arg4: memref<1x16xf32, #tpu.memory_space<vmem>>, %arg5: memref<128x72xf32, #tpu.memory_space<vmem>>, %arg6: memref<16x72xf32, #tpu.memory_space<vmem>>, %arg7: memref<128x8xf32, #tpu.memory_space<vmem>>, %arg8: memref<16x8xf32, #tpu.memory_space<vmem>>, %arg9: memref<80x96xf32, #tpu.memory_space<vmem>>, %arg10: memref<16x32xf32, #tpu.memory_space<vmem>>, %arg11: memref<2000x96xbf16, #tpu.memory_space<vmem>>, %arg12: memref<2000x32xbf16, #tpu.memory_space<vmem>>) attributes {dimension_semantics = [#tpu.dimension_semantics<arbitrary>], iteration_bounds = array<i64: 5>, scalar_prefetch = 0 : i64, scratch_operands = 0 : i64, tpu.core_type = #tpu.core_type<tc>, window_params = [{transform_indices = @transform_0, window_bounds = array<i64: 2000, 128>}, {transform_indices = @transform_1, window_bounds = array<i64: 2000, 16>}, {pipeline_mode = #tpu.pipeline_mode<synchronous>, transform_indices = @transform_2, window_bounds = array<i64: 16, 16>}, {pipeline_mode = #tpu.pipeline_mode<synchronous>, transform_indices = @transform_3, window_bounds = array<i64: 1, 16>}, {pipeline_mode = #tpu.pipeline_mode<synchronous>, transform_indices = @transform_4, window_bounds = array<i64: 128, 72>}, {pipeline_mode = #tpu.pipeline_mode<synchronous>, transform_indices = @transform_5, window_bounds = array<i64: 16, 72>}, {pipeline_mode = #tpu.pipeline_mode<synchronous>, transform_indices = @transform_6, window_bounds = array<i64: 128, 8>}, {pipeline_mode = #tpu.pipeline_mode<synchronous>, transform_indices = @transform_7, window_bounds = array<i64: 16, 8>}, {pipeline_mode = #tpu.pipeline_mode<synchronous>, transform_indices = @transform_8, window_bounds = array<i64: 80, 96>}, {pipeline_mode = #tpu.pipeline_mode<synchronous>, transform_indices = @transform_9, window_bounds = array<i64: 16, 32>}, {transform_indices = @transform_10, window_bounds = array<i64: 2000, 96>}, {transform_indices = @transform_11, window_bounds = array<i64: 2000, 32>}]} {
    %get3A = arith.constant 0 : index
    %get3A_0 = arith.constant 0 : index
    %get3A_1 = vector.load %arg2[%get3A, %get3A_0] : memref<2000x16xf32, #tpu.memory_space<vmem>>, vector<2000x16xf32>
    %get3A_2 = arith.constant 0 : index
    %get3A_3 = arith.constant 0 : index
    %get3A_4 = vector.load %arg3[%get3A_2, %get3A_3] : memref<16x16xf32, #tpu.memory_space<vmem>>, vector<16x16xf32>
    %dot_general3A = arith.constant dense<0.000000e+00> : vector<2000x16xf32>
    %dot_general3A_5 = tpu.matmul %get3A_1, %get3A_4, %dot_general3A {dimension_numbers = #tpu.dot_dimension_numbers<[1], [0], [0], [1], [0, 0, 1, 1], [], []>, transpose_lhs_hint = false} : vector<2000x16xf32>, vector<16x16xf32>, vector<2000x16xf32> -> vector<2000x16xf32>
    %get3A_6 = arith.constant 0 : index
    %get3A_7 = arith.constant 0 : index
    %get3A_8 = vector.load %arg4[%get3A_6, %get3A_7] : memref<1x16xf32, #tpu.memory_space<vmem>>, vector<1x16xf32>
    %add3A = vector.broadcast %get3A_8 : vector<1x16xf32> to vector<2000x16xf32>
    %add3A_9 = arith.addf %dot_general3A_5, %add3A : vector<2000x16xf32>
    %get3A_10 = arith.constant 0 : index
    %get3A_11 = arith.constant 0 : index
    %get3A_12 = vector.load %arg1[%get3A_10, %get3A_11] : memref<2000x128xf32, #tpu.memory_space<vmem>>, vector<2000x128xf32>
    %get3A_13 = arith.constant 0 : index
    %get3A_14 = arith.constant 0 : index
    %get3A_15 = vector.load %arg5[%get3A_13, %get3A_14] : memref<128x72xf32, #tpu.memory_space<vmem>>, vector<128x72xf32>
    %dot_general3A_16 = arith.constant dense<0.000000e+00> : vector<2000x72xf32>
    %dot_general3A_17 = tpu.matmul %get3A_12, %get3A_15, %dot_general3A_16 {dimension_numbers = #tpu.dot_dimension_numbers<[1], [0], [0], [1], [0, 0, 1, 1], [], []>, transpose_lhs_hint = false} : vector<2000x128xf32>, vector<128x72xf32>, vector<2000x72xf32> -> vector<2000x72xf32>
    %get3A_18 = arith.constant 0 : index
    %get3A_19 = arith.constant 0 : index
    %get3A_20 = vector.load %arg6[%get3A_18, %get3A_19] : memref<16x72xf32, #tpu.memory_space<vmem>>, vector<16x72xf32>
    %dot_general3A_21 = arith.constant dense<0.000000e+00> : vector<2000x72xf32>
    %dot_general3A_22 = tpu.matmul %add3A_9, %get3A_20, %dot_general3A_21 {dimension_numbers = #tpu.dot_dimension_numbers<[1], [0], [0], [1], [0, 0, 1, 1], [], []>, transpose_lhs_hint = false} : vector<2000x16xf32>, vector<16x72xf32>, vector<2000x72xf32> -> vector<2000x72xf32>
    %add3A_23 = arith.addf %dot_general3A_17, %dot_general3A_22 : vector<2000x72xf32>
    %get3A_24 = arith.constant 0 : index
    %get3A_25 = arith.constant 0 : index
    %get3A_26 = vector.load %arg7[%get3A_24, %get3A_25] : memref<128x8xf32, #tpu.memory_space<vmem>>, vector<128x8xf32>
    %dot_general3A_27 = arith.constant dense<0.000000e+00> : vector<2000x8xf32>
    %dot_general3A_28 = tpu.matmul %get3A_12, %get3A_26, %dot_general3A_27 {dimension_numbers = #tpu.dot_dimension_numbers<[1], [0], [0], [1], [0, 0, 1, 1], [], []>, transpose_lhs_hint = false} : vector<2000x128xf32>, vector<128x8xf32>, vector<2000x8xf32> -> vector<2000x8xf32>
    %get3A_29 = arith.constant 0 : index
    %get3A_30 = arith.constant 0 : index
    %get3A_31 = vector.load %arg8[%get3A_29, %get3A_30] : memref<16x8xf32, #tpu.memory_space<vmem>>, vector<16x8xf32>
    %dot_general3A_32 = arith.constant dense<0.000000e+00> : vector<2000x8xf32>
    %dot_general3A_33 = tpu.matmul %add3A_9, %get3A_31, %dot_general3A_32 {dimension_numbers = #tpu.dot_dimension_numbers<[1], [0], [0], [1], [0, 0, 1, 1], [], []>, transpose_lhs_hint = false} : vector<2000x16xf32>, vector<16x8xf32>, vector<2000x8xf32> -> vector<2000x8xf32>
    %add3A_34 = arith.addf %dot_general3A_28, %dot_general3A_33 : vector<2000x8xf32>
    %slice3A = vector.extract_strided_slice %add3A_23 {offsets = [0, 0], sizes = [2000, 64], strides = [1, 1]} : vector<2000x72xf32> to vector<2000x64xf32>
    %slice3A_35 = vector.extract_strided_slice %add3A_23 {offsets = [0, 64], sizes = [2000, 8], strides = [1, 1]} : vector<2000x72xf32> to vector<2000x8xf32>
    %exp3A = math.exp %slice3A_35 : vector<2000x8xf32>
    %mul3A = arith.constant 2.000000e-01 : f32
    %mul3A_36 = vector.broadcast %mul3A : f32 to vector<2000x8xf32>
    %mul3A_37 = arith.mulf %mul3A_36, %slice3A_35 : vector<2000x8xf32>
    %exp3A_38 = math.exp %mul3A_37 : vector<2000x8xf32>
    %concatenate3A = tpu.concatenate %slice3A, %exp3A, %exp3A_38 in 1 : vector<2000x64xf32>, vector<2000x8xf32>, vector<2000x8xf32> -> vector<2000x80xf32>
    %exp3A_39 = math.exp %add3A_34 : vector<2000x8xf32>
    %mul3A_40 = arith.constant 2.000000e-01 : f32
    %mul3A_41 = vector.broadcast %mul3A_40 : f32 to vector<2000x8xf32>
    %mul3A_42 = arith.mulf %mul3A_41, %add3A_34 : vector<2000x8xf32>
    %exp3A_43 = math.exp %mul3A_42 : vector<2000x8xf32>
    %concatenate3A_44 = tpu.concatenate %exp3A_39, %exp3A_43 in 1 : vector<2000x8xf32>, vector<2000x8xf32> -> vector<2000x16xf32>
    %get3A_45 = arith.constant 0 : index
    %get3A_46 = arith.constant 0 : index
    %get3A_47 = vector.load %arg9[%get3A_45, %get3A_46] : memref<80x96xf32, #tpu.memory_space<vmem>>, vector<80x96xf32>
    %dot_general3A_48 = arith.constant dense<0.000000e+00> : vector<2000x96xf32>
    %dot_general3A_49 = tpu.matmul %concatenate3A, %get3A_47, %dot_general3A_48 {dimension_numbers = #tpu.dot_dimension_numbers<[1], [0], [0], [1], [0, 0, 1, 1], [], []>, transpose_lhs_hint = false} : vector<2000x80xf32>, vector<80x96xf32>, vector<2000x96xf32> -> vector<2000x96xf32>
    %convert_element_type3A = arith.truncf %dot_general3A_49 : vector<2000x96xf32> to vector<2000x96xbf16>
    %swap3A = arith.constant 0 : index
    %swap3A_50 = arith.constant 0 : index
    %swap3A_51 = vector.load %arg11[%swap3A, %swap3A_50] : memref<2000x96xbf16, #tpu.memory_space<vmem>>, vector<2000x96xbf16>
    tpu.vector_store %arg11[%swap3A, %swap3A_50], %convert_element_type3A {strides = array<i32>} : memref<2000x96xbf16, #tpu.memory_space<vmem>>, vector<2000x96xbf16>,
    %get3A_52 = arith.constant 0 : index
    %get3A_53 = arith.constant 0 : index
    %get3A_54 = vector.load %arg10[%get3A_52, %get3A_53] : memref<16x32xf32, #tpu.memory_space<vmem>>, vector<16x32xf32>
    %dot_general3A_55 = arith.constant dense<0.000000e+00> : vector<2000x32xf32>
    %dot_general3A_56 = tpu.matmul %concatenate3A_44, %get3A_54, %dot_general3A_55 {dimension_numbers = #tpu.dot_dimension_numbers<[1], [0], [0], [1], [0, 0, 1, 1], [], []>, transpose_lhs_hint = false} : vector<2000x16xf32>, vector<16x32xf32>, vector<2000x32xf32> -> vector<2000x32xf32>
    %convert_element_type3A_57 = arith.truncf %dot_general3A_56 : vector<2000x32xf32> to vector<2000x32xbf16>
    %swap3A_58 = arith.constant 0 : index
    %swap3A_59 = arith.constant 0 : index
    %swap3A_60 = vector.load %arg12[%swap3A_58, %swap3A_59] : memref<2000x32xbf16, #tpu.memory_space<vmem>>, vector<2000x32xbf16>
    tpu.vector_store %arg12[%swap3A_58, %swap3A_59], %convert_element_type3A_57 {strides = array<i32>} : memref<2000x32xbf16, #tpu.memory_space<vmem>>, vector<2000x32xbf16>,
    return
  }
  func.func @transform_0(%arg0: i32) -> (i32, i32) {
    %c0_i32 = arith.constant 0 : i32
    %c0_i32_0 = arith.constant 0 : i32
    return %arg0, %c0_i32 : i32, i32
  }
  func.func @transform_1(%arg0: i32) -> (i32, i32) {
    %c0_i32 = arith.constant 0 : i32
    %c0_i32_0 = arith.constant 0 : i32
    return %arg0, %c0_i32 : i32, i32
  }
  func.func @transform_2(%arg0: i32) -> (i32, i32) {
    %c0_i32 = arith.constant 0 : i32
    %c0_i32_0 = arith.constant 0 : i32
    %c0_i32_1 = arith.constant 0 : i32
    return %c0_i32, %c0_i32_0 : i32, i32
  }
  func.func @transform_3(%arg0: i32) -> (i32, i32) {
    %c0_i32 = arith.constant 0 : i32
    %c0_i32_0 = arith.constant 0 : i32
    %c0_i32_1 = arith.constant 0 : i32
    return %c0_i32, %c0_i32_0 : i32, i32
  }
  func.func @transform_4(%arg0: i32) -> (i32, i32) {
    %c0_i32 = arith.constant 0 : i32
    %c0_i32_0 = arith.constant 0 : i32
    %c0_i32_1 = arith.constant 0 : i32
    return %c0_i32, %c0_i32_0 : i32, i32
  }
  func.func @transform_5(%arg0: i32) -> (i32, i32) {
    %c0_i32 = arith.constant 0 : i32
    %c0_i32_0 = arith.constant 0 : i32
    %c0_i32_1 = arith.constant 0 : i32
    return %c0_i32, %c0_i32_0 : i32, i32
  }
  func.func @transform_6(%arg0: i32) -> (i32, i32) {
    %c0_i32 = arith.constant 0 : i32
    %c0_i32_0 = arith.constant 0 : i32
    %c0_i32_1 = arith.constant 0 : i32
    return %c0_i32, %c0_i32_0 : i32, i32
  }
  func.func @transform_7(%arg0: i32) -> (i32, i32) {
    %c0_i32 = arith.constant 0 : i32
    %c0_i32_0 = arith.constant 0 : i32
    %c0_i32_1 = arith.constant 0 : i32
    return %c0_i32, %c0_i32_0 : i32, i32
  }
  func.func @transform_8(%arg0: i32) -> (i32, i32) {
    %c0_i32 = arith.constant 0 : i32
    %c0_i32_0 = arith.constant 0 : i32
    %c0_i32_1 = arith.constant 0 : i32
    return %c0_i32, %c0_i32_0 : i32, i32
  }
  func.func @transform_9(%arg0: i32) -> (i32, i32) {
    %c0_i32 = arith.constant 0 : i32
    %c0_i32_0 = arith.constant 0 : i32
    %c0_i32_1 = arith.constant 0 : i32
    return %c0_i32, %c0_i32_0 : i32, i32
  }
  func.func @transform_10(%arg0: i32) -> (i32, i32) {
    %c0_i32 = arith.constant 0 : i32
    %c0_i32_0 = arith.constant 0 : i32
    return %arg0, %c0_i32 : i32, i32
  }
  func.func @transform_11(%arg0: i32) -> (i32, i32) {
    %c0_i32 = arith.constant 0 : i32
    %c0_i32_0 = arith.constant 0 : i32
    return %arg0, %c0_i32 : i32, i32
  }
}

module attributes {stable_mosaic.version = 14 : i64} {
  func.func @body(%arg0: i32, %arg1: memref<2x2000x128xf32, #tpu.memory_space<vmem>>, %arg2: memref<1x64xf32, #tpu.memory_space<vmem>>, %arg3: memref<8x64xf32, #tpu.memory_space<vmem>>, %arg4: memref<64x48xf32, #tpu.memory_space<vmem>>, %arg5: memref<64x16xf32, #tpu.memory_space<vmem>>, %arg6: memref<1x48xf32, #tpu.memory_space<vmem>>, %arg7: memref<48x64xf32, #tpu.memory_space<vmem>>, %arg8: memref<16x32xf32, #tpu.memory_space<vmem>>, %arg9: memref<2000x64xbf16, #tpu.memory_space<vmem>>, %arg10: memref<2000x32xbf16, #tpu.memory_space<vmem>>) attributes {dimension_semantics = [#tpu.dimension_semantics<arbitrary>], iteration_bounds = array<i64: 5>, scalar_prefetch = 0 : i64, scratch_operands = 0 : i64, tpu.core_type = #tpu.core_type<tc>, window_params = [{transform_indices = @transform_0, window_bounds = array<i64: 2, 2000, 128>}, {pipeline_mode = #tpu.pipeline_mode<synchronous>, transform_indices = @transform_1, window_bounds = array<i64: 1, 64>}, {pipeline_mode = #tpu.pipeline_mode<synchronous>, transform_indices = @transform_2, window_bounds = array<i64: 8, 64>}, {pipeline_mode = #tpu.pipeline_mode<synchronous>, transform_indices = @transform_3, window_bounds = array<i64: 64, 48>}, {pipeline_mode = #tpu.pipeline_mode<synchronous>, transform_indices = @transform_4, window_bounds = array<i64: 64, 16>}, {pipeline_mode = #tpu.pipeline_mode<synchronous>, transform_indices = @transform_5, window_bounds = array<i64: 1, 48>}, {pipeline_mode = #tpu.pipeline_mode<synchronous>, transform_indices = @transform_6, window_bounds = array<i64: 48, 64>}, {pipeline_mode = #tpu.pipeline_mode<synchronous>, transform_indices = @transform_7, window_bounds = array<i64: 16, 32>}, {transform_indices = @transform_8, window_bounds = array<i64: 2000, 64>}, {transform_indices = @transform_9, window_bounds = array<i64: 2000, 32>}]} {
    %get3A = arith.constant 0 : index
    %get3A_0 = arith.constant 0 : index
    %get3A_1 = arith.constant 0 : index
    %get3A_2 = vector.load %arg1[%get3A, %get3A_0, %get3A_1] : memref<2x2000x128xf32, #tpu.memory_space<vmem>>, vector<1x2000x72xf32>
    %get3A_3 = vector.shape_cast %get3A_2 : vector<1x2000x72xf32> to vector<2000x72xf32>
    %get3A_4 = arith.constant 1 : index
    %get3A_5 = arith.constant 0 : index
    %get3A_6 = arith.constant 0 : index
    %get3A_7 = vector.load %arg1[%get3A_4, %get3A_5, %get3A_6] : memref<2x2000x128xf32, #tpu.memory_space<vmem>>, vector<1x2000x72xf32>
    %get3A_8 = vector.shape_cast %get3A_7 : vector<1x2000x72xf32> to vector<2000x72xf32>
    %add3A = arith.addf %get3A_3, %get3A_8 : vector<2000x72xf32>
    %slice3A = vector.extract_strided_slice %add3A {offsets = [0, 0], sizes = [2000, 64], strides = [1, 1]} : vector<2000x72xf32> to vector<2000x64xf32>
    %slice3A_9 = vector.extract_strided_slice %add3A {offsets = [0, 64], sizes = [2000, 8], strides = [1, 1]} : vector<2000x72xf32> to vector<2000x8xf32>
    %get3A_10 = arith.constant 0 : index
    %get3A_11 = arith.constant 0 : index
    %get3A_12 = vector.load %arg3[%get3A_10, %get3A_11] : memref<8x64xf32, #tpu.memory_space<vmem>>, vector<8x64xf32>
    %dot_general3A = arith.constant dense<0.000000e+00> : vector<2000x64xf32>
    %dot_general3A_13 = tpu.matmul %slice3A_9, %get3A_12, %dot_general3A {dimension_numbers = #tpu.dot_dimension_numbers<[1], [0], [0], [1], [0, 0, 1, 1], [], []>, transpose_lhs_hint = false} : vector<2000x8xf32>, vector<8x64xf32>, vector<2000x64xf32> -> vector<2000x64xf32>
    %add3A_14 = arith.constant 1.000000e-16 : f32
    %add3A_15 = vector.broadcast %add3A_14 : f32 to vector<2000x64xf32>
    %add3A_16 = arith.addf %dot_general3A_13, %add3A_15 : vector<2000x64xf32>
    %div3A = arith.divf %slice3A, %add3A_16 : vector<2000x64xf32>
    %get3A_17 = arith.constant 0 : index
    %get3A_18 = arith.constant 0 : index
    %get3A_19 = vector.load %arg2[%get3A_17, %get3A_18] : memref<1x64xf32, #tpu.memory_space<vmem>>, vector<1x64xf32>
    %add3A_20 = vector.broadcast %get3A_19 : vector<1x64xf32> to vector<2000x64xf32>
    %add3A_21 = arith.addf %div3A, %add3A_20 : vector<2000x64xf32>
    %max3A = arith.constant 0.000000e+00 : f32
    %max3A_22 = vector.broadcast %max3A : f32 to vector<2000x64xf32>
    %max3A_23 = arith.maximumf %add3A_21, %max3A_22 : vector<2000x64xf32>
    %min3A = arith.constant 0.000000e+00 : f32
    %min3A_24 = vector.broadcast %min3A : f32 to vector<2000x64xf32>
    %min3A_25 = arith.minimumf %add3A_21, %min3A_24 : vector<2000x64xf32>
    %exp3A = math.exp %min3A_25 : vector<2000x64xf32>
    %sub3A = arith.constant 1.000000e+00 : f32
    %sub3A_26 = vector.broadcast %sub3A : f32 to vector<2000x64xf32>
    %sub3A_27 = arith.subf %exp3A, %sub3A_26 : vector<2000x64xf32>
    %add3A_28 = arith.addf %max3A_23, %sub3A_27 : vector<2000x64xf32>
    %get3A_29 = arith.constant 0 : index
    %get3A_30 = arith.constant 0 : index
    %get3A_31 = vector.load %arg4[%get3A_29, %get3A_30] : memref<64x48xf32, #tpu.memory_space<vmem>>, vector<64x48xf32>
    %dot_general3A_32 = arith.constant dense<0.000000e+00> : vector<2000x48xf32>
    %dot_general3A_33 = tpu.matmul %add3A_28, %get3A_31, %dot_general3A_32 {dimension_numbers = #tpu.dot_dimension_numbers<[1], [0], [0], [1], [0, 0, 1, 1], [], []>, transpose_lhs_hint = false} : vector<2000x64xf32>, vector<64x48xf32>, vector<2000x48xf32> -> vector<2000x48xf32>
    %get3A_34 = arith.constant 0 : index
    %get3A_35 = arith.constant 0 : index
    %get3A_36 = vector.load %arg6[%get3A_34, %get3A_35] : memref<1x48xf32, #tpu.memory_space<vmem>>, vector<1x48xf32>
    %add3A_37 = vector.broadcast %get3A_36 : vector<1x48xf32> to vector<2000x48xf32>
    %add3A_38 = arith.addf %dot_general3A_33, %add3A_37 : vector<2000x48xf32>
    %get3A_39 = arith.constant 0 : index
    %get3A_40 = arith.constant 0 : index
    %get3A_41 = vector.load %arg5[%get3A_39, %get3A_40] : memref<64x16xf32, #tpu.memory_space<vmem>>, vector<64x16xf32>
    %dot_general3A_42 = arith.constant dense<0.000000e+00> : vector<2000x16xf32>
    %dot_general3A_43 = tpu.matmul %add3A_28, %get3A_41, %dot_general3A_42 {dimension_numbers = #tpu.dot_dimension_numbers<[1], [0], [0], [1], [0, 0, 1, 1], [], []>, transpose_lhs_hint = false} : vector<2000x64xf32>, vector<64x16xf32>, vector<2000x16xf32> -> vector<2000x16xf32>
    %get3A_44 = arith.constant 0 : index
    %get3A_45 = arith.constant 0 : index
    %get3A_46 = vector.load %arg7[%get3A_44, %get3A_45] : memref<48x64xf32, #tpu.memory_space<vmem>>, vector<48x64xf32>
    %dot_general3A_47 = arith.constant dense<0.000000e+00> : vector<2000x64xf32>
    %dot_general3A_48 = tpu.matmul %add3A_38, %get3A_46, %dot_general3A_47 {dimension_numbers = #tpu.dot_dimension_numbers<[1], [0], [0], [1], [0, 0, 1, 1], [], []>, transpose_lhs_hint = false} : vector<2000x48xf32>, vector<48x64xf32>, vector<2000x64xf32> -> vector<2000x64xf32>
    %convert_element_type3A = arith.truncf %dot_general3A_48 : vector<2000x64xf32> to vector<2000x64xbf16>
    %swap3A = arith.constant 0 : index
    %swap3A_49 = arith.constant 0 : index
    %swap3A_50 = vector.load %arg9[%swap3A, %swap3A_49] : memref<2000x64xbf16, #tpu.memory_space<vmem>>, vector<2000x64xbf16>
    tpu.vector_store %arg9[%swap3A, %swap3A_49], %convert_element_type3A {strides = array<i32>} : memref<2000x64xbf16, #tpu.memory_space<vmem>>, vector<2000x64xbf16>,
    %get3A_51 = arith.constant 0 : index
    %get3A_52 = arith.constant 0 : index
    %get3A_53 = vector.load %arg8[%get3A_51, %get3A_52] : memref<16x32xf32, #tpu.memory_space<vmem>>, vector<16x32xf32>
    %dot_general3A_54 = arith.constant dense<0.000000e+00> : vector<2000x32xf32>
    %dot_general3A_55 = tpu.matmul %dot_general3A_43, %get3A_53, %dot_general3A_54 {dimension_numbers = #tpu.dot_dimension_numbers<[1], [0], [0], [1], [0, 0, 1, 1], [], []>, transpose_lhs_hint = false} : vector<2000x16xf32>, vector<16x32xf32>, vector<2000x32xf32> -> vector<2000x32xf32>
    %convert_element_type3A_56 = arith.truncf %dot_general3A_55 : vector<2000x32xf32> to vector<2000x32xbf16>
    %swap3A_57 = arith.constant 0 : index
    %swap3A_58 = arith.constant 0 : index
    %swap3A_59 = vector.load %arg10[%swap3A_57, %swap3A_58] : memref<2000x32xbf16, #tpu.memory_space<vmem>>, vector<2000x32xbf16>
    tpu.vector_store %arg10[%swap3A_57, %swap3A_58], %convert_element_type3A_56 {strides = array<i32>} : memref<2000x32xbf16, #tpu.memory_space<vmem>>, vector<2000x32xbf16>,
    return
  }
  func.func @transform_0(%arg0: i32) -> (i32, i32, i32) {
    %c0_i32 = arith.constant 0 : i32
    %c0_i32_0 = arith.constant 0 : i32
    %c0_i32_1 = arith.constant 0 : i32
    return %c0_i32, %arg0, %c0_i32_0 : i32, i32, i32
  }
  func.func @transform_1(%arg0: i32) -> (i32, i32) {
    %c0_i32 = arith.constant 0 : i32
    %c0_i32_0 = arith.constant 0 : i32
    %c0_i32_1 = arith.constant 0 : i32
    return %c0_i32, %c0_i32_0 : i32, i32
  }
  func.func @transform_2(%arg0: i32) -> (i32, i32) {
    %c0_i32 = arith.constant 0 : i32
    %c0_i32_0 = arith.constant 0 : i32
    %c0_i32_1 = arith.constant 0 : i32
    return %c0_i32, %c0_i32_0 : i32, i32
  }
  func.func @transform_3(%arg0: i32) -> (i32, i32) {
    %c0_i32 = arith.constant 0 : i32
    %c0_i32_0 = arith.constant 0 : i32
    %c0_i32_1 = arith.constant 0 : i32
    return %c0_i32, %c0_i32_0 : i32, i32
  }
  func.func @transform_4(%arg0: i32) -> (i32, i32) {
    %c0_i32 = arith.constant 0 : i32
    %c0_i32_0 = arith.constant 0 : i32
    %c0_i32_1 = arith.constant 0 : i32
    return %c0_i32, %c0_i32_0 : i32, i32
  }
  func.func @transform_5(%arg0: i32) -> (i32, i32) {
    %c0_i32 = arith.constant 0 : i32
    %c0_i32_0 = arith.constant 0 : i32
    %c0_i32_1 = arith.constant 0 : i32
    return %c0_i32, %c0_i32_0 : i32, i32
  }
  func.func @transform_6(%arg0: i32) -> (i32, i32) {
    %c0_i32 = arith.constant 0 : i32
    %c0_i32_0 = arith.constant 0 : i32
    %c0_i32_1 = arith.constant 0 : i32
    return %c0_i32, %c0_i32_0 : i32, i32
  }
  func.func @transform_7(%arg0: i32) -> (i32, i32) {
    %c0_i32 = arith.constant 0 : i32
    %c0_i32_0 = arith.constant 0 : i32
    %c0_i32_1 = arith.constant 0 : i32
    return %c0_i32, %c0_i32_0 : i32, i32
  }
  func.func @transform_8(%arg0: i32) -> (i32, i32) {
    %c0_i32 = arith.constant 0 : i32
    %c0_i32_0 = arith.constant 0 : i32
    return %arg0, %c0_i32 : i32, i32
  }
  func.func @transform_9(%arg0: i32) -> (i32, i32) {
    %c0_i32 = arith.constant 0 : i32
    %c0_i32_0 = arith.constant 0 : i32
    return %arg0, %c0_i32 : i32, i32
  }
}

module attributes {stable_mosaic.version = 14 : i64} {
  func.func @body(%arg0: i32, %arg1: memref<2x2000x128xf32, #tpu.memory_space<vmem>>, %arg2: memref<1x40xf32, #tpu.memory_space<vmem>>, %arg3: memref<2000x40xf32, #tpu.memory_space<vmem>>) attributes {dimension_semantics = [#tpu.dimension_semantics<arbitrary>], iteration_bounds = array<i64: 5>, scalar_prefetch = 0 : i64, scratch_operands = 0 : i64, tpu.core_type = #tpu.core_type<tc>, window_params = [{transform_indices = @transform_0, window_bounds = array<i64: 2, 2000, 128>}, {pipeline_mode = #tpu.pipeline_mode<synchronous>, transform_indices = @transform_1, window_bounds = array<i64: 1, 40>}, {transform_indices = @transform_2, window_bounds = array<i64: 2000, 40>}]} {
    %get3A = arith.constant 0 : index
    %get3A_0 = arith.constant 0 : index
    %get3A_1 = arith.constant 0 : index
    %get3A_2 = vector.load %arg1[%get3A, %get3A_0, %get3A_1] : memref<2x2000x128xf32, #tpu.memory_space<vmem>>, vector<1x2000x41xf32>
    %get3A_3 = vector.shape_cast %get3A_2 : vector<1x2000x41xf32> to vector<2000x41xf32>
    %get3A_4 = arith.constant 1 : index
    %get3A_5 = arith.constant 0 : index
    %get3A_6 = arith.constant 0 : index
    %get3A_7 = vector.load %arg1[%get3A_4, %get3A_5, %get3A_6] : memref<2x2000x128xf32, #tpu.memory_space<vmem>>, vector<1x2000x41xf32>
    %get3A_8 = vector.shape_cast %get3A_7 : vector<1x2000x41xf32> to vector<2000x41xf32>
    %add3A = arith.addf %get3A_3, %get3A_8 : vector<2000x41xf32>
    %slice3A = vector.extract_strided_slice %add3A {offsets = [0, 0], sizes = [2000, 40], strides = [1, 1]} : vector<2000x41xf32> to vector<2000x40xf32>
    %slice3A_9 = vector.extract_strided_slice %add3A {offsets = [0, 40], sizes = [2000, 1], strides = [1, 1]} : vector<2000x41xf32> to vector<2000x1xf32>
    %add3A_10 = arith.constant 1.000000e-16 : f32
    %add3A_11 = vector.broadcast %add3A_10 : f32 to vector<2000x1xf32>
    %add3A_12 = arith.addf %slice3A_9, %add3A_11 : vector<2000x1xf32>
    %div3A = vector.broadcast %add3A_12 : vector<2000x1xf32> to vector<2000x40xf32>
    %div3A_13 = arith.divf %slice3A, %div3A : vector<2000x40xf32>
    %get3A_14 = arith.constant 0 : index
    %get3A_15 = arith.constant 0 : index
    %get3A_16 = vector.load %arg2[%get3A_14, %get3A_15] : memref<1x40xf32, #tpu.memory_space<vmem>>, vector<1x40xf32>
    %add3A_17 = vector.broadcast %get3A_16 : vector<1x40xf32> to vector<2000x40xf32>
    %add3A_18 = arith.addf %div3A_13, %add3A_17 : vector<2000x40xf32>
    %reduce_max3A = arith.constant dense<0xFF800000> : vector<2000xf32>
    %reduce_max3A_19 = vector.multi_reduction <maximumf>, %add3A_18, %reduce_max3A [1] : vector<2000x40xf32> to vector<2000xf32>
    %broadcast_in_dim3A = vector.shape_cast %reduce_max3A_19 : vector<2000xf32> to vector<2000x1xf32>
    %sub3A = vector.broadcast %broadcast_in_dim3A : vector<2000x1xf32> to vector<2000x40xf32>
    %sub3A_20 = arith.subf %add3A_18, %sub3A : vector<2000x40xf32>
    %exp3A = math.exp %sub3A_20 : vector<2000x40xf32>
    %reduce_sum3A = arith.constant dense<0.000000e+00> : vector<2000xf32>
    %reduce_sum3A_21 = vector.multi_reduction <add>, %exp3A, %reduce_sum3A [1] : vector<2000x40xf32> to vector<2000xf32>
    %broadcast_in_dim3A_22 = vector.shape_cast %reduce_sum3A_21 : vector<2000xf32> to vector<2000x1xf32>
    %log3A = math.log %broadcast_in_dim3A_22 : vector<2000x1xf32>
    %sub3A_23 = vector.broadcast %log3A : vector<2000x1xf32> to vector<2000x40xf32>
    %sub3A_24 = arith.subf %sub3A_20, %sub3A_23 : vector<2000x40xf32>
    %swap3A = arith.constant 0 : index
    %swap3A_25 = arith.constant 0 : index
    %swap3A_26 = vector.load %arg3[%swap3A, %swap3A_25] : memref<2000x40xf32, #tpu.memory_space<vmem>>, vector<2000x40xf32>
    tpu.vector_store %arg3[%swap3A, %swap3A_25], %sub3A_24 {strides = array<i32>} : memref<2000x40xf32, #tpu.memory_space<vmem>>, vector<2000x40xf32>,
    return
  }
  func.func @transform_0(%arg0: i32) -> (i32, i32, i32) {
    %c0_i32 = arith.constant 0 : i32
    %c0_i32_0 = arith.constant 0 : i32
    %c0_i32_1 = arith.constant 0 : i32
    return %c0_i32, %arg0, %c0_i32_0 : i32, i32, i32
  }
  func.func @transform_1(%arg0: i32) -> (i32, i32) {
    %c0_i32 = arith.constant 0 : i32
    %c0_i32_0 = arith.constant 0 : i32
    %c0_i32_1 = arith.constant 0 : i32
    return %c0_i32, %c0_i32_0 : i32, i32
  }
  func.func @transform_2(%arg0: i32) -> (i32, i32) {
    %c0_i32 = arith.constant 0 : i32
    %c0_i32_0 = arith.constant 0 : i32
    return %arg0, %c0_i32 : i32, i32
  }
}

</mosaic_0001>

<sc_bundles>
// kernel: kernel.10.cloned.1.call-start
scs
__scs_entry_jumppad:
0x0: {  	(pc) =	sbr.rel $0x88, $3  }
0x1: {  	(tag) =	ssettag $0x0;
	lr =	simm.s32 $0x1  }
0x2: {  	[smem:$0x3F94] =	sst lr;
	_ =	strace $0xD0000000  }
0x3: {  	_ = 	snop  }
0x4: {  	_ = 	snop  }
0x5: {  	_ = 	snop  }
0x6: {  	_ = 	snop  }
0x7: {  	_ = 	snop  }
__scs_overlays_trampoline_lowered:
0x8: {  	[smem:$0x3FA3] =	sst s0  }
0x9: {  	[smem:$0x3FA4] =	sst s1  }
0xa: {  	[smem:$0x3FA5] =	sst s2  }
0xb: {  	[smem:$0x3FA6] =	sst s3  }
0xc: {  	[smem:$0x3FA7] =	sst s4  }
0xd: {  	[smem:$0x3FA8] =	sst s5  }
0xe: {  	[smem:$0x3FA9] =	sst s6  }
0xf: {  	[smem:$0x3FAA] =	sst s7  }
0x10: {  	[smem:$0x3FAB] =	sst s8  }
0x11: {  	[smem:$0x3FAC] =	sst s9;
	s0 =	simm.s32 @!p0 $0x0  }
0x12: {  	s1 =	sld [smem:$0x3F92];
	s0 =	simm.s32 @p0 $0x1  }
0x13: {  	[smem:$0x3FAD] =	sst s0;
	s0 =	simm.s32 @!p1 $0x0  }
0x14: {  	s2 =	sld [smem:$0x3F91];
	s0 =	simm.s32 @p1 $0x1  }
0x15: {  	[smem:$0x3FAE] =	sst s0;
	s0 =	simm.s32 @!p2 $0x0  }
0x16: {  	s3 =	sld [smem:$0x3FDB];
	s0 =	simm.s32 @p2 $0x1  }
0x17: {  	s4 =	simm.s32 $0x1BF5;
	[smem:$0x3FB0] =	sst s0  }
0x18: {  	s0 =	sld [smem:$0x3F93];
	_ =	swait.ge [sflag:s4], $0x0  }
0x19: {  	s7 =	sld [smem:$0x3F94]  }
0x1a: {  	s8 =	sadd.s32 $0xFFFFE003, lr  }
0x1b: {  	s9 =	sadd.s32 $0xFFFFFEF7, lr;
	s5 =	simm.s32 $0xFFFFFFFF;
	p2 =	slt.u32 s8, $0xFFFFF086  }
0x1c: {  	p1 =	slt.u32 s9, $0xF7A;
	s5 =	simm.s32 @!p2 $0x0  }
0x1d: {  	s5 =	simm.s32 @p1 $0x1;
	p0 =	seq.s32 s7, s2  }
0x1e: {  	s7 =	smul.u32 @!p0 $0xF7A, s2;
	p2 =	seq.s32 @!p0 s5, $0x0  }
0x1f: {  	s9 =	smul.u32 $0xF7A, s1;
	s8 =	simm.s32 @!p0 $0x1BF5;
	p2 =	por !p2, p0  }
0x20: {  	[sflag:s8] =	ssyncset.s32 @!p0 $0xFFFFF086;
	s6 =	sadd.s32 @!p0 s3, s7;
	s7 =	simm.s32 @!p0 $0x108  }
0x21: {  	s3 =	sadd.s32 s3, s9;
	s6 =	sadd.s32 @!p0 $0x88, s6;
	s7 =	simm.s32 @p2 $0x1082  }
0x22: {  	[simem:s7], [sflag:s8] =	dma.local @!p0 [hbm:s6], $0xF7A  }
0x23: {  	s9 =	sor.u32 $0xD0000000, s2;
	s6 =	simm.s32 $0x108;
	_ =	swait.ge @!p0 [sflag:s8], $0x0  }
0x24: {  	s3 =	sadd.s32 $0x88, s3;
	s6 =	simm.s32 @!p1 $0x1082;
	[sflag:s4] =	ssyncset.s32 $0xFFFFF086  }
0x25: {  	[simem:s6], [sflag:s4] =	dma.local [hbm:s3], $0xF7A  }
0x26: {  	[smem:$0x3F94] =	sst s1;
	(tag) =	ssettag s2;
	_ =	strace s9  }
0x27: {  	s1 =	sld [smem:$0x3FA4]  }
0x28: {  	s2 =	sld [smem:$0x3FA5]  }
0x29: {  	s4 =	sld [smem:$0x3FA7]  }
0x2a: {  	p0 =	seq.s32 s5, $0x0;
	s5 =	sld [smem:$0x3FA8]  }
0x2b: {  	s6 =	sld [smem:$0x3FA9]  }
0x2c: {  	s7 =	sld [smem:$0x3FAA]  }
0x2d: {  	s3 =	simm.s32 $0x108;
	s8 =	sld [smem:$0x3FAB]  }
0x2e: {  	s3 =	simm.s32 @!p0 $0x1082;
	s9 =	sld [smem:$0x3FAC]  }
0x2f: {  	lr =	sadd.s32 s0, s3;
	s0 =	sld [smem:$0x3FA3]  }
0x30: {  	s3 =	sld [smem:$0x3FA6]  }
0x31: {  	[smem:$0x3FAF] =	sst s10  }
0x32: {  	s10 =	sld [smem:$0x3FAD];
	_ =	sdelay $0x3  }
0x33: {  	p0 =	seq.s32 s10, $0x1;
	s10 =	sld [smem:$0x3FAF];
	_ =	sdelay $0x3  }
0x34: {  	[smem:$0x3FAF] =	sst s10  }
0x35: {  	s10 =	sld [smem:$0x3FAE];
	_ =	sdelay $0x3  }
0x36: {  	p1 =	seq.s32 s10, $0x1;
	s10 =	sld [smem:$0x3FAF];
	_ =	sdelay $0x3  }
0x37: {  	[smem:$0x3FAF] =	sst s10  }
0x38: {  	s10 =	sld [smem:$0x3FB0]  }
0x39: {  	_ = 	snop;
	(pc) =	sbr.ind lr, $3  }
0x3a: {  	_ = 	snop  }
0x3b: {  	_ = 	snop  }
0x3c: {  	p2 =	seq.s32 s10, $0x1;
	s10 =	sld [smem:$0x3FAF]  }
0x3d: {  	_ =	shalt  }
0x3e: {  	_ =	shalt  }
0x3f: {  	_ =	shalt  }
0x40: {  	_ =	shalt  }
0x41: {  	_ =	shalt  }
0x42: {  	_ =	shalt  }
0x43: {  	_ =	shalt  }
0x44: {  	_ =	shalt  }
0x45: {  	_ =	shalt  }
0x46: {  	_ =	shalt  }
0x47: {  	_ =	shalt  }
0x48: {  	_ =	shalt  }
0x49: {  	_ =	shalt  }
0x4a: {  	_ =	shalt  }
0x4b: {  	_ =	shalt  }
0x4c: {  	_ =	shalt  }
0x4d: {  	_ =	shalt  }
0x4e: {  	_ =	shalt  }
0x4f: {  	_ =	shalt  }
0x50: {  	_ =	shalt  }
0x51: {  	_ =	shalt  }
0x52: {  	_ =	shalt  }
0x53: {  	_ =	shalt  }
0x54: {  	_ =	shalt  }
0x55: {  	_ =	shalt  }
0x56: {  	_ =	shalt  }
0x57: {  	_ =	shalt  }
0x58: {  	_ =	shalt  }
0x59: {  	_ =	shalt  }
0x5a: {  	_ =	shalt  }
0x5b: {  	_ =	shalt  }
0x5c: {  	_ =	shalt  }
0x5d: {  	_ =	shalt  }
0x5e: {  	_ =	shalt  }
0x5f: {  	_ =	shalt  }
0x60: {  	_ =	shalt  }
0x61: {  	_ =	shalt  }
0x62: {  	_ =	shalt  }
0x63: {  	_ =	shalt  }
0x64: {  	_ =	shalt  }
0x65: {  	_ =	shalt  }
0x66: {  	_ =	shalt  }
0x67: {  	_ =	shalt  }
0x68: {  	_ =	shalt  }
0x69: {  	_ =	shalt  }
0x6a: {  	_ =	shalt  }
0x6b: {  	_ =	shalt  }
0x6c: {  	_ =	shalt  }
0x6d: {  	_ =	shalt  }
0x6e: {  	_ =	shalt  }
0x6f: {  	_ =	shalt  }
0x70: {  	_ =	shalt  }
0x71: {  	_ =	shalt  }
0x72: {  	_ =	shalt  }
0x73: {  	_ =	shalt  }
0x74: {  	_ =	shalt  }
0x75: {  	_ =	shalt  }
0x76: {  	_ =	shalt  }
0x77: {  	_ =	shalt  }
0x78: {  	_ =	shalt  }
0x79: {  	_ =	shalt  }
0x7a: {  	_ =	shalt  }
0x7b: {  	_ =	shalt  }
0x7c: {  	_ =	shalt  }
0x7d: {  	_ =	shalt  }
0x7e: {  	_ =	shalt  }
0x7f: {  	_ =	shalt  }
0x80: {  	_ =	shalt  }
0x81: {  	_ =	shalt  }
0x82: {  	_ =	shalt  }
0x83: {  	_ =	shalt  }
0x84: {  	_ =	shalt  }
0x85: {  	_ =	shalt  }
0x86: {  	_ =	shalt  }
0x87: {  	_ =	shalt  }
.Lfunc_end0:
.L_simem_size_0:
called_computation.1_lowered:
.L_overlay_start_0:
0x88: {  	s2 =	sld [smem:$0x3FD9]  }
0x89: {  	s3 =	sld [smem:$0x3FFE];
	_ =	sdelay $0x1  }
0x8a: {  	s1 =	srdreg.scid  }
0x8b: {  	s0 =	sand.u32 $0x1, s1  }
0x8c: {  	s17 =	sshll.u32 s0, $0xA;
	s2 =	sadd.s32 s3, s2  }
0x8d: {  	s2 =	sadd.s32 s2, s17  }
0x8e: {  	[smem:$0x3FBB] =	sst s2  }
0x8f: {  	_ = 	snop  }
0x90: {  	s2 =	sld [smem:$0x3FD0];
	(tm) =	ssettm $0x1  }
0x91: {  	s18 =	sld [smem:$0x3FFB];
	_ =	sdelay $0x3  }
0x92: {  	_ =	strace s18  }
0x93: {  	s3 =	sld [smem:$0x3FFC];
	_ =	sdelay $0x3  }
0x94: {  	_ =	strace s3  }
0x95: {  	s3 =	sld [smem:$0x3FFD];
	_ =	sdelay $0x3  }
0x96: {  	_ =	strace s3  }
0x97: {  	_ =	strace $0x8FFFFFFF  }
0x98: {  	s19 =	sld [smem:$0x3FDB];
	_ =	sdelay $0x1  }
0x99: {  	s4 =	simm.s32 $_scs_section_size  }
0x9a: {  	s5 =	simm.s32 $_size__tile_overlayer_lowered;
	s6 =	simm.s32 $_tile_overlayer_lowered  }
0x9b: {  	s22 =	simm.s32 $0x1BFF;
	s21 =	sshll.u32 s6, $0x1;
	s3 =	sadd.s32 s4, s19  }
0x9c: {  	s7 =	simm.s32 $0x0;
	s20 =	sshll.u32 s5, $0x1;
	s5 =	sadd.s32 s21, s3  }
0x9d: {  	[timem:s7], [sflag:s22] =	dma.local [hbm:s5], s20  }
0x9e: {  	_ =	swait.ge [sflag:s22], s20  }
0x9f: {  	s4 =	ssub.s32 $0x0, s20;
	[sflag:s22] =	ssyncset.done $0x0  }
0xa0: {  	[sflag:s22] =	ssyncadd.s32 s4;
	_ =	sdelay $0x1  }
0xa1: {  	s23 =	simm.s32 $0x1B8B  }
0xa2: {  	_ =	swait.ge [sflag:s23], $0x1  }
0xa3: {  	[sflag:s23] =	ssyncset.done $0x0  }
0xa4: {  	s25 =	simm.s32 $0x1B8E;
	s24 =	sld [smem:$0x3FFE];
	[sflag:s23] =	ssyncadd.s32 $0xFFFFFFFF  }
0xa5: {  	s26 =	simm.s32 $execute0_lowered;
	[smem:$0x3FD2] =	sst s25  }
0xa6: {  	s5 =	sshll.u32 s26, $0x1;
	_ =	strace $0x80000049;
	[dreg:$0x1] =	wrdreg $0xFFFFFFFF  }
0xa7: {  	s28 =	simm.s32 $_size_execute0_lowered;
	s3 =	sadd.s32 s3, s5;
	[dreg:$0x0] =	wrdreg $0x0  }
0xa8: {  	s5 =	sshll.u32 s28, $0x1;
	[dreg:$0x2] =	wrdreg s3  }
0xa9: {  	[dreg:$0x3] =	wrdreg s5  }
0xaa: {  	[dreg:$0x4] =	wrdreg $0xC0  }
0xab: {  	_ =	task [dreg:s7], $0x5FFFF  }
0xac: {  	[dreg:$0x1] =	wrdreg $0xFFFFFFFF  }
0xad: {  	[dreg:$0x0] =	wrdreg $0x60  }
0xae: {  	[dreg:$0x2] =	wrdreg s2  }
0xaf: {  	[dreg:$0x3] =	wrdreg s24  }
0xb0: {  	[dreg:$0x4] =	wrdreg $0x8A200  }
0xb1: {  	[dreg:$0x5] =	wrdreg $0x9  }
0xb2: {  	_ =	task.clear_ibuf [dreg:s7], $0x6FFFF;
	_ =	strace $0x90000049  }
0xb3: {  	s29 =	simm.s32 $0x9;
	_ =	strace $0x8000004B  }
0xb4: {  	_ =	swait.ge [sflag:s29], $0x1  }
0xb5: {  	[sflag:s29] =	ssyncadd.s32 $0xFFFFFFFF  }
0xb6: {  	_ =	strace $0x9000004B  }
0xb7: {  	_ =	sfence  }
0xb8: {  	s30 =	sld [smem:$0x0];
	_ =	sdelay $0x2  }
0xb9: {  	s31 =	sshll.u32 s1, $0xD;
	s1 =	sshrl.u32 s1, $0x2  }
0xba: {  	s3 =	sand.u32 $0x4000, s31;
	s1 =	sadd.s32 s1, s30  }
0xbb: {  	s0 =	sor.u32 s3, s0;
	s1 =	sshll.u32 s1, $0x11  }
0xbc: {  	s0 =	sor.u32 s1, s0  }
0xbd: {  	s0 =	sadd.s32 $0x8F2B, s0  }
0xbe: {  	[sflag:s0] =	ssyncadd.remote.s32 $0x1  }
0xbf: {  	_ =	sfence.sel $0xFFFF  }
0xc0: {  	[dreg:$0x0] =	wrdreg $0xFFFFFFFF;
	(pc) =	sbr.abs _section_cstart, $3  }
0xc1: {  	[dreg:$0x1] =	wrdreg $0xFFFFFFFF  }
0xc2: {  	_ =	task.clear_ibuf [dreg:s7], $0x2FFFF;
	_ =	strace $0x9FFFFFFF  }
0xc3: {  	(tm) =	ssettm $0x7FFFFFFF  }
tec
execute0_lowered:
.L_overlay_start_1:
0x0: {  	(tag) =	ssettag $0x1  }
0x1: {  	s0 =	srdreg.scid;
	s1 =	rddreg [dreg:$0x0]  }
0x2: {  	s9 =	stileid.u32;
	s4 =	rddreg [dreg:$0x1]  }
0x3: {  	s3 =	rddreg [dreg:$0x2];
	s5 =	simm.s32 $0x0;
	s13 =	simm.s32 $0x9  }
0x4: {  	s15 =	simm.s32 $0x28;
	s16 =	simm.s32 $0x4E20;
	s17 =	simm.s32 $0x5320  }
0x5: {  	s18 =	simm.s32 $0x50;
	s19 =	simm.s32 $0x6220;
	s20 =	simm.s32 $0x1  }
0x6: {  	s28 =	simm.s32 $0x2;
	s29 =	simm.s32 $0x8;
	s30 =	simm.s32 $0x4  }
0x7: {  	s31 =	simm.s32 $0x7B20;
	s14 =	simm.s32 $0x0;
	s7 =	smul.u32 $0x13C00, s9  }
0x8: {  	s0 =	sand.u32 $0x1, s0;
	[smem:$0x7FF] =	sst s5;
	s8 =	smul.u32 $0x7680, s9  }
0x9: {  	s5 =	sadd.s32 $0x2E00, s4;
	s24 =	sshll.u32 s9, $0x6;
	s2 =	sshll.u32 s0, $0x4  }
0xa: {  	s6 =	smul.u32 $0x13C000, s0;
	_ =	strace $0x8000004A;
	s0 =	ssub.s32 $0x2, s0  }
0xb: {  	s2 =	sor.u32 s9, s2;
	s21 =	sshrl.u32 s8, $0x3;
	s22 =	sshrl.u32 s0, $0x1  }
0xc: {  	s23 =	sadd.s32 s8, s3;
	s2 =	smul.u32 $0x2710, s2;
	s6 =	sadd.s32 s7, s6  }
0xd: {  	s7 =	sadd.s32 s21, s4;
	s0 =	ssub.s32 s0, s22;
	s21 =	simm.s32 $0x7  }
0xe: {  	s22 =	simm.s32 $0x3;
	s6 =	sshrl.u32 s6, $0x3;
	s7 =	sadd.s32 $0x25400, s7  }
0xf: {  	s0 =	smax.u32 s0, $0x1;
	s2 =	sshrl.u32 s2, $0x3;
	[dreg:$0x4] =	wrdreg s7  }
0x10: {  	s7 =	sor.u32 $0x1C09, s24;
	[dreg:$0x9] =	wrdreg s0;
	s2 =	sadd.s32 s2, s4  }
0x11: {  	s24 =	simm.s32 $0x5D20;
	[dreg:$0x5] =	wrdreg s7;
	s25 =	sadd.s32 $0x11A00, s2  }
0x12: {  	s4 =	sadd.s32 s6, s4;
	s2 =	sadd.s32 $0x1B640, s2;
	[dreg:$0x6] =	wrdreg s25  }
0x13: {  	s26 =	sadd.s32 $0x34200, s4;
	s4 =	sshrl.u32 s23, $0x3;
	[dreg:$0x7] =	wrdreg s2  }
0x14: {  	s23 =	simm.s32 $0x5820;
	[dreg:$0x8] =	wrdreg s26;
	s25 =	simm.s32 $0x6720  }
0x15: {  	v0 =	vimm.s32 $0x9;
	v1 =	vimm.s32 $0x0;
	s26 =	simm.s32 $0x6C20;
	s2 =	simm.s32 $0x5;
	[dreg:$0xa] =	wrdreg s4  }
.LBB2_1:
0x16: {  	s0 =	rddreg [dreg:$0x4]  }
0x17: {  	[spmem:s4], [sflag:s7] =	dma.local [hbm:s0], $0xED0  }
0x18: {  	_ =	swait.ge [sflag:s13], $0xED0  }
0x19: {  	[sflag:s13] =	ssyncset.done $0x0  }
0x1a: {  	s10 =	simm.s32 $0x0;
	s11 =	rddreg [dreg:$0x6];
	[sflag:s13] =	ssyncadd.s32 $0xFFFFF130  }
0x1b: {  	[tilespmem:s10], [sflag:$0x9] =	stream.linear.gather [hbm4b:s11+s10], $0x2710, $0x38;
	[tilespmem:$0x100A0] =	vst v63  }
0x1c: {  	_ =	swait.ge [sflag:s13], $0x2710  }
0x1d: {  	[sflag:s13] =	ssyncset.done $0x0  }
0x1e: {  	s6 =	simm.s32 $0x2710;
	s12 =	rddreg [dreg:$0x7];
	[sflag:s13] =	ssyncadd.s32 $0xFFFFD8F0  }
0x1f: {  	[tilespmem:s6], [sflag:$0x9] =	stream.linear.gather [hbm4b:s12+s10], $0x2710, $0x38;
	[tilespmem:$0x100A0] =	vst v63  }
0x20: {  	_ =	swait.ge [sflag:s13], $0x2710  }
0x21: {  	[sflag:s13] =	ssyncset.done $0x0  }
0x22: {  	[sflag:s13] =	ssyncadd.s32 $0xFFFFD8F0  }
0x23: {  	[bflag:$0x0] =	sbarrier.arrive $0xFFFF  }
0x24: {  	[tilespmem:s16], [sflag:$0x1] =	stream.indirect.gather [hbm4b:s1+s15], $0x20, s10, s15, $0xb8;
	[tilespmem:$0x100A0] =	vst v63  }
0x25: {  	_ = 	snop  }
0x26: {  	[tilespmem:s17], [sflag:$0x7] =	stream.indirect.gather [hbm4b:s1+s15], $0x20, s15, s15, $0xb8;
	[tilespmem:$0x100A0] =	vst v63  }
0x27: {  	_ = 	snop  }
0x28: {  	[tilespmem:s19], [sflag:$0x3] =	stream.indirect.gather [hbm4b:s5+s18], $0x10, s6, s18, $0xb8;
	[tilespmem:$0x100A0] =	vst v63  }
0x29: {  	s6 =	simm.s32 $0x0  }
.LBB2_2:
0x2a: {  	_ =	swait.ge [sflag:s20], $0x500  }
0x2b: {  	[sflag:s20] =	ssyncset.done $0x0  }
0x2c: {  	[sflag:s20] =	ssyncadd.s32 $0xFFFFFB00  }
0x2d: {  	_ =	swait.ge [sflag:s21], $0x500  }
0x2e: {  	[sflag:s21] =	ssyncset.done $0x0  }
0x2f: {  	[sflag:s21] =	ssyncadd.s32 $0xFFFFFB00  }
0x30: {  	s9 =	smul.u32 $0xA0, s6;
	_ =	swait.ge [sflag:s22], $0x500  }
0x31: {  	[sflag:s22] =	ssyncset.done $0x0  }
0x32: {  	s0 =	sadd.s32 $0x50, s9;
	[sflag:s22] =	ssyncadd.s32 $0xFFFFFB00  }
0x33: {  	[tilespmem:s23], [sflag:$0x2] =	stream.indirect.gather [hbm4b:s1+s15], $0x20, s0, s15, $0xb8;
	[tilespmem:$0x100A0] =	vst v63  }
0x34: {  	p0 =	seq.s32 s6, $0x0;
	s11 =	sadd.s32 $0x78, s9  }
0x35: {  	[tilespmem:s24], [sflag:$0x8] =	stream.indirect.gather [hbm4b:s1+s15], $0x20, s11, s15, $0xb8;
	[tilespmem:$0x100A0] =	vst v63  }
0x36: {  	s8 =	sadd.s32 $0x2760, s9;
	s0 =	simm.s32 @!p0 $0x5  }
0x37: {  	[tilespmem:s25], [sflag:$0x4] =	stream.indirect.gather [hbm4b:s5+s18], $0x10, s8, s18, $0xb8;
	[tilespmem:$0x100A0] =	vst v63  }
0x38: {  	_ =	swait.ge @!p0 [sflag:s0], $0xF00  }
0x39: {  	[sflag:s0] =	ssyncset.done @!p0 $0x0  }
0x3a: {  	s4 =	simm.s32 $0x6240;
	[sflag:s0] =	ssyncadd.s32 @!p0 $0xFFFFF100  }
0x3b: {  	v2 =	vld [tilespmem:s4+$0x10]  }
0x3c: {  	s0 =	simm.s32 $0x4E60;
	v3 =	vld [tilespmem:s4+$0x0]  }
0x3d: {  	v4 =	vld [tilespmem:s0+$0x10]  }
0x3e: {  	v5 =	vld [tilespmem:s0+$0x30];
	_ =	sdelay $0x1  }
0x3f: {  	v8 =	vld [tilespmem:s4+$0xFFFFFFE0]  }
0x40: {  	v7 =	vld [tilespmem:s0+$0xFFFFFFD0]  }
0x41: {  	v9 =	vld [tilespmem:s0+$0xFFFFFFF0];
	v2 =	vunpack.i.l.bf16.f32 v2;
	v3 =	vunpack.i.l.bf16.f32 v3;
	v4 =	vunpack.i.l.bf16.f32 v4  }
0x42: {  	v10 =	vld [tilespmem:s4+$0xFFFFFFF0];
	v6 =	vunpack.i.l.bf16.f32 v5;
	v3 =	vperm.xlane v3, v1;
	v5 =	vperm.xlane v4, v0  }
0x43: {  	v2 =	vperm.xlane v2, v1;
	v11 =	vperm.xlane v6, v0  }
0x44: {  	v8 =	vunpack.i.l.bf16.f32 v8;
	v12 =	vadd.f32 v3, v5  }
0x45: {  	v8 =	vperm.xlane v8, v1;
	v5 =	vunpack.i.l.bf16.f32 v7;
	v2 =	vadd.f32 v2, v11  }
0x46: {  	s10 =	simm.s32 $0x4EE0;
	v13 =	vld [tilespmem:s0+$0x20];
	v7 =	vperm.xlane v5, v0;
	v11 =	vmul.f32 $2.000000030e-01, v12  }
0x47: {  	v17 =	vld [tilespmem:s10+$0x10];
	v10 =	vunpack.i.l.bf16.f32 v10;
	v3 =	vunpack.i.l.bf16.f32 v9;
	v9 =	vmul.f32 $2.000000030e-01, v2  }
0x48: {  	v14 =	vperm.xlane v3, v0;
	v7 =	vadd.f32 v8, v7;
	v11 =	vmax.f32 v12, v11;
	v12 =	vld [tilespmem:s10+$0xFFFFFFD0]  }
0x49: {  	s12 =	simm.s32 $0x6280;
	v2 =	vmax.f32 v2, v9;
	v9 =	vperm.xlane v10, v1;
	v10 =	vld [tilespmem:s10+$0xFFFFFFF0];
	v8 =	vmul.f32 $1.442695020e+00, v11  }
0x4a: {  	v11 =	vld [tilespmem:s12+$0x10];
	v2 =	vmul.f32 $1.442695020e+00, v2  }
0x4b: {  	v15 =	vmul.f32 $2.000000030e-01, v7;
	v14 =	vadd.f32 v9, v14;
	v9 =	vld [tilespmem:s12+$0xFFFFFFE0];
	(erf) = vpow2.f32 v8  }
0x4c: {  	v8 =	vld [tilespmem:s12+$0x0];
	(erf) = vpow2.f32 v2  }
0x4d: {  	v2 =	vmax.f32 v7, v15;
	v15 =	vld [tilespmem:s10+$0x30];
	v16 =	vmul.f32 $2.000000030e-01, v14  }
0x4e: {  	v7 =	vunpack.i.l.bf16.f32 v12;
	v12 =	vmul.f32 $1.442695020e+00, v2;
	v2 =	vunpack.i.l.bf16.f32 v10;
	v10 =	vld [tilespmem:s12+$0xFFFFFFF0]  }
0x4f: {  	v21 =	vunpack.i.u.bf16.f32 v13;
	v18 =	vperm.xlane v7, v0;
	v11 =	vunpack.i.l.bf16.f32 v11  }
0x50: {  	v19 =	vperm.xlane v2, v0;
	v16 =	vmax.f32 v14, v16;
	(erf) = vpow2.f32 v12  }
0x51: {  	v20 =	vperm.xlane v11, v1;
	v16 =	vmul.f32 $1.442695020e+00, v16;
	v8 =	vunpack.i.l.bf16.f32 v8  }
0x52: {  	v12 =	vperm.xlane v8, v1;
	v8 =	vunpack.i.l.bf16.f32 v9;
	v9 =	vunpack.i.l.bf16.f32 v15;
	v15 =	vld [tilespmem:s0+$0x0]  }
0x53: {  	v22 =	vperm.xlane v8, v1;
	v8 =	vunpack.i.l.bf16.f32 v17;
	v10 =	vunpack.i.l.bf16.f32 v10  }
0x54: {  	v13 =	vunpack.i.l.bf16.f32 v13;
	v14 =	vld [tilespmem:s0+$0xFFFFFFC0];
	v23 =	vperm.xlane v8, v0;
	v10 =	vperm.xlane v10, v1;
	v11 =	vpop (erf)  }
0x55: {  	v24 =	vadd.f32 v22, v18;
	v18 =	vperm.xlane v9, v0;
	(erf) = vpow2.f32 v16;
	v17 =	vpop (erf)  }
0x56: {  	v23 =	vadd.f32 v12, v23;
	v10 =	vadd.f32 v10, v19;
	v12 =	vmul.f32 v17, v13  }
0x57: {  	v20 =	vadd.f32 v20, v18;
	v13 =	vmul.f32 v17, v21;
	v18 =	vunpack.i.u.bf16.f32 v15  }
0x58: {  	s11 =	simm.s32 $0x6C80;
	v19 =	vmul.f32 $2.000000030e-01, v24;
	v25 =	vmul.f32 $2.000000030e-01, v23  }
0x59: {  	s4 =	simm.s32 $0x6C80;
	v22 =	vunpack.i.l.bf16.f32 v14;
	v16 =	vld [tilespmem:s0+$0xFFFFFFE0];
	v21 =	vmul.f32 v11, v18;
	[tilespmem:s11+$0x30] =	vst v12;
	v12 =	vmul.f32 $2.000000030e-01, v10  }
0x5a: {  	s7 =	simm.s32 $0x4;
	s12 =	simm.s32 $0x4F60;
	s0 =	simm.s32 $0x62C0;
	[tilespmem:s11+$0x40] =	vst v13;
	v19 =	vmax.f32 v24, v19;
	v13 =	vld [tilespmem:s10+$0x20];
	v18 =	vpop (erf);
	v24 =	vmax.f32 v23, v25;
	v23 =	vmul.f32 $2.000000030e-01, v20  }
.LBB2_3:
0x5b: {  	v25 =	vld [tilespmem:s12+$0xFFFFFFD0];
	s7 =	sadd.s32 $0x4, s7;
	v24 =	vmul.f32 $1.442695020e+00, v24;
	v22 =	vmul.f32 v18, v22;
	v15 =	vunpack.i.l.bf16.f32 v15;
	s11 =	sadd.s32 $0xC0, s11  }
0x5c: {  	v17 =	vmul.f32 v17, v6;
	v26 =	vld [tilespmem:s0+$0x10];
	p1 =	slt.u32 s7, $0x4C;
	v20 =	vmax.f32 v20, v23;
	v23 =	vmul.f32 v18, v5;
	v5 =	vmovc v7  }
0x5d: {  	v14 =	vunpack.i.u.bf16.f32 v14;
	v6 =	vmovc v9;
	v27 =	vld [tilespmem:s12+$0xFFFFFFF0];
	v7 =	vmul.f32 $1.442695020e+00, v20;
	(erf) = vpow2.f32 v24;
	[tilespmem:s4+$0x10] =	vst v21  }
0x5e: {  	v14 =	vmul.f32 v18, v14;
	v15 =	vmul.f32 v11, v15;
	v9 =	vld [tilespmem:s0+$0x0];
	v18 =	vunpack.i.l.bf16.f32 v16;
	[tilespmem:s4+$0x50] =	vst v17  }
0x5f: {  	v11 =	vmul.f32 v11, v4;
	v16 =	vunpack.i.u.bf16.f32 v16;
	v17 =	vld [tilespmem:s0+$0xFFFFFFE0];
	(erf) = vpow2.f32 v7;
	[tilespmem:s4+$0xFFFFFFA0] =	vst v22;
	v20 =	vpop (erf)  }
0x60: {  	v19 =	vmul.f32 $1.442695020e+00, v19;
	v4 =	vmovc v8;
	v7 =	vunpack.i.l.bf16.f32 v25;
	v21 =	vld [tilespmem:s12+$0x30];
	[tilespmem:s4+$0xFFFFFFC0] =	vst v23;
	v22 =	vmul.f32 v20, v3;
	v3 =	vmovc v2  }
0x61: {  	v18 =	vmul.f32 v20, v18;
	v16 =	vmul.f32 v20, v16;
	v8 =	vld [tilespmem:s12+$0x10];
	[tilespmem:s4+$0x20] =	vst v11  }
0x62: {  	v20 =	vperm.xlane v7, v0;
	v11 =	vunpack.i.l.bf16.f32 v26;
	v2 =	vunpack.i.l.bf16.f32 v27;
	v23 =	vld [tilespmem:s0+$0xFFFFFFF0];
	[tilespmem:s4+$0x0] =	vst v15  }
0x63: {  	v24 =	vperm.xlane v2, v0;
	v9 =	vunpack.i.l.bf16.f32 v9;
	(erf) = vpow2.f32 v19;
	[tilespmem:s4+$0xFFFFFFF0] =	vst v22  }
0x64: {  	v25 =	vunpack.i.u.bf16.f32 v13;
	v22 =	vperm.xlane v11, v1;
	v19 =	vperm.xlane v9, v1;
	[tilespmem:s4+$0xFFFFFFB0] =	vst v14  }
0x65: {  	v13 =	vunpack.i.l.bf16.f32 v13;
	v14 =	vunpack.i.l.bf16.f32 v17;
	v9 =	vunpack.i.l.bf16.f32 v21;
	[tilespmem:s4+$0xFFFFFFD0] =	vst v18  }
0x66: {  	v10 =	vmax.f32 v10, v12;
	v21 =	vperm.xlane v14, v1;
	v8 =	vunpack.i.l.bf16.f32 v8;
	v15 =	vld [tilespmem:s10+$0x0];
	v11 =	vpop (erf);
	[tilespmem:s4+$0xFFFFFFE0] =	vst v16;
	s4 =	smov.u32 s11  }
0x67: {  	v10 =	vmul.f32 $1.442695020e+00, v10;
	v12 =	vunpack.i.l.bf16.f32 v23;
	v16 =	vperm.xlane v8, v0;
	v14 =	vld [tilespmem:s10+$0xFFFFFFC0]  }
0x68: {  	v18 =	vperm.xlane v9, v0;
	v23 =	vadd.f32 v21, v20;
	v12 =	vperm.xlane v12, v1;
	v17 =	vpop (erf)  }
.Ltmp0:
0x69: {  	v26 =	vadd.f32 v19, v16;
	v13 =	vmul.f32 v17, v13;
	(erf) = vpow2.f32 v10;
	(pc) =	sbr.rel @p1 .LBB2_3-.Ltmp0, $4  }
0x6a: {  	v20 =	vadd.f32 v22, v18;
	v25 =	vmul.f32 v17, v25;
	v10 =	vadd.f32 v12, v24  }
0x6b: {  	v19 =	vmul.f32 $2.000000030e-01, v23;
	v24 =	vmul.f32 $2.000000030e-01, v26;
	v21 =	vunpack.i.u.bf16.f32 v15;
	[tilespmem:s11+$0x30] =	vst v13  }
0x6c: {  	v12 =	vmul.f32 $2.000000030e-01, v10;
	v22 =	vunpack.i.l.bf16.f32 v14;
	v16 =	vld [tilespmem:s10+$0xFFFFFFE0];
	v21 =	vmul.f32 v11, v21;
	[tilespmem:s11+$0x40] =	vst v25;
	v18 =	vpop (erf);
	s10 =	smov.u32 s12  }
0x6d: {  	s0 =	sadd.s32 $0x40, s0;
	v19 =	vmax.f32 v23, v19;
	v23 =	vmul.f32 $2.000000030e-01, v20;
	s12 =	sadd.s32 $0x80, s12;
	v24 =	vmax.f32 v26, v24;
	v13 =	vld [tilespmem:s10+$0x20]  }
0x6e: {  	_ = 	snop  }
0x6f: {  	v24 =	vmul.f32 $1.442695020e+00, v24;
	v20 =	vmax.f32 v20, v23  }
0x70: {  	v20 =	vmul.f32 $1.442695020e+00, v20  }
0x71: {  	(erf) = vpow2.f32 v24  }
0x72: {  	v6 =	vmul.f32 v17, v6;
	(erf) = vpow2.f32 v20  }
0x73: {  	v5 =	vmul.f32 v18, v5  }
0x74: {  	v19 =	vmul.f32 $1.442695020e+00, v19;
	[tilespmem:s4+$0x50] =	vst v6  }
0x75: {  	v4 =	vmul.f32 v11, v4;
	v6 =	vunpack.i.l.bf16.f32 v15;
	[tilespmem:s4+$0xFFFFFFC0] =	vst v5;
	v5 =	vmax.f32 v10, v12;
	v15 =	vpop (erf)  }
0x76: {  	v10 =	vunpack.i.u.bf16.f32 v14;
	v6 =	vmul.f32 v11, v6;
	v3 =	vmul.f32 v15, v3  }
0x77: {  	[tilespmem:s4+$0x10] =	vst v21;
	v10 =	vmul.f32 v18, v10;
	(erf) = vpow2.f32 v19  }
0x78: {  	[tilespmem:s4+$0x20] =	vst v4;
	v5 =	vmul.f32 $1.442695020e+00, v5  }
0x79: {  	v17 =	vmul.f32 v18, v22;
	[tilespmem:s4+$0x0] =	vst v6;
	v6 =	vunpack.i.u.bf16.f32 v16  }
0x7a: {  	v4 =	vld [tilespmem:s10+$0x0];
	[tilespmem:s4+$0xFFFFFFF0] =	vst v3;
	v3 =	vpop (erf);
	(erf) = vpow2.f32 v5;
	v5 =	vmul.f32 v15, v6  }
0x7b: {  	v12 =	vld [tilespmem:s10+$0xFFFFFFC0];
	v11 =	vunpack.i.l.bf16.f32 v16;
	[tilespmem:s4+$0xFFFFFFB0] =	vst v10;
	v6 =	vunpack.i.l.bf16.f32 v13;
	v13 =	vunpack.i.u.bf16.f32 v13;
	v10 =	vpop (erf)  }
0x7c: {  	v11 =	vmul.f32 v15, v11;
	[tilespmem:s4+$0xFFFFFFE0] =	vst v5;
	v5 =	vmul.f32 v10, v13  }
0x7d: {  	[tilespmem:s4+$0xFFFFFFA0] =	vst v17;
	v6 =	vmul.f32 v10, v6  }
0x7e: {  	s0 =	sadd.s32 $0xC0, s11;
	[tilespmem:s4+$0xFFFFFFD0] =	vst v11  }
0x7f: {  	v11 =	vunpack.i.u.bf16.f32 v4;
	v9 =	vmul.f32 v10, v9;
	[tilespmem:s0+$0x30] =	vst v6  }
0x80: {  	v6 =	vmul.f32 v3, v11;
	v11 =	vunpack.i.l.bf16.f32 v12;
	[tilespmem:s0+$0x40] =	vst v5;
	v5 =	vpop (erf)  }
0x81: {  	v4 =	vunpack.i.l.bf16.f32 v4;
	v10 =	vld [tilespmem:s10+$0xFFFFFFE0];
	[tilespmem:s0+$0x50] =	vst v9;
	v11 =	vmul.f32 v5, v11  }
0x82: {  	[tilespmem:s0+$0x10] =	vst v6;
	v6 =	vmul.f32 v5, v7  }
0x83: {  	v7 =	vmul.f32 v3, v8;
	[tilespmem:s0+$0xFFFFFFA0] =	vst v11  }
0x84: {  	v3 =	vmul.f32 v3, v4;
	v4 =	vpop (erf);
	[tilespmem:s0+$0xFFFFFFC0] =	vst v6  }
0x85: {  	v6 =	vunpack.i.u.bf16.f32 v12;
	v2 =	vmul.f32 v4, v2;
	[tilespmem:s0+$0x20] =	vst v7  }
0x86: {  	[tilespmem:s0+$0x0] =	vst v3;
	v5 =	vmul.f32 v5, v6;
	v6 =	vunpack.i.l.bf16.f32 v10  }
0x87: {  	s12 =	smul.u32 $0x280, s6;
	v3 =	vunpack.i.u.bf16.f32 v10;
	v6 =	vmul.f32 v4, v6;
	[tilespmem:s0+$0xFFFFFFF0] =	vst v2  }
0x88: {  	v2 =	vmul.f32 v4, v3;
	[tilespmem:s0+$0xFFFFFFB0] =	vst v5  }
0x89: {  	s4 =	sshra.s32 s12, $0x2;
	[tilespmem:s0+$0xFFFFFFD0] =	vst v6  }
0x8a: {  	s7 =	sadd.s32 $0x2710, s4;
	[tilespmem:s0+$0xFFFFFFE0] =	vst v2  }
0x8b: {  	[spmem:s3] =	stream.indirect.scatter.add.f32 [tilespmem:s26], [sflag:$0x5], $0x30, s7, s18, $0xb8;
	[tilespmem:$0x100A0] =	vst v63  }
0x8c: {  	_ =	swait.ge [sflag:s28], $0x500  }
0x8d: {  	[sflag:s28] =	ssyncset.done $0x0  }
0x8e: {  	[sflag:s28] =	ssyncadd.s32 $0xFFFFFB00  }
0x8f: {  	_ =	swait.ge [sflag:s29], $0x500  }
0x90: {  	[sflag:s29] =	ssyncset.done $0x0  }
0x91: {  	[sflag:s29] =	ssyncadd.s32 $0xFFFFFB00  }
0x92: {  	_ =	swait.ge [sflag:s30], $0x500  }
0x93: {  	[sflag:s30] =	ssyncset.done $0x0  }
0x94: {  	s10 =	sadd.s32 $0xA0, s9;
	[sflag:s30] =	ssyncadd.s32 $0xFFFFFB00  }
0x95: {  	[tilespmem:s16], [sflag:$0x1] =	stream.indirect.gather [hbm4b:s1+s15], $0x20, s10, s15, $0xb8;
	[tilespmem:$0x100A0] =	vst v63  }
0x96: {  	s11 =	sadd.s32 $0xC8, s9  }
0x97: {  	[tilespmem:s17], [sflag:$0x7] =	stream.indirect.gather [hbm4b:s1+s15], $0x20, s11, s15, $0xb8;
	[tilespmem:$0x100A0] =	vst v63  }
0x98: {  	s12 =	sadd.s32 $0x27B0, s9;
	s0 =	simm.s32 @!p0 $0x6  }
0x99: {  	[tilespmem:s19], [sflag:$0x3] =	stream.indirect.gather [hbm4b:s5+s18], $0x10, s12, s18, $0xb8;
	[tilespmem:$0x100A0] =	vst v63  }
0x9a: {  	_ =	swait.ge @!p0 [sflag:s0], $0xF00  }
0x9b: {  	[sflag:s0] =	ssyncset.done @!p0 $0x0  }
0x9c: {  	[sflag:s0] =	ssyncadd.s32 @!p0 $0xFFFFF100;
	s0 =	simm.s32 $0x6750  }
0x9d: {  	v2 =	vld [tilespmem:s0+$0x0]  }
0x9e: {  	s7 =	simm.s32 $0x5890;
	v3 =	vld [tilespmem:s0+$0xFFFFFFF0]  }
0x9f: {  	v4 =	vld [tilespmem:s7+$0xFFFFFFE0]  }
0xa0: {  	v5 =	vld [tilespmem:s7+$0x0];
	_ =	sdelay $0x1  }
0xa1: {  	v8 =	vld [tilespmem:s0+$0xFFFFFFD0]  }
0xa2: {  	v7 =	vld [tilespmem:s7+$0xFFFFFFA0]  }
0xa3: {  	v9 =	vld [tilespmem:s7+$0xFFFFFFC0];
	v2 =	vunpack.i.l.bf16.f32 v2;
	v3 =	vunpack.i.l.bf16.f32 v3;
	v4 =	vunpack.i.l.bf16.f32 v4  }
0xa4: {  	v10 =	vld [tilespmem:s0+$0xFFFFFFE0];
	v6 =	vunpack.i.l.bf16.f32 v5;
	v3 =	vperm.xlane v3, v1;
	v5 =	vperm.xlane v4, v0  }
0xa5: {  	v2 =	vperm.xlane v2, v1;
	v11 =	vperm.xlane v6, v0  }
0xa6: {  	v8 =	vunpack.i.l.bf16.f32 v8;
	v12 =	vadd.f32 v3, v5  }
0xa7: {  	v8 =	vperm.xlane v8, v1;
	v5 =	vunpack.i.l.bf16.f32 v7;
	v2 =	vadd.f32 v2, v11  }
0xa8: {  	s9 =	simm.s32 $0x5910;
	v13 =	vld [tilespmem:s7+$0xFFFFFFF0];
	v7 =	vperm.xlane v5, v0;
	v11 =	vmul.f32 $2.000000030e-01, v12  }
0xa9: {  	v17 =	vld [tilespmem:s9+$0xFFFFFFE0];
	v10 =	vunpack.i.l.bf16.f32 v10;
	v3 =	vunpack.i.l.bf16.f32 v9;
	v9 =	vmul.f32 $2.000000030e-01, v2  }
0xaa: {  	v14 =	vperm.xlane v3, v0;
	v7 =	vadd.f32 v8, v7;
	v11 =	vmax.f32 v12, v11;
	v12 =	vld [tilespmem:s9+$0xFFFFFFA0]  }
0xab: {  	s12 =	simm.s32 $0x6790;
	v2 =	vmax.f32 v2, v9;
	v9 =	vperm.xlane v10, v1;
	v10 =	vld [tilespmem:s9+$0xFFFFFFC0];
	v8 =	vmul.f32 $1.442695020e+00, v11  }
0xac: {  	v11 =	vld [tilespmem:s12+$0x0];
	v2 =	vmul.f32 $1.442695020e+00, v2  }
0xad: {  	v15 =	vmul.f32 $2.000000030e-01, v7;
	v14 =	vadd.f32 v9, v14;
	v9 =	vld [tilespmem:s12+$0xFFFFFFD0];
	(erf) = vpow2.f32 v8  }
0xae: {  	v8 =	vld [tilespmem:s12+$0xFFFFFFF0];
	(erf) = vpow2.f32 v2  }
0xaf: {  	v2 =	vmax.f32 v7, v15;
	v15 =	vld [tilespmem:s9+$0x0];
	v16 =	vmul.f32 $2.000000030e-01, v14  }
0xb0: {  	v7 =	vunpack.i.l.bf16.f32 v12;
	v12 =	vmul.f32 $1.442695020e+00, v2;
	v2 =	vunpack.i.l.bf16.f32 v10;
	v10 =	vld [tilespmem:s12+$0xFFFFFFE0]  }
0xb1: {  	v21 =	vunpack.i.u.bf16.f32 v13;
	v18 =	vperm.xlane v7, v0;
	v11 =	vunpack.i.l.bf16.f32 v11  }
0xb2: {  	v19 =	vperm.xlane v2, v0;
	v16 =	vmax.f32 v14, v16;
	(erf) = vpow2.f32 v12  }
0xb3: {  	v20 =	vperm.xlane v11, v1;
	v16 =	vmul.f32 $1.442695020e+00, v16;
	v8 =	vunpack.i.l.bf16.f32 v8  }
0xb4: {  	v12 =	vperm.xlane v8, v1;
	v8 =	vunpack.i.l.bf16.f32 v9;
	v9 =	vunpack.i.l.bf16.f32 v15;
	v15 =	vld [tilespmem:s7+$0xFFFFFFD0]  }
0xb5: {  	v22 =	vperm.xlane v8, v1;
	v8 =	vunpack.i.l.bf16.f32 v17;
	v10 =	vunpack.i.l.bf16.f32 v10  }
0xb6: {  	v13 =	vunpack.i.l.bf16.f32 v13;
	v14 =	vld [tilespmem:s7+$0xFFFFFF90];
	v23 =	vperm.xlane v8, v0;
	v10 =	vperm.xlane v10, v1;
	v11 =	vpop (erf)  }
0xb7: {  	v24 =	vadd.f32 v22, v18;
	v18 =	vperm.xlane v9, v0;
	(erf) = vpow2.f32 v16;
	v17 =	vpop (erf)  }
0xb8: {  	v23 =	vadd.f32 v12, v23;
	v10 =	vadd.f32 v10, v19;
	v12 =	vmul.f32 v17, v13  }
0xb9: {  	v20 =	vadd.f32 v20, v18;
	v13 =	vmul.f32 v17, v21;
	v18 =	vunpack.i.u.bf16.f32 v15  }
0xba: {  	s10 =	simm.s32 $0x7BD0;
	v19 =	vmul.f32 $2.000000030e-01, v24;
	v25 =	vmul.f32 $2.000000030e-01, v23  }
0xbb: {  	s4 =	simm.s32 $0x7BD0;
	v22 =	vunpack.i.l.bf16.f32 v14;
	v16 =	vld [tilespmem:s7+$0xFFFFFFB0];
	v21 =	vmul.f32 v11, v18;
	[tilespmem:s10+$0xFFFFFFE0] =	vst v12;
	v12 =	vmul.f32 $2.000000030e-01, v10  }
0xbc: {  	s11 =	simm.s32 $0x4;
	s0 =	simm.s32 $0x67D0;
	s7 =	simm.s32 $0x5990;
	[tilespmem:s10+$0xFFFFFFF0] =	vst v13;
	v19 =	vmax.f32 v24, v19;
	v13 =	vld [tilespmem:s9+$0xFFFFFFF0];
	v18 =	vpop (erf);
	v24 =	vmax.f32 v23, v25;
	v23 =	vmul.f32 $2.000000030e-01, v20  }
.LBB2_5:
0xbd: {  	v25 =	vld [tilespmem:s7+$0xFFFFFFA0];
	s11 =	sadd.s32 $0x4, s11;
	v24 =	vmul.f32 $1.442695020e+00, v24;
	v22 =	vmul.f32 v18, v22;
	v15 =	vunpack.i.l.bf16.f32 v15;
	s10 =	sadd.s32 $0xC0, s10  }
0xbe: {  	v17 =	vmul.f32 v17, v6;
	v26 =	vld [tilespmem:s0+$0x0];
	p0 =	slt.u32 s11, $0x4C;
	v20 =	vmax.f32 v20, v23;
	v23 =	vmul.f32 v18, v5;
	v5 =	vmovc v7  }
0xbf: {  	v14 =	vunpack.i.u.bf16.f32 v14;
	v6 =	vmovc v9;
	v27 =	vld [tilespmem:s7+$0xFFFFFFC0];
	v7 =	vmul.f32 $1.442695020e+00, v20;
	(erf) = vpow2.f32 v24;
	[tilespmem:s4+$0xFFFFFFC0] =	vst v21  }
0xc0: {  	v14 =	vmul.f32 v18, v14;
	v15 =	vmul.f32 v11, v15;
	v9 =	vld [tilespmem:s0+$0xFFFFFFF0];
	v18 =	vunpack.i.l.bf16.f32 v16;
	[tilespmem:s4+$0x0] =	vst v17  }
0xc1: {  	v11 =	vmul.f32 v11, v4;
	v16 =	vunpack.i.u.bf16.f32 v16;
	v17 =	vld [tilespmem:s0+$0xFFFFFFD0];
	(erf) = vpow2.f32 v7;
	[tilespmem:s4+$0xFFFFFF50] =	vst v22;
	v20 =	vpop (erf)  }
0xc2: {  	v19 =	vmul.f32 $1.442695020e+00, v19;
	v4 =	vmovc v8;
	v7 =	vunpack.i.l.bf16.f32 v25;
	v21 =	vld [tilespmem:s7+$0x0];
	[tilespmem:s4+$0xFFFFFF70] =	vst v23;
	v22 =	vmul.f32 v20, v3;
	v3 =	vmovc v2  }
0xc3: {  	v18 =	vmul.f32 v20, v18;
	v16 =	vmul.f32 v20, v16;
	v8 =	vld [tilespmem:s7+$0xFFFFFFE0];
	[tilespmem:s4+$0xFFFFFFD0] =	vst v11  }
0xc4: {  	v20 =	vperm.xlane v7, v0;
	v11 =	vunpack.i.l.bf16.f32 v26;
	v2 =	vunpack.i.l.bf16.f32 v27;
	v23 =	vld [tilespmem:s0+$0xFFFFFFE0];
	[tilespmem:s4+$0xFFFFFFB0] =	vst v15  }
0xc5: {  	v24 =	vperm.xlane v2, v0;
	v9 =	vunpack.i.l.bf16.f32 v9;
	(erf) = vpow2.f32 v19;
	[tilespmem:s4+$0xFFFFFFA0] =	vst v22  }
0xc6: {  	v25 =	vunpack.i.u.bf16.f32 v13;
	v22 =	vperm.xlane v11, v1;
	v19 =	vperm.xlane v9, v1;
	[tilespmem:s4+$0xFFFFFF60] =	vst v14  }
0xc7: {  	v13 =	vunpack.i.l.bf16.f32 v13;
	v14 =	vunpack.i.l.bf16.f32 v17;
	v9 =	vunpack.i.l.bf16.f32 v21;
	[tilespmem:s4+$0xFFFFFF80] =	vst v18  }
0xc8: {  	v10 =	vmax.f32 v10, v12;
	v21 =	vperm.xlane v14, v1;
	v8 =	vunpack.i.l.bf16.f32 v8;
	v15 =	vld [tilespmem:s9+$0xFFFFFFD0];
	v11 =	vpop (erf);
	[tilespmem:s4+$0xFFFFFF90] =	vst v16;
	s4 =	smov.u32 s10  }
0xc9: {  	v10 =	vmul.f32 $1.442695020e+00, v10;
	v12 =	vunpack.i.l.bf16.f32 v23;
	v16 =	vperm.xlane v8, v0;
	v14 =	vld [tilespmem:s9+$0xFFFFFF90]  }
0xca: {  	v18 =	vperm.xlane v9, v0;
	v23 =	vadd.f32 v21, v20;
	v12 =	vperm.xlane v12, v1;
	v17 =	vpop (erf)  }
.Ltmp1:
0xcb: {  	v26 =	vadd.f32 v19, v16;
	v13 =	vmul.f32 v17, v13;
	(erf) = vpow2.f32 v10;
	(pc) =	sbr.rel @p0 .LBB2_5-.Ltmp1, $4  }
0xcc: {  	v20 =	vadd.f32 v22, v18;
	v25 =	vmul.f32 v17, v25;
	v10 =	vadd.f32 v12, v24  }
0xcd: {  	v19 =	vmul.f32 $2.000000030e-01, v23;
	v24 =	vmul.f32 $2.000000030e-01, v26;
	v21 =	vunpack.i.u.bf16.f32 v15;
	[tilespmem:s10+$0xFFFFFFE0] =	vst v13  }
0xce: {  	v12 =	vmul.f32 $2.000000030e-01, v10;
	v22 =	vunpack.i.l.bf16.f32 v14;
	v16 =	vld [tilespmem:s9+$0xFFFFFFB0];
	v21 =	vmul.f32 v11, v21;
	[tilespmem:s10+$0xFFFFFFF0] =	vst v25;
	v18 =	vpop (erf);
	s9 =	smov.u32 s7  }
0xcf: {  	s0 =	sadd.s32 $0x40, s0;
	v19 =	vmax.f32 v23, v19;
	v23 =	vmul.f32 $2.000000030e-01, v20;
	s7 =	sadd.s32 $0x80, s7;
	v24 =	vmax.f32 v26, v24;
	v13 =	vld [tilespmem:s9+$0xFFFFFFF0]  }
0xd0: {  	v24 =	vmul.f32 $1.442695020e+00, v24;
	_ =	sdelay $0x1  }
0xd1: {  	v20 =	vmax.f32 v20, v23;
	(erf) = vpow2.f32 v24  }
0xd2: {  	v6 =	vmul.f32 v17, v6;
	v20 =	vmul.f32 $1.442695020e+00, v20  }
0xd3: {  	v40 =	vmul.f32 v18, v22;
	[tilespmem:s4+$0xFFFFFFC0] =	vst v21;
	v19 =	vmul.f32 $1.442695020e+00, v19  }
0xd4: {  	v5 =	vmul.f32 v18, v5;
	[tilespmem:s4+$0x0] =	vst v6;
	(erf) = vpow2.f32 v20  }
0xd5: {  	v41 =	vunpack.i.l.bf16.f32 v15;
	v4 =	vmul.f32 v11, v4;
	v44 =	vunpack.i.u.bf16.f32 v14;
	v45 =	vld [tilespmem:s9+$0xFFFFFFD0];
	[tilespmem:s4+$0xFFFFFF50] =	vst v40;
	v42 =	vpop (erf)  }
0xd6: {  	v43 =	vmax.f32 v10, v12;
	v10 =	vmul.f32 v18, v44;
	[tilespmem:s4+$0xFFFFFF70] =	vst v5;
	v3 =	vmul.f32 v42, v3  }
0xd7: {  	v6 =	vmul.f32 v11, v41;
	[tilespmem:s4+$0xFFFFFFD0] =	vst v4;
	(erf) = vpow2.f32 v19  }
0xd8: {  	v5 =	vmul.f32 $1.442695020e+00, v43;
	v46 =	vunpack.i.l.bf16.f32 v16;
	[tilespmem:s4+$0xFFFFFF60] =	vst v10  }
0xd9: {  	v47 =	vunpack.i.u.bf16.f32 v16;
	[tilespmem:s4+$0xFFFFFFB0] =	vst v6;
	v11 =	vmul.f32 v42, v46  }
0xda: {  	v49 =	vmul.f32 v42, v47;
	v54 =	vunpack.i.u.bf16.f32 v45;
	(erf) = vpow2.f32 v5;
	[tilespmem:s4+$0xFFFFFFA0] =	vst v3;
	v3 =	vpop (erf)  }
0xdb: {  	v48 =	vld [tilespmem:s9+$0xFFFFFF90];
	[tilespmem:s4+$0xFFFFFF80] =	vst v11;
	v55 =	vmul.f32 v3, v54  }
0xdc: {  	s0 =	sadd.s32 $0xC0, s10;
	v4 =	vunpack.i.l.bf16.f32 v45;
	[tilespmem:s4+$0xFFFFFF90] =	vst v49;
	v60 =	vmul.f32 v3, v8  }
0xdd: {  	v50 =	vunpack.i.l.bf16.f32 v13;
	v3 =	vmul.f32 v3, v4;
	v51 =	vpop (erf);
	[tilespmem:s0+$0xFFFFFFC0] =	vst v55  }
0xde: {  	v52 =	vunpack.i.u.bf16.f32 v13;
	v6 =	vmul.f32 v51, v50;
	[tilespmem:s0+$0xFFFFFFD0] =	vst v60  }
0xdf: {  	v58 =	vld [tilespmem:s9+$0xFFFFFFB0];
	v53 =	vmul.f32 v51, v52;
	[tilespmem:s0+$0xFFFFFFB0] =	vst v3  }
0xe0: {  	v56 =	vunpack.i.l.bf16.f32 v48;
	v57 =	vpop (erf);
	v9 =	vmul.f32 v51, v9;
	[tilespmem:s0+$0xFFFFFFE0] =	vst v6  }
0xe1: {  	v11 =	vmul.f32 v57, v56;
	[tilespmem:s0+$0xFFFFFFF0] =	vst v53  }
0xe2: {  	v62 =	vunpack.i.u.bf16.f32 v48;
	v59 =	vmul.f32 v57, v7;
	[tilespmem:s0+$0x0] =	vst v9  }
0xe3: {  	s6 =	sadd.s32 $0x1, s6;
	v61 =	vpop (erf);
	v5 =	vmul.f32 v57, v62;
	[tilespmem:s0+$0xFFFFFF50] =	vst v11  }
0xe4: {  	p0 =	sne.s32 s6, $0x3E;
	v63 =	vunpack.i.l.bf16.f32 v58;
	v2 =	vmul.f32 v61, v2;
	[tilespmem:s0+$0xFFFFFF70] =	vst v59  }
.Ltmp2:
0xe5: {  	v3 =	vunpack.i.u.bf16.f32 v58;
	v6 =	vmul.f32 v61, v63;
	[tilespmem:s0+$0xFFFFFF60] =	vst v5;
	(pc) =	sbr.rel @p0 .LBB2_2-.Ltmp2, $4  }
0xe6: {  	[tilespmem:s0+$0xFFFFFFA0] =	vst v2;
	v2 =	vmul.f32 v61, v3  }
0xe7: {  	[tilespmem:s0+$0xFFFFFF80] =	vst v6  }
0xe8: {  	[tilespmem:s0+$0xFFFFFF90] =	vst v2  }
0xe9: {  	[spmem:s3] =	stream.indirect.scatter.add.f32 [tilespmem:s31], [sflag:$0x6], $0x30, s8, s18, $0xb8;
	[tilespmem:$0x100A0] =	vst v63  }
0xea: {  	_ =	swait.ge [sflag:s20], $0x500  }
0xeb: {  	[sflag:s20] =	ssyncset.done $0x0  }
0xec: {  	[sflag:s20] =	ssyncadd.s32 $0xFFFFFB00  }
0xed: {  	_ =	swait.ge [sflag:s21], $0x500  }
0xee: {  	[sflag:s21] =	ssyncset.done $0x0  }
0xef: {  	[sflag:s21] =	ssyncadd.s32 $0xFFFFFB00  }
0xf0: {  	_ =	swait.ge [sflag:s22], $0x500  }
0xf1: {  	[sflag:s22] =	ssyncset.done $0x0  }
0xf2: {  	[sflag:s22] =	ssyncadd.s32 $0xFFFFFB00  }
0xf3: {  	_ =	swait.ge [sflag:s2], $0xF00  }
0xf4: {  	[sflag:s2] =	ssyncset.done $0x0  }
0xf5: {  	s4 =	simm.s32 $0x6240;
	[sflag:s2] =	ssyncadd.s32 $0xFFFFF100  }
0xf6: {  	v2 =	vld [tilespmem:s4+$0x10]  }
0xf7: {  	s0 =	simm.s32 $0x4E60;
	v3 =	vld [tilespmem:s4+$0x0]  }
0xf8: {  	v4 =	vld [tilespmem:s0+$0x10]  }
0xf9: {  	v5 =	vld [tilespmem:s0+$0x30];
	_ =	sdelay $0x1  }
0xfa: {  	v8 =	vld [tilespmem:s4+$0xFFFFFFE0]  }
0xfb: {  	v7 =	vld [tilespmem:s0+$0xFFFFFFD0]  }
0xfc: {  	v9 =	vld [tilespmem:s0+$0xFFFFFFF0];
	v2 =	vunpack.i.l.bf16.f32 v2;
	v3 =	vunpack.i.l.bf16.f32 v3;
	v4 =	vunpack.i.l.bf16.f32 v4  }
0xfd: {  	v10 =	vld [tilespmem:s4+$0xFFFFFFF0];
	v6 =	vunpack.i.l.bf16.f32 v5;
	v3 =	vperm.xlane v3, v1;
	v5 =	vperm.xlane v4, v0  }
0xfe: {  	v2 =	vperm.xlane v2, v1;
	v11 =	vperm.xlane v6, v0  }
0xff: {  	v8 =	vunpack.i.l.bf16.f32 v8;
	v12 =	vadd.f32 v3, v5  }
0x100: {  	v8 =	vperm.xlane v8, v1;
	v5 =	vunpack.i.l.bf16.f32 v7;
	v2 =	vadd.f32 v2, v11  }
0x101: {  	s6 =	simm.s32 $0x4EE0;
	v13 =	vld [tilespmem:s0+$0x20];
	v7 =	vperm.xlane v5, v0;
	v11 =	vmul.f32 $2.000000030e-01, v12  }
0x102: {  	v17 =	vld [tilespmem:s6+$0x10];
	v10 =	vunpack.i.l.bf16.f32 v10;
	v3 =	vunpack.i.l.bf16.f32 v9;
	v9 =	vmul.f32 $2.000000030e-01, v2  }
0x103: {  	v14 =	vperm.xlane v3, v0;
	v7 =	vadd.f32 v8, v7;
	v11 =	vmax.f32 v12, v11;
	v12 =	vld [tilespmem:s6+$0xFFFFFFD0]  }
0x104: {  	s12 =	simm.s32 $0x6280;
	v2 =	vmax.f32 v2, v9;
	v9 =	vperm.xlane v10, v1;
	v10 =	vld [tilespmem:s6+$0xFFFFFFF0];
	v8 =	vmul.f32 $1.442695020e+00, v11  }
0x105: {  	v11 =	vld [tilespmem:s12+$0x10];
	v2 =	vmul.f32 $1.442695020e+00, v2  }
0x106: {  	v15 =	vmul.f32 $2.000000030e-01, v7;
	v14 =	vadd.f32 v9, v14;
	v9 =	vld [tilespmem:s12+$0xFFFFFFE0];
	(erf) = vpow2.f32 v8  }
0x107: {  	v8 =	vld [tilespmem:s12+$0x0];
	(erf) = vpow2.f32 v2  }
0x108: {  	v2 =	vmax.f32 v7, v15;
	v15 =	vld [tilespmem:s6+$0x30];
	v16 =	vmul.f32 $2.000000030e-01, v14  }
0x109: {  	v7 =	vunpack.i.l.bf16.f32 v12;
	v12 =	vmul.f32 $1.442695020e+00, v2;
	v2 =	vunpack.i.l.bf16.f32 v10;
	v10 =	vld [tilespmem:s12+$0xFFFFFFF0]  }
0x10a: {  	v21 =	vunpack.i.u.bf16.f32 v13;
	v18 =	vperm.xlane v7, v0;
	v11 =	vunpack.i.l.bf16.f32 v11  }
0x10b: {  	v19 =	vperm.xlane v2, v0;
	v16 =	vmax.f32 v14, v16;
	(erf) = vpow2.f32 v12  }
0x10c: {  	v20 =	vperm.xlane v11, v1;
	v16 =	vmul.f32 $1.442695020e+00, v16;
	v8 =	vunpack.i.l.bf16.f32 v8  }
0x10d: {  	v12 =	vperm.xlane v8, v1;
	v8 =	vunpack.i.l.bf16.f32 v9;
	v9 =	vunpack.i.l.bf16.f32 v15;
	v15 =	vld [tilespmem:s0+$0x0]  }
0x10e: {  	v22 =	vperm.xlane v8, v1;
	v8 =	vunpack.i.l.bf16.f32 v17;
	v10 =	vunpack.i.l.bf16.f32 v10  }
0x10f: {  	v13 =	vunpack.i.l.bf16.f32 v13;
	v14 =	vld [tilespmem:s0+$0xFFFFFFC0];
	v23 =	vperm.xlane v8, v0;
	v10 =	vperm.xlane v10, v1;
	v11 =	vpop (erf)  }
0x110: {  	v24 =	vadd.f32 v22, v18;
	v18 =	vperm.xlane v9, v0;
	(erf) = vpow2.f32 v16;
	v17 =	vpop (erf)  }
0x111: {  	v23 =	vadd.f32 v12, v23;
	v10 =	vadd.f32 v10, v19;
	v12 =	vmul.f32 v17, v13  }
0x112: {  	v20 =	vadd.f32 v20, v18;
	v13 =	vmul.f32 v17, v21;
	v18 =	vunpack.i.u.bf16.f32 v15  }
0x113: {  	s8 =	simm.s32 $0x6C80;
	v19 =	vmul.f32 $2.000000030e-01, v24;
	v25 =	vmul.f32 $2.000000030e-01, v23  }
0x114: {  	s9 =	simm.s32 $0x4F60;
	v22 =	vunpack.i.l.bf16.f32 v14;
	v16 =	vld [tilespmem:s0+$0xFFFFFFE0];
	v21 =	vmul.f32 v11, v18;
	[tilespmem:s8+$0x30] =	vst v12;
	v12 =	vmul.f32 $2.000000030e-01, v10  }
0x115: {  	s7 =	simm.s32 $0x4;
	s4 =	simm.s32 $0x6C80;
	s0 =	simm.s32 $0x62C0;
	[tilespmem:s8+$0x40] =	vst v13;
	v19 =	vmax.f32 v24, v19;
	v13 =	vld [tilespmem:s6+$0x20];
	v18 =	vpop (erf);
	v24 =	vmax.f32 v23, v25;
	v23 =	vmul.f32 $2.000000030e-01, v20  }
.LBB2_8:
0x116: {  	v25 =	vld [tilespmem:s9+$0xFFFFFFD0];
	s7 =	sadd.s32 $0x4, s7;
	v24 =	vmul.f32 $1.442695020e+00, v24;
	v22 =	vmul.f32 v18, v22;
	v15 =	vunpack.i.l.bf16.f32 v15;
	s8 =	sadd.s32 $0xC0, s8  }
0x117: {  	v17 =	vmul.f32 v17, v6;
	v26 =	vld [tilespmem:s0+$0x10];
	p0 =	slt.u32 s7, $0x4C;
	v20 =	vmax.f32 v20, v23;
	v23 =	vmul.f32 v18, v5;
	v5 =	vmovc v7  }
0x118: {  	v14 =	vunpack.i.u.bf16.f32 v14;
	v6 =	vmovc v9;
	v27 =	vld [tilespmem:s9+$0xFFFFFFF0];
	v7 =	vmul.f32 $1.442695020e+00, v20;
	(erf) = vpow2.f32 v24;
	[tilespmem:s4+$0x10] =	vst v21  }
0x119: {  	v14 =	vmul.f32 v18, v14;
	v15 =	vmul.f32 v11, v15;
	v9 =	vld [tilespmem:s0+$0x0];
	v18 =	vunpack.i.l.bf16.f32 v16;
	[tilespmem:s4+$0x50] =	vst v17  }
0x11a: {  	v11 =	vmul.f32 v11, v4;
	v16 =	vunpack.i.u.bf16.f32 v16;
	v17 =	vld [tilespmem:s0+$0xFFFFFFE0];
	(erf) = vpow2.f32 v7;
	[tilespmem:s4+$0xFFFFFFA0] =	vst v22;
	v20 =	vpop (erf)  }
0x11b: {  	v19 =	vmul.f32 $1.442695020e+00, v19;
	v4 =	vmovc v8;
	v7 =	vunpack.i.l.bf16.f32 v25;
	v21 =	vld [tilespmem:s9+$0x30];
	[tilespmem:s4+$0xFFFFFFC0] =	vst v23;
	v22 =	vmul.f32 v20, v3;
	v3 =	vmovc v2  }
0x11c: {  	v18 =	vmul.f32 v20, v18;
	v16 =	vmul.f32 v20, v16;
	v8 =	vld [tilespmem:s9+$0x10];
	[tilespmem:s4+$0x20] =	vst v11  }
0x11d: {  	v20 =	vperm.xlane v7, v0;
	v11 =	vunpack.i.l.bf16.f32 v26;
	v2 =	vunpack.i.l.bf16.f32 v27;
	v23 =	vld [tilespmem:s0+$0xFFFFFFF0];
	[tilespmem:s4+$0x0] =	vst v15  }
0x11e: {  	v24 =	vperm.xlane v2, v0;
	v9 =	vunpack.i.l.bf16.f32 v9;
	(erf) = vpow2.f32 v19;
	[tilespmem:s4+$0xFFFFFFF0] =	vst v22  }
0x11f: {  	v25 =	vunpack.i.u.bf16.f32 v13;
	v22 =	vperm.xlane v11, v1;
	v19 =	vperm.xlane v9, v1;
	[tilespmem:s4+$0xFFFFFFB0] =	vst v14  }
0x120: {  	v13 =	vunpack.i.l.bf16.f32 v13;
	v14 =	vunpack.i.l.bf16.f32 v17;
	v9 =	vunpack.i.l.bf16.f32 v21;
	[tilespmem:s4+$0xFFFFFFD0] =	vst v18  }
0x121: {  	v10 =	vmax.f32 v10, v12;
	v21 =	vperm.xlane v14, v1;
	v8 =	vunpack.i.l.bf16.f32 v8;
	v15 =	vld [tilespmem:s6+$0x0];
	v11 =	vpop (erf);
	[tilespmem:s4+$0xFFFFFFE0] =	vst v16;
	s4 =	smov.u32 s8  }
0x122: {  	v10 =	vmul.f32 $1.442695020e+00, v10;
	v12 =	vunpack.i.l.bf16.f32 v23;
	v16 =	vperm.xlane v8, v0;
	v14 =	vld [tilespmem:s6+$0xFFFFFFC0]  }
0x123: {  	v18 =	vperm.xlane v9, v0;
	v23 =	vadd.f32 v21, v20;
	v12 =	vperm.xlane v12, v1;
	v17 =	vpop (erf)  }
.Ltmp3:
0x124: {  	v26 =	vadd.f32 v19, v16;
	v13 =	vmul.f32 v17, v13;
	(erf) = vpow2.f32 v10;
	(pc) =	sbr.rel @p0 .LBB2_8-.Ltmp3, $4  }
0x125: {  	v20 =	vadd.f32 v22, v18;
	v25 =	vmul.f32 v17, v25;
	v10 =	vadd.f32 v12, v24  }
0x126: {  	v19 =	vmul.f32 $2.000000030e-01, v23;
	v24 =	vmul.f32 $2.000000030e-01, v26;
	v21 =	vunpack.i.u.bf16.f32 v15;
	[tilespmem:s8+$0x30] =	vst v13  }
0x127: {  	v12 =	vmul.f32 $2.000000030e-01, v10;
	v22 =	vunpack.i.l.bf16.f32 v14;
	v16 =	vld [tilespmem:s6+$0xFFFFFFE0];
	v21 =	vmul.f32 v11, v21;
	[tilespmem:s8+$0x40] =	vst v25;
	v18 =	vpop (erf);
	s6 =	smov.u32 s9  }
0x128: {  	s0 =	sadd.s32 $0x40, s0;
	v19 =	vmax.f32 v23, v19;
	v23 =	vmul.f32 $2.000000030e-01, v20;
	s9 =	sadd.s32 $0x80, s9;
	v24 =	vmax.f32 v26, v24;
	v13 =	vld [tilespmem:s6+$0x20]  }
0x129: {  	v24 =	vmul.f32 $1.442695020e+00, v24;
	_ =	sdelay $0x1  }
0x12a: {  	v20 =	vmax.f32 v20, v23;
	(erf) = vpow2.f32 v24  }
0x12b: {  	v6 =	vmul.f32 v17, v6;
	v20 =	vmul.f32 $1.442695020e+00, v20  }
0x12c: {  	v40 =	vmul.f32 v18, v22;
	[tilespmem:s4+$0x10] =	vst v21;
	v19 =	vmul.f32 $1.442695020e+00, v19  }
0x12d: {  	v5 =	vmul.f32 v18, v5;
	[tilespmem:s4+$0x50] =	vst v6;
	(erf) = vpow2.f32 v20  }
0x12e: {  	v41 =	vunpack.i.l.bf16.f32 v15;
	v4 =	vmul.f32 v11, v4;
	v44 =	vunpack.i.u.bf16.f32 v14;
	v45 =	vld [tilespmem:s6+$0x0];
	[tilespmem:s4+$0xFFFFFFA0] =	vst v40;
	v42 =	vpop (erf)  }
0x12f: {  	v43 =	vmax.f32 v10, v12;
	v10 =	vmul.f32 v18, v44;
	[tilespmem:s4+$0xFFFFFFC0] =	vst v5;
	v3 =	vmul.f32 v42, v3  }
0x130: {  	v6 =	vmul.f32 v11, v41;
	[tilespmem:s4+$0x20] =	vst v4;
	(erf) = vpow2.f32 v19  }
0x131: {  	v5 =	vmul.f32 $1.442695020e+00, v43;
	v46 =	vunpack.i.l.bf16.f32 v16;
	[tilespmem:s4+$0xFFFFFFB0] =	vst v10  }
0x132: {  	v47 =	vunpack.i.u.bf16.f32 v16;
	[tilespmem:s4+$0x0] =	vst v6;
	v11 =	vmul.f32 v42, v46  }
0x133: {  	v49 =	vmul.f32 v42, v47;
	v54 =	vunpack.i.u.bf16.f32 v45;
	(erf) = vpow2.f32 v5;
	[tilespmem:s4+$0xFFFFFFF0] =	vst v3;
	v3 =	vpop (erf)  }
0x134: {  	v48 =	vld [tilespmem:s6+$0xFFFFFFC0];
	[tilespmem:s4+$0xFFFFFFD0] =	vst v11;
	v55 =	vmul.f32 v3, v54  }
0x135: {  	s0 =	sadd.s32 $0xC0, s8;
	v4 =	vunpack.i.l.bf16.f32 v45;
	[tilespmem:s4+$0xFFFFFFE0] =	vst v49;
	v60 =	vmul.f32 v3, v8  }
0x136: {  	v50 =	vunpack.i.l.bf16.f32 v13;
	v3 =	vmul.f32 v3, v4;
	v51 =	vpop (erf);
	[tilespmem:s0+$0x10] =	vst v55  }
0x137: {  	v52 =	vunpack.i.u.bf16.f32 v13;
	v6 =	vmul.f32 v51, v50;
	[tilespmem:s0+$0x20] =	vst v60  }
0x138: {  	v58 =	vld [tilespmem:s6+$0xFFFFFFE0];
	v53 =	vmul.f32 v51, v52;
	[tilespmem:s0+$0x0] =	vst v3  }
0x139: {  	v56 =	vunpack.i.l.bf16.f32 v48;
	v57 =	vpop (erf);
	v9 =	vmul.f32 v51, v9;
	[tilespmem:s0+$0x30] =	vst v6  }
0x13a: {  	v11 =	vmul.f32 v57, v56;
	[tilespmem:s0+$0x40] =	vst v53  }
0x13b: {  	v62 =	vunpack.i.u.bf16.f32 v48;
	v59 =	vmul.f32 v57, v7;
	[tilespmem:s0+$0x50] =	vst v9  }
0x13c: {  	v61 =	vpop (erf);
	v5 =	vmul.f32 v57, v62;
	[tilespmem:s0+$0xFFFFFFA0] =	vst v11  }
0x13d: {  	v63 =	vunpack.i.l.bf16.f32 v58;
	v2 =	vmul.f32 v61, v2;
	[tilespmem:s0+$0xFFFFFFC0] =	vst v59  }
0x13e: {  	v3 =	vunpack.i.u.bf16.f32 v58;
	v6 =	vmul.f32 v61, v63;
	[tilespmem:s0+$0xFFFFFFB0] =	vst v5  }
0x13f: {  	[tilespmem:s0+$0xFFFFFFF0] =	vst v2;
	v2 =	vmul.f32 v61, v3  }
0x140: {  	[tilespmem:s0+$0xFFFFFFD0] =	vst v6  }
0x141: {  	s8 =	simm.s32 $0x4DD0;
	[tilespmem:s0+$0xFFFFFFE0] =	vst v2  }
0x142: {  	[spmem:s3] =	stream.indirect.scatter.add.f32 [tilespmem:s26], [sflag:$0x5], $0x30, s8, s18, $0xb8;
	[tilespmem:$0x100A0] =	vst v63  }
0x143: {  	_ =	swait.ge [sflag:s2], $0xF00  }
0x144: {  	[sflag:s2] =	ssyncset.done $0x0  }
0x145: {  	s9 =	simm.s32 $0x6;
	[sflag:s2] =	ssyncadd.s32 $0xFFFFF100  }
0x146: {  	_ =	swait.ge [sflag:s9], $0xF00  }
0x147: {  	[sflag:s9] =	ssyncset.done $0x0  }
0x148: {  	[sflag:s9] =	ssyncadd.s32 $0xFFFFF100  }
0x149: {  	[bflag:$0x0] =	sbarrier.arrive $0xFFFF  }
0x14a: {  	s7 =	rddreg [dreg:$0x5]  }
0x14b: {  	s10 =	rddreg [dreg:$0x8]  }
0x14c: {  	s11 =	simm.s32 $0x10;
	s4 =	rddreg [dreg:$0xa]  }
0x14d: {  	[hbm:s10@s11], [sflag:s7] =	dma.strided [spmem:s4@s9], $0xED0, s20, $0x6   }
0x14e: {  	_ =	swait.ge [sflag:s13], $0xED0  }
0x14f: {  	s14 =	sadd.s32 $0x1, s14;
	s12 =	rddreg [dreg:$0x9]  }
0x150: {  	p0 =	sne.s32 s14, s12  }
.Ltmp4:
0x151: {  	_ = 	snop;
	(pc) =	sbr.rel @p0 .LBB2_1-.Ltmp4, $3  }
0x152: {  	_ =	sdelay $0x1  }
0x153: {  	[sflag:s13] =	ssyncset.done $0x0  }
0x154: {  	[sflag:s13] =	ssyncadd.s32 $0xFFFFF130  }
0x155: {  	_ =	sfence.sel $0x180000  }
0x156: {  	[bflag:$0x0] =	sbarrier.arrive $0xFFFF  }
0x157: {  	_ =	strace $0x9000004A  }
0x158: {  	s0 =	stileid.u32;
	[bflag:$0x2] =	sbarrier.arrive $0xFFFF  }
0x159: {  	p0 =	sne.s32 s0, $0x0;
	s0 =	rddreg [dreg:$0x3]  }
0x15a: {  	s0 =	sadd.s32 @!p0 $0x100000, s0  }
0x15b: {  	[sflag:s0] =	ssyncadd.tile.s32 @!p0 $0x1;
	_ =	shalt  }
.Lfunc_end2:
_tile_overlayer_lowered:
.L_overlay_start_2:
0x15c: {  	(tag) =	ssettag $0x2  }
0x15d: {  	s0 =	rddreg [dreg:$0x0];
	s2 =	stileid.u32  }
0x15e: {  	s1 =	rddreg [dreg:$0x1];
	p0 =	sne.s32 s2, $0x0  }
0x15f: {  	s3 =	rddreg [dreg:$0x2];
	[bflag:$0x3] =	sbarrier.arrive $0xFFFF;
	s2 =	simm.s32 @!p0 $0x1C09  }
0x160: {  	[timem:s3], [sflag:s2] =	dma.local @!p0 [hbm:s0], s1  }
0x161: {  	s0 =	simm.s32 @!p0 $0x9  }
0x162: {  	_ =	swait.ge @!p0 [sflag:s0], s1  }
0x163: {  	s1 =	ssub.s32 @!p0 $0x0, s1;
	[sflag:s0] =	ssyncset.done @!p0 $0x0  }
0x164: {  	[sflag:s0] =	ssyncadd.s32 @!p0 s1  }
0x165: {  	[bflag:$0x3] =	sbarrier.arrive $0xFFFF  }
0x166: {  	_ =	shalt  }

// kernel: kernel.7.cloned.1.call-start
scs
__scs_entry_jumppad:
0x0: {  	(pc) =	sbr.rel $0x88, $3  }
0x1: {  	(tag) =	ssettag $0x0;
	lr =	simm.s32 $0x1  }
0x2: {  	[smem:$0x3F94] =	sst lr;
	_ =	strace $0xD0000000  }
0x3: {  	_ = 	snop  }
0x4: {  	_ = 	snop  }
0x5: {  	_ = 	snop  }
0x6: {  	_ = 	snop  }
0x7: {  	_ = 	snop  }
__scs_overlays_trampoline_lowered:
0x8: {  	[smem:$0x3FA3] =	sst s0  }
0x9: {  	[smem:$0x3FA4] =	sst s1  }
0xa: {  	[smem:$0x3FA5] =	sst s2  }
0xb: {  	[smem:$0x3FA6] =	sst s3  }
0xc: {  	[smem:$0x3FA7] =	sst s4  }
0xd: {  	[smem:$0x3FA8] =	sst s5  }
0xe: {  	[smem:$0x3FA9] =	sst s6  }
0xf: {  	[smem:$0x3FAA] =	sst s7  }
0x10: {  	[smem:$0x3FAB] =	sst s8  }
0x11: {  	[smem:$0x3FAC] =	sst s9;
	s0 =	simm.s32 @!p0 $0x0  }
0x12: {  	s1 =	sld [smem:$0x3F92];
	s0 =	simm.s32 @p0 $0x1  }
0x13: {  	[smem:$0x3FAD] =	sst s0;
	s0 =	simm.s32 @!p1 $0x0  }
0x14: {  	s2 =	sld [smem:$0x3F91];
	s0 =	simm.s32 @p1 $0x1  }
0x15: {  	[smem:$0x3FAE] =	sst s0;
	s0 =	simm.s32 @!p2 $0x0  }
0x16: {  	s3 =	sld [smem:$0x3FDB];
	s0 =	simm.s32 @p2 $0x1  }
0x17: {  	s4 =	simm.s32 $0x1BF5;
	[smem:$0x3FB0] =	sst s0  }
0x18: {  	s0 =	sld [smem:$0x3F93];
	_ =	swait.ge [sflag:s4], $0x0  }
0x19: {  	s7 =	sld [smem:$0x3F94]  }
0x1a: {  	s8 =	sadd.s32 $0xFFFFE003, lr  }
0x1b: {  	s9 =	sadd.s32 $0xFFFFFEF7, lr;
	s5 =	simm.s32 $0xFFFFFFFF;
	p2 =	slt.u32 s8, $0xFFFFF086  }
0x1c: {  	p1 =	slt.u32 s9, $0xF7A;
	s5 =	simm.s32 @!p2 $0x0  }
0x1d: {  	s5 =	simm.s32 @p1 $0x1;
	p0 =	seq.s32 s7, s2  }
0x1e: {  	s7 =	smul.u32 @!p0 $0xF7A, s2;
	p2 =	seq.s32 @!p0 s5, $0x0  }
0x1f: {  	s9 =	smul.u32 $0xF7A, s1;
	s8 =	simm.s32 @!p0 $0x1BF5;
	p2 =	por !p2, p0  }
0x20: {  	[sflag:s8] =	ssyncset.s32 @!p0 $0xFFFFF086;
	s6 =	sadd.s32 @!p0 s3, s7;
	s7 =	simm.s32 @!p0 $0x108  }
0x21: {  	s3 =	sadd.s32 s3, s9;
	s6 =	sadd.s32 @!p0 $0x88, s6;
	s7 =	simm.s32 @p2 $0x1082  }
0x22: {  	[simem:s7], [sflag:s8] =	dma.local @!p0 [hbm:s6], $0xF7A  }
0x23: {  	s9 =	sor.u32 $0xD0000000, s2;
	s6 =	simm.s32 $0x108;
	_ =	swait.ge @!p0 [sflag:s8], $0x0  }
0x24: {  	s3 =	sadd.s32 $0x88, s3;
	s6 =	simm.s32 @!p1 $0x1082;
	[sflag:s4] =	ssyncset.s32 $0xFFFFF086  }
0x25: {  	[simem:s6], [sflag:s4] =	dma.local [hbm:s3], $0xF7A  }
0x26: {  	[smem:$0x3F94] =	sst s1;
	(tag) =	ssettag s2;
	_ =	strace s9  }
0x27: {  	s1 =	sld [smem:$0x3FA4]  }
0x28: {  	s2 =	sld [smem:$0x3FA5]  }
0x29: {  	s4 =	sld [smem:$0x3FA7]  }
0x2a: {  	p0 =	seq.s32 s5, $0x0;
	s5 =	sld [smem:$0x3FA8]  }
0x2b: {  	s6 =	sld [smem:$0x3FA9]  }
0x2c: {  	s7 =	sld [smem:$0x3FAA]  }
0x2d: {  	s3 =	simm.s32 $0x108;
	s8 =	sld [smem:$0x3FAB]  }
0x2e: {  	s3 =	simm.s32 @!p0 $0x1082;
	s9 =	sld [smem:$0x3FAC]  }
0x2f: {  	lr =	sadd.s32 s0, s3;
	s0 =	sld [smem:$0x3FA3]  }
0x30: {  	s3 =	sld [smem:$0x3FA6]  }
0x31: {  	[smem:$0x3FAF] =	sst s10  }
0x32: {  	s10 =	sld [smem:$0x3FAD];
	_ =	sdelay $0x3  }
0x33: {  	p0 =	seq.s32 s10, $0x1;
	s10 =	sld [smem:$0x3FAF];
	_ =	sdelay $0x3  }
0x34: {  	[smem:$0x3FAF] =	sst s10  }
0x35: {  	s10 =	sld [smem:$0x3FAE];
	_ =	sdelay $0x3  }
0x36: {  	p1 =	seq.s32 s10, $0x1;
	s10 =	sld [smem:$0x3FAF];
	_ =	sdelay $0x3  }
0x37: {  	[smem:$0x3FAF] =	sst s10  }
0x38: {  	s10 =	sld [smem:$0x3FB0]  }
0x39: {  	_ = 	snop;
	(pc) =	sbr.ind lr, $3  }
0x3a: {  	_ = 	snop  }
0x3b: {  	_ = 	snop  }
0x3c: {  	p2 =	seq.s32 s10, $0x1;
	s10 =	sld [smem:$0x3FAF]  }
0x3d: {  	_ =	shalt  }
0x3e: {  	_ =	shalt  }
0x3f: {  	_ =	shalt  }
0x40: {  	_ =	shalt  }
0x41: {  	_ =	shalt  }
0x42: {  	_ =	shalt  }
0x43: {  	_ =	shalt  }
0x44: {  	_ =	shalt  }
0x45: {  	_ =	shalt  }
0x46: {  	_ =	shalt  }
0x47: {  	_ =	shalt  }
0x48: {  	_ =	shalt  }
0x49: {  	_ =	shalt  }
0x4a: {  	_ =	shalt  }
0x4b: {  	_ =	shalt  }
0x4c: {  	_ =	shalt  }
0x4d: {  	_ =	shalt  }
0x4e: {  	_ =	shalt  }
0x4f: {  	_ =	shalt  }
0x50: {  	_ =	shalt  }
0x51: {  	_ =	shalt  }
0x52: {  	_ =	shalt  }
0x53: {  	_ =	shalt  }
0x54: {  	_ =	shalt  }
0x55: {  	_ =	shalt  }
0x56: {  	_ =	shalt  }
0x57: {  	_ =	shalt  }
0x58: {  	_ =	shalt  }
0x59: {  	_ =	shalt  }
0x5a: {  	_ =	shalt  }
0x5b: {  	_ =	shalt  }
0x5c: {  	_ =	shalt  }
0x5d: {  	_ =	shalt  }
0x5e: {  	_ =	shalt  }
0x5f: {  	_ =	shalt  }
0x60: {  	_ =	shalt  }
0x61: {  	_ =	shalt  }
0x62: {  	_ =	shalt  }
0x63: {  	_ =	shalt  }
0x64: {  	_ =	shalt  }
0x65: {  	_ =	shalt  }
0x66: {  	_ =	shalt  }
0x67: {  	_ =	shalt  }
0x68: {  	_ =	shalt  }
0x69: {  	_ =	shalt  }
0x6a: {  	_ =	shalt  }
0x6b: {  	_ =	shalt  }
0x6c: {  	_ =	shalt  }
0x6d: {  	_ =	shalt  }
0x6e: {  	_ =	shalt  }
0x6f: {  	_ =	shalt  }
0x70: {  	_ =	shalt  }
0x71: {  	_ =	shalt  }
0x72: {  	_ =	shalt  }
0x73: {  	_ =	shalt  }
0x74: {  	_ =	shalt  }
0x75: {  	_ =	shalt  }
0x76: {  	_ =	shalt  }
0x77: {  	_ =	shalt  }
0x78: {  	_ =	shalt  }
0x79: {  	_ =	shalt  }
0x7a: {  	_ =	shalt  }
0x7b: {  	_ =	shalt  }
0x7c: {  	_ =	shalt  }
0x7d: {  	_ =	shalt  }
0x7e: {  	_ =	shalt  }
0x7f: {  	_ =	shalt  }
0x80: {  	_ =	shalt  }
0x81: {  	_ =	shalt  }
0x82: {  	_ =	shalt  }
0x83: {  	_ =	shalt  }
0x84: {  	_ =	shalt  }
0x85: {  	_ =	shalt  }
0x86: {  	_ =	shalt  }
0x87: {  	_ =	shalt  }
.Lfunc_end0:
.L_simem_size_0:
called_computation_lowered:
.L_overlay_start_0:
0x88: {  	s2 =	sld [smem:$0x3FD9]  }
0x89: {  	s3 =	sld [smem:$0x3FFE];
	_ =	sdelay $0x1  }
0x8a: {  	s1 =	srdreg.scid  }
0x8b: {  	s0 =	sand.u32 $0x1, s1  }
0x8c: {  	s17 =	sshll.u32 s0, $0xA;
	s2 =	sadd.s32 s3, s2  }
0x8d: {  	s2 =	sadd.s32 s2, s17  }
0x8e: {  	[smem:$0x3FBB] =	sst s2  }
0x8f: {  	_ = 	snop  }
0x90: {  	s2 =	sld [smem:$0x3FD0];
	(tm) =	ssettm $0x1  }
0x91: {  	s18 =	sld [smem:$0x3FFB];
	_ =	sdelay $0x3  }
0x92: {  	_ =	strace s18  }
0x93: {  	s3 =	sld [smem:$0x3FFC];
	_ =	sdelay $0x3  }
0x94: {  	_ =	strace s3  }
0x95: {  	s3 =	sld [smem:$0x3FFD];
	_ =	sdelay $0x3  }
0x96: {  	_ =	strace s3  }
0x97: {  	_ =	strace $0x8FFFFFFF  }
0x98: {  	s19 =	sld [smem:$0x3FDB];
	_ =	sdelay $0x1  }
0x99: {  	s4 =	simm.s32 $_scs_section_size  }
0x9a: {  	s5 =	simm.s32 $_size__tile_overlayer_lowered;
	s6 =	simm.s32 $_tile_overlayer_lowered  }
0x9b: {  	s22 =	simm.s32 $0x1BFF;
	s21 =	sshll.u32 s6, $0x1;
	s3 =	sadd.s32 s4, s19  }
0x9c: {  	s7 =	simm.s32 $0x0;
	s20 =	sshll.u32 s5, $0x1;
	s5 =	sadd.s32 s21, s3  }
0x9d: {  	[timem:s7], [sflag:s22] =	dma.local [hbm:s5], s20  }
0x9e: {  	_ =	swait.ge [sflag:s22], s20  }
0x9f: {  	s4 =	ssub.s32 $0x0, s20;
	[sflag:s22] =	ssyncset.done $0x0  }
0xa0: {  	[sflag:s22] =	ssyncadd.s32 s4;
	_ =	sdelay $0x1  }
0xa1: {  	s23 =	simm.s32 $0x1B8B  }
0xa2: {  	_ =	swait.ge [sflag:s23], $0x1  }
0xa3: {  	[sflag:s23] =	ssyncset.done $0x0  }
0xa4: {  	s25 =	simm.s32 $0x1B8E;
	s24 =	sld [smem:$0x3FFE];
	[sflag:s23] =	ssyncadd.s32 $0xFFFFFFFF  }
0xa5: {  	s26 =	simm.s32 $execute0_lowered;
	[smem:$0x3FD2] =	sst s25  }
0xa6: {  	s5 =	sshll.u32 s26, $0x1;
	_ =	strace $0x80000046;
	[dreg:$0x1] =	wrdreg $0xFFFFFFFF  }
0xa7: {  	s28 =	simm.s32 $_size_execute0_lowered;
	s3 =	sadd.s32 s3, s5;
	[dreg:$0x0] =	wrdreg $0x0  }
0xa8: {  	s5 =	sshll.u32 s28, $0x1;
	[dreg:$0x2] =	wrdreg s3  }
0xa9: {  	[dreg:$0x3] =	wrdreg s5  }
0xaa: {  	[dreg:$0x4] =	wrdreg $0xC0  }
0xab: {  	_ =	task [dreg:s7], $0x5FFFF  }
0xac: {  	[dreg:$0x1] =	wrdreg $0xFFFFFFFF  }
0xad: {  	[dreg:$0x0] =	wrdreg $0x60  }
0xae: {  	[dreg:$0x2] =	wrdreg s24  }
0xaf: {  	[dreg:$0x3] =	wrdreg s2  }
0xb0: {  	[dreg:$0x4] =	wrdreg $0xA8200  }
0xb1: {  	[dreg:$0x5] =	wrdreg $0x9  }
0xb2: {  	_ =	task.clear_ibuf [dreg:s7], $0x6FFFF;
	_ =	strace $0x90000046  }
0xb3: {  	s29 =	simm.s32 $0x9;
	_ =	strace $0x80000048  }
0xb4: {  	_ =	swait.ge [sflag:s29], $0x1  }
0xb5: {  	[sflag:s29] =	ssyncadd.s32 $0xFFFFFFFF  }
0xb6: {  	_ =	strace $0x90000048  }
0xb7: {  	_ =	sfence  }
0xb8: {  	s30 =	sld [smem:$0x0];
	_ =	sdelay $0x2  }
0xb9: {  	s31 =	sshll.u32 s1, $0xD;
	s1 =	sshrl.u32 s1, $0x2  }
0xba: {  	s3 =	sand.u32 $0x4000, s31;
	s1 =	sadd.s32 s1, s30  }
0xbb: {  	s0 =	sor.u32 s3, s0;
	s1 =	sshll.u32 s1, $0x11  }
0xbc: {  	s0 =	sor.u32 s1, s0  }
0xbd: {  	s0 =	sadd.s32 $0x8F2B, s0  }
0xbe: {  	[sflag:s0] =	ssyncadd.remote.s32 $0x1  }
0xbf: {  	_ =	sfence.sel $0xFFFF  }
0xc0: {  	[dreg:$0x0] =	wrdreg $0xFFFFFFFF;
	(pc) =	sbr.abs _section_cstart, $3  }
0xc1: {  	[dreg:$0x1] =	wrdreg $0xFFFFFFFF  }
0xc2: {  	_ =	task.clear_ibuf [dreg:s7], $0x2FFFF;
	_ =	strace $0x9FFFFFFF  }
0xc3: {  	(tm) =	ssettm $0x7FFFFFFF  }
tec
execute0_lowered:
.L_overlay_start_1:
0x0: {  	(tag) =	ssettag $0x1  }
0x1: {  	s1 =	rddreg [dreg:$0x0]  }
0x2: {  	s0 =	srdreg.scid;
	s2 =	rddreg [dreg:$0x1]  }
0x3: {  	s10 =	stileid.u32;
	s3 =	rddreg [dreg:$0x2];
	s5 =	simm.s32 $0x0  }
0x4: {  	s13 =	simm.s32 $0x9;
	s15 =	simm.s32 $0x28;
	s16 =	simm.s32 $0x4E20  }
0x5: {  	s17 =	simm.s32 $0x55A0;
	s18 =	simm.s32 $0x50;
	s19 =	simm.s32 $0x6C20  }
0x6: {  	s20 =	simm.s32 $0x1;
	s21 =	simm.s32 $0x7;
	s22 =	simm.s32 $0x3  }
0x7: {  	s28 =	simm.s32 $0x2;
	s29 =	simm.s32 $0x8;
	s30 =	simm.s32 $0x4  }
0x8: {  	s31 =	simm.s32 $0x8F20;
	s14 =	simm.s32 $0x0;
	s0 =	sand.u32 $0x1, s0  }
0x9: {  	[smem:$0x7FF] =	sst s5;
	s7 =	smul.u32 $0x13C00, s10;
	s5 =	sadd.s32 $0x2E00, s1  }
0xa: {  	s8 =	smul.u32 $0xC580, s10;
	s25 =	sshll.u32 s10, $0x6;
	s4 =	sshll.u32 s0, $0x4  }
0xb: {  	s6 =	smul.u32 $0x13C000, s0;
	_ =	strace $0x80000047;
	s0 =	ssub.s32 $0x2, s0  }
0xc: {  	s4 =	sor.u32 s10, s4;
	s23 =	sshrl.u32 s8, $0x3;
	s9 =	sshrl.u32 s0, $0x1  }
0xd: {  	s24 =	sadd.s32 s8, s3;
	s4 =	smul.u32 $0x2710, s4;
	s6 =	sadd.s32 s7, s6  }
0xe: {  	s7 =	sadd.s32 s23, s1;
	s0 =	ssub.s32 s0, s9;
	s23 =	simm.s32 $0x5D20  }
0xf: {  	v0 =	vimm.s32 $0xFEDCBA98;
	s6 =	sshrl.u32 s6, $0x3;
	s7 =	sadd.s32 $0x25400, s7;
	s4 =	sshrl.u32 s4, $0x3  }
0x10: {  	v1 =	vimm.s32 $0x76543210;
	v0 =	vunpack.c.l.s4.s8 v0;
	s0 =	smax.u32 s0, $0x1;
	[dreg:$0x4] =	wrdreg s7;
	s4 =	sadd.s32 s4, s1  }
0x11: {  	v1 =	vunpack.c.l.s4.s8 v1;
	s7 =	sor.u32 $0x1C09, s25;
	[dreg:$0x8] =	wrdreg s0;
	s26 =	sadd.s32 $0x11A00, s4  }
0x12: {  	v0 =	vunpack.c.0.s8.s32 v0;
	s1 =	sadd.s32 s6, s1;
	s4 =	sadd.s32 $0x1B640, s4;
	[dreg:$0x5] =	wrdreg s26  }
0x13: {  	v1 =	vunpack.c.0.s8.s32 v1;
	s25 =	simm.s32 $0x7120;
	s1 =	sadd.s32 $0x3E000, s1;
	[dreg:$0x6] =	wrdreg s4  }
0x14: {  	v0 =	vand.u32 $0xF, v0;
	[dreg:$0x7] =	wrdreg s1;
	s4 =	sshrl.u32 s24, $0x3;
	s24 =	simm.s32 $0x64A0  }
0x15: {  	v0 =	vcombine.low v0, v1;
	s26 =	simm.s32 $0x7620;
	s1 =	simm.s32 $0x5;
	[dreg:$0x9] =	wrdreg s4  }
.LBB2_1:
0x16: {  	s0 =	rddreg [dreg:$0x4]  }
0x17: {  	[spmem:s4], [sflag:s7] =	dma.local [hbm:s0], $0x18B0  }
0x18: {  	_ =	swait.ge [sflag:s13], $0x18B0  }
0x19: {  	[sflag:s13] =	ssyncset.done $0x0  }
0x1a: {  	s9 =	simm.s32 $0x0;
	s10 =	rddreg [dreg:$0x5];
	[sflag:s13] =	ssyncadd.s32 $0xFFFFE750  }
0x1b: {  	[tilespmem:s9], [sflag:$0x9] =	stream.linear.gather [hbm4b:s10+s9], $0x2710, $0x38;
	[tilespmem:$0x16DA0] =	vst v63  }
0x1c: {  	_ =	swait.ge [sflag:s13], $0x2710  }
0x1d: {  	[sflag:s13] =	ssyncset.done $0x0  }
0x1e: {  	s6 =	simm.s32 $0x2710;
	s11 =	rddreg [dreg:$0x6];
	[sflag:s13] =	ssyncadd.s32 $0xFFFFD8F0  }
0x1f: {  	[tilespmem:s6], [sflag:$0x9] =	stream.linear.gather [hbm4b:s11+s9], $0x2710, $0x38;
	[tilespmem:$0x16DA0] =	vst v63  }
0x20: {  	_ =	swait.ge [sflag:s13], $0x2710  }
0x21: {  	[sflag:s13] =	ssyncset.done $0x0  }
0x22: {  	[sflag:s13] =	ssyncadd.s32 $0xFFFFD8F0  }
0x23: {  	[bflag:$0x0] =	sbarrier.arrive $0xFFFF  }
0x24: {  	[tilespmem:s16], [sflag:$0x1] =	stream.indirect.gather [hbm4b:s5+s15], $0x30, s9, s15, $0xb8;
	[tilespmem:$0x16DA0] =	vst v63  }
0x25: {  	_ = 	snop  }
0x26: {  	[tilespmem:s17], [sflag:$0x7] =	stream.indirect.gather [hbm4b:s5+s15], $0x30, s15, s15, $0xb8;
	[tilespmem:$0x16DA0] =	vst v63  }
0x27: {  	_ = 	snop  }
0x28: {  	[tilespmem:s19], [sflag:$0x3] =	stream.indirect.gather [hbm4b:s2+s18], $0x10, s6, s18, $0xb8;
	[tilespmem:$0x16DA0] =	vst v63  }
0x29: {  	s12 =	smov.u32 s7;
	s6 =	simm.s32 $0x0  }
.LBB2_2:
0x2a: {  	_ =	swait.ge [sflag:s20], $0x780  }
0x2b: {  	[sflag:s20] =	ssyncset.done $0x0  }
0x2c: {  	[sflag:s20] =	ssyncadd.s32 $0xFFFFF880  }
0x2d: {  	_ =	swait.ge [sflag:s21], $0x780  }
0x2e: {  	[sflag:s21] =	ssyncset.done $0x0  }
0x2f: {  	[sflag:s21] =	ssyncadd.s32 $0xFFFFF880  }
0x30: {  	s9 =	smul.u32 $0xA0, s6;
	_ =	swait.ge [sflag:s22], $0x500  }
0x31: {  	[sflag:s22] =	ssyncset.done $0x0  }
0x32: {  	s0 =	sadd.s32 $0x50, s9;
	[sflag:s22] =	ssyncadd.s32 $0xFFFFFB00  }
0x33: {  	[tilespmem:s23], [sflag:$0x2] =	stream.indirect.gather [hbm4b:s5+s15], $0x30, s0, s15, $0xb8;
	[tilespmem:$0x16DA0] =	vst v63  }
0x34: {  	p0 =	seq.s32 s6, $0x0;
	s4 =	sadd.s32 $0x78, s9  }
0x35: {  	[tilespmem:s24], [sflag:$0x8] =	stream.indirect.gather [hbm4b:s5+s15], $0x30, s4, s15, $0xb8;
	[tilespmem:$0x16DA0] =	vst v63  }
0x36: {  	s8 =	sadd.s32 $0x2760, s9;
	s0 =	simm.s32 @!p0 $0x5  }
0x37: {  	[tilespmem:s25], [sflag:$0x4] =	stream.indirect.gather [hbm4b:s2+s18], $0x10, s8, s18, $0xb8;
	[tilespmem:$0x16DA0] =	vst v63  }
0x38: {  	_ =	swait.ge @!p0 [sflag:s0], $0x1900  }
0x39: {  	[sflag:s0] =	ssyncset.done @!p0 $0x0  }
0x3a: {  	s7 =	simm.s32 $0x4E80;
	[sflag:s0] =	ssyncadd.s32 @!p0 $0xFFFFE700  }
0x3b: {  	s10 =	simm.s32 $0x6C40;
	v1 =	vld [tilespmem:s7+$0x50]  }
0x3c: {  	v2 =	vld [tilespmem:s10+$0x10]  }
0x3d: {  	v3 =	vld [tilespmem:s7+$0xFFFFFFC0]  }
0x3e: {  	v4 =	vld [tilespmem:s10+$0xFFFFFFE0]  }
0x3f: {  	v5 =	vld [tilespmem:s7+$0xFFFFFFF0]  }
0x40: {  	v8 =	vld [tilespmem:s7+$0x20]  }
0x41: {  	v6 =	vld [tilespmem:s10+$0xFFFFFFF0]  }
0x42: {  	v9 =	vld [tilespmem:s7+$0xFFFFFFB0]  }
0x43: {  	v7 =	vld [tilespmem:s7+$0x40];
	v1 =	vunpack.i.l.bf16.f32 v1;
	v2 =	vunpack.i.l.bf16.f32 v2  }
0x44: {  	v1 =	vmul.f32 v2, v1;
	v2 =	vld [tilespmem:s10+$0x0]  }
0x45: {  	v3 =	vunpack.i.l.bf16.f32 v3;
	v4 =	vunpack.i.l.bf16.f32 v4;
	v8 =	vunpack.i.l.bf16.f32 v8  }
0x46: {  	v11 =	vld [tilespmem:s7+$0xFFFFFFD0];
	v3 =	vmul.f32 v4, v3;
	v4 =	vunpack.i.l.bf16.f32 v5;
	v5 =	vunpack.i.l.bf16.f32 v6  }
0x47: {  	v12 =	vld [tilespmem:s7+$0xFFFFFFE0];
	v14 =	vunpack.i.u.bf16.f32 v9;
	v4 =	vmul.f32 v5, v4;
	v10 =	vperm.xlane v1, v0  }
0x48: {  	v18 =	vld [tilespmem:s7+$0x10];
	v21 =	vunpack.i.l.bf16.f32 v9;
	v5 =	vunpack.i.u.bf16.f32 v7;
	v6 =	vperm.xlane v3, v0  }
0x49: {  	v15 =	vperm.xlane v4, v0;
	v1 =	vmax.f32 v1, v10;
	v10 =	vld [tilespmem:s7+$0x0];
	v16 =	vunpack.i.l.bf16.f32 v2  }
0x4a: {  	v20 =	vld [tilespmem:s7+$0x30];
	v13 =	vmul.f32 v1, v5;
	v2 =	vunpack.i.l.bf16.f32 v7;
	v19 =	vmul.f32 v16, v8  }
0x4b: {  	s11 =	simm.s32 $0x76C0;
	v17 =	vld [tilespmem:s7+$0xFFFFFFA0];
	v5 =	vmax.f32 v3, v6;
	v6 =	vunpack.i.u.bf16.f32 v11;
	v3 =	vmax.f32 v4, v15  }
0x4c: {  	v15 =	vunpack.i.l.bf16.f32 v11;
	v7 =	vunpack.i.u.bf16.f32 v12;
	[tilespmem:s11+$0xFFFFFFA0] =	vst v5;
	v4 =	vperm.xlane v19, v0  }
0x4d: {  	v11 =	vunpack.i.l.bf16.f32 v18;
	v16 =	vunpack.i.l.bf16.f32 v12;
	[tilespmem:s11+$0xFFFFFFF0] =	vst v3;
	v8 =	vunpack.i.u.bf16.f32 v18  }
0x4e: {  	[tilespmem:s11+$0x80] =	vst v13;
	v9 =	vunpack.i.u.bf16.f32 v10;
	v13 =	vunpack.i.l.bf16.f32 v10;
	v10 =	vmax.f32 v19, v4  }
0x4f: {  	s4 =	simm.s32 $0x76C0;
	s0 =	simm.s32 $0x0;
	s7 =	simm.s32 $0x4F40;
	v18 =	vmul.f32 v5, v21;
	v12 =	vunpack.i.l.bf16.f32 v20;
	v4 =	vunpack.i.u.bf16.f32 v20;
	[tilespmem:s11+$0x40] =	vst v10  }
.LBB2_3:
0x50: {  	v19 =	vld [tilespmem:s7+$0x50];
	v20 =	vunpack.i.u.bf16.f32 v17;
	v17 =	vunpack.i.l.bf16.f32 v17;
	v14 =	vmul.f32 v5, v14;
	[tilespmem:s11+$0x90] =	vst v1;
	s10 =	sadd.s32 $0x40, s10  }
0x51: {  	s0 =	sadd.s32 $0x4, s0;
	v21 =	vld [tilespmem:s10+$0x10];
	v17 =	vmul.f32 v5, v17;
	v5 =	vmul.f32 v5, v20;
	[tilespmem:s11+$0xFFFFFF80] =	vst v18  }
0x52: {  	v6 =	vmul.f32 v3, v6;
	p1 =	slt.u32 s0, $0x4C;
	v18 =	vld [tilespmem:s7+$0xFFFFFFC0];
	[tilespmem:s11+$0xFFFFFF90] =	vst v14;
	v14 =	vmul.f32 v3, v15  }
0x53: {  	v16 =	vmul.f32 v3, v16;
	v3 =	vmul.f32 v3, v7;
	v15 =	vld [tilespmem:s10+$0xFFFFFFE0];
	[tilespmem:s11+$0xFFFFFF60] =	vst v17  }
0x54: {  	v9 =	vmul.f32 v10, v9;
	v7 =	vld [tilespmem:s7+$0xFFFFFFF0];
	[tilespmem:s11+$0xFFFFFF70] =	vst v5;
	v5 =	vmul.f32 v10, v13  }
0x55: {  	v11 =	vmul.f32 v10, v11;
	v8 =	vmul.f32 v10, v8;
	v13 =	vld [tilespmem:s10+$0xFFFFFFF0];
	[tilespmem:s11+$0xFFFFFFB0] =	vst v14  }
0x56: {  	v14 =	vunpack.i.l.bf16.f32 v19;
	v10 =	vld [tilespmem:s7+$0x40];
	v17 =	vunpack.i.l.bf16.f32 v21;
	[tilespmem:s11+$0xFFFFFFC0] =	vst v6;
	v6 =	vmul.f32 v1, v12  }
0x57: {  	v4 =	vmul.f32 v1, v4;
	v12 =	vunpack.i.l.bf16.f32 v18;
	v18 =	vld [tilespmem:s7+$0x20];
	v14 =	vmul.f32 v17, v14;
	[tilespmem:s11+$0xFFFFFFD0] =	vst v16  }
0x58: {  	v19 =	vmul.f32 v1, v2;
	v15 =	vunpack.i.l.bf16.f32 v15;
	v16 =	vld [tilespmem:s10+$0x0];
	[tilespmem:s11+$0xFFFFFFE0] =	vst v3  }
0x59: {  	v3 =	vld [tilespmem:s7+$0xFFFFFFB0];
	v12 =	vmul.f32 v15, v12;
	v1 =	vunpack.i.l.bf16.f32 v7;
	v2 =	vperm.xlane v14, v0;
	[tilespmem:s11+$0x0] =	vst v5  }
0x5a: {  	v7 =	vld [tilespmem:s7+$0xFFFFFFD0];
	v5 =	vunpack.i.l.bf16.f32 v13;
	[tilespmem:s11+$0x10] =	vst v9  }
0x5b: {  	v9 =	vld [tilespmem:s7+$0xFFFFFFE0];
	v13 =	vmul.f32 v5, v1;
	v5 =	vunpack.i.u.bf16.f32 v10;
	v1 =	vmax.f32 v14, v2;
	[tilespmem:s11+$0x20] =	vst v11  }
0x5c: {  	v11 =	vperm.xlane v12, v0;
	v20 =	vld [tilespmem:s7+$0x0];
	v15 =	vunpack.i.l.bf16.f32 v18;
	v17 =	vmul.f32 v1, v5;
	[tilespmem:s11+$0x30] =	vst v8  }
0x5d: {  	v2 =	vunpack.i.l.bf16.f32 v10;
	s11 =	sadd.s32 $0x140, s11;
	v8 =	vperm.xlane v13, v0;
	v18 =	vld [tilespmem:s7+$0x10];
	v16 =	vunpack.i.l.bf16.f32 v16;
	[tilespmem:s4+$0x50] =	vst v6  }
0x5e: {  	v5 =	vmax.f32 v12, v11;
	v14 =	vunpack.i.u.bf16.f32 v3;
	v10 =	vmul.f32 v16, v15;
	v12 =	vld [tilespmem:s7+$0x30];
	[tilespmem:s11+$0x80] =	vst v17  }
.Ltmp0:
0x5f: {  	v21 =	vunpack.i.l.bf16.f32 v3;
	v17 =	vld [tilespmem:s7+$0xFFFFFFA0];
	v6 =	vunpack.i.u.bf16.f32 v7;
	v3 =	vmax.f32 v13, v8;
	[tilespmem:s4+$0x60] =	vst v4;
	(pc) =	sbr.rel @p1 .LBB2_3-.Ltmp0, $4  }
0x60: {  	v15 =	vunpack.i.l.bf16.f32 v7;
	v7 =	vunpack.i.u.bf16.f32 v9;
	v4 =	vperm.xlane v10, v0;
	[tilespmem:s4+$0x70] =	vst v19;
	s4 =	smov.u32 s11  }
0x61: {  	v16 =	vunpack.i.l.bf16.f32 v9;
	[tilespmem:s11+$0xFFFFFFA0] =	vst v5;
	v9 =	vunpack.i.u.bf16.f32 v20;
	v13 =	vunpack.i.l.bf16.f32 v20  }
0x62: {  	[tilespmem:s11+$0xFFFFFFF0] =	vst v3;
	v8 =	vunpack.i.u.bf16.f32 v18;
	v11 =	vunpack.i.l.bf16.f32 v18;
	v10 =	vmax.f32 v10, v4  }
0x63: {  	s7 =	sadd.s32 $0xC0, s7;
	v18 =	vmul.f32 v5, v21;
	[tilespmem:s11+$0x40] =	vst v10;
	v4 =	vunpack.i.u.bf16.f32 v12;
	v12 =	vunpack.i.l.bf16.f32 v12  }
0x64: {  	v14 =	vmul.f32 v5, v14;
	[tilespmem:s11+$0x90] =	vst v1  }
0x65: {  	v19 =	vunpack.i.l.bf16.f32 v17;
	v6 =	vmul.f32 v3, v6;
	[tilespmem:s11+$0xFFFFFF80] =	vst v18  }
0x66: {  	v17 =	vunpack.i.u.bf16.f32 v17;
	v19 =	vmul.f32 v5, v19;
	[tilespmem:s11+$0xFFFFFF90] =	vst v14  }
0x67: {  	v5 =	vmul.f32 v5, v17;
	[tilespmem:s11+$0xFFFFFFC0] =	vst v6  }
0x68: {  	v14 =	vmul.f32 v3, v15;
	[tilespmem:s11+$0xFFFFFF60] =	vst v19  }
0x69: {  	v6 =	vmul.f32 v10, v13;
	[tilespmem:s11+$0xFFFFFF70] =	vst v5  }
0x6a: {  	v5 =	vmul.f32 v3, v16;
	[tilespmem:s11+$0xFFFFFFB0] =	vst v14  }
0x6b: {  	v3 =	vmul.f32 v3, v7;
	[tilespmem:s11+$0x0] =	vst v6  }
0x6c: {  	v6 =	vmul.f32 v10, v8;
	[tilespmem:s11+$0xFFFFFFD0] =	vst v5  }
0x6d: {  	v5 =	vmul.f32 v10, v9;
	[tilespmem:s11+$0xFFFFFFE0] =	vst v3  }
0x6e: {  	v3 =	vmul.f32 v10, v11;
	[tilespmem:s11+$0x30] =	vst v6  }
0x6f: {  	[tilespmem:s11+$0x10] =	vst v5;
	v5 =	vmul.f32 v1, v12  }
0x70: {  	s0 =	smul.u32 $0x280, s6;
	[tilespmem:s11+$0x20] =	vst v3;
	v3 =	vmul.f32 v1, v4  }
0x71: {  	v1 =	vmul.f32 v1, v2;
	[tilespmem:s4+$0x50] =	vst v5  }
0x72: {  	s0 =	sshra.s32 s0, $0x2;
	[tilespmem:s4+$0x60] =	vst v3  }
0x73: {  	s0 =	sadd.s32 $0x2710, s0;
	[tilespmem:s4+$0x70] =	vst v1  }
0x74: {  	[spmem:s3] =	stream.indirect.scatter.add.f32 [tilespmem:s26], [sflag:$0x5], $0x50, s0, s18, $0xb8;
	[tilespmem:$0x16DA0] =	vst v63  }
0x75: {  	_ =	swait.ge [sflag:s28], $0x780  }
0x76: {  	[sflag:s28] =	ssyncset.done $0x0  }
0x77: {  	[sflag:s28] =	ssyncadd.s32 $0xFFFFF880  }
0x78: {  	_ =	swait.ge [sflag:s29], $0x780  }
0x79: {  	[sflag:s29] =	ssyncset.done $0x0  }
0x7a: {  	[sflag:s29] =	ssyncadd.s32 $0xFFFFF880  }
0x7b: {  	_ =	swait.ge [sflag:s30], $0x500  }
0x7c: {  	[sflag:s30] =	ssyncset.done $0x0  }
0x7d: {  	s4 =	sadd.s32 $0xA0, s9;
	[sflag:s30] =	ssyncadd.s32 $0xFFFFFB00  }
0x7e: {  	[tilespmem:s16], [sflag:$0x1] =	stream.indirect.gather [hbm4b:s5+s15], $0x30, s4, s15, $0xb8;
	[tilespmem:$0x16DA0] =	vst v63  }
0x7f: {  	s7 =	sadd.s32 $0xC8, s9  }
0x80: {  	[tilespmem:s17], [sflag:$0x7] =	stream.indirect.gather [hbm4b:s5+s15], $0x30, s7, s15, $0xb8;
	[tilespmem:$0x16DA0] =	vst v63  }
0x81: {  	s10 =	sadd.s32 $0x27B0, s9;
	s0 =	simm.s32 @!p0 $0x6  }
0x82: {  	[tilespmem:s19], [sflag:$0x3] =	stream.indirect.gather [hbm4b:s2+s18], $0x10, s10, s18, $0xb8;
	[tilespmem:$0x16DA0] =	vst v63  }
0x83: {  	_ =	swait.ge @!p0 [sflag:s0], $0x1900  }
0x84: {  	[sflag:s0] =	ssyncset.done @!p0 $0x0  }
0x85: {  	s11 =	simm.s32 $0x5DD0;
	[sflag:s0] =	ssyncadd.s32 @!p0 $0xFFFFE700  }
0x86: {  	s9 =	simm.s32 $0x7150;
	v1 =	vld [tilespmem:s11+$0x0]  }
0x87: {  	v2 =	vld [tilespmem:s9+$0x0]  }
0x88: {  	v3 =	vld [tilespmem:s11+$0xFFFFFF70]  }
0x89: {  	v4 =	vld [tilespmem:s9+$0xFFFFFFD0]  }
0x8a: {  	v5 =	vld [tilespmem:s11+$0xFFFFFFA0]  }
0x8b: {  	v8 =	vld [tilespmem:s11+$0xFFFFFFD0]  }
0x8c: {  	v6 =	vld [tilespmem:s9+$0xFFFFFFE0]  }
0x8d: {  	v9 =	vld [tilespmem:s11+$0xFFFFFF60]  }
0x8e: {  	v7 =	vld [tilespmem:s11+$0xFFFFFFF0];
	v1 =	vunpack.i.l.bf16.f32 v1;
	v2 =	vunpack.i.l.bf16.f32 v2  }
0x8f: {  	v1 =	vmul.f32 v2, v1;
	v2 =	vld [tilespmem:s9+$0xFFFFFFF0]  }
0x90: {  	v3 =	vunpack.i.l.bf16.f32 v3;
	v4 =	vunpack.i.l.bf16.f32 v4;
	v8 =	vunpack.i.l.bf16.f32 v8  }
0x91: {  	v11 =	vld [tilespmem:s11+$0xFFFFFF80];
	v3 =	vmul.f32 v4, v3;
	v4 =	vunpack.i.l.bf16.f32 v5;
	v5 =	vunpack.i.l.bf16.f32 v6  }
0x92: {  	v12 =	vld [tilespmem:s11+$0xFFFFFF90];
	v14 =	vunpack.i.u.bf16.f32 v9;
	v4 =	vmul.f32 v5, v4;
	v10 =	vperm.xlane v1, v0  }
0x93: {  	v18 =	vld [tilespmem:s11+$0xFFFFFFC0];
	v21 =	vunpack.i.l.bf16.f32 v9;
	v5 =	vunpack.i.u.bf16.f32 v7;
	v6 =	vperm.xlane v3, v0  }
0x94: {  	v15 =	vperm.xlane v4, v0;
	v1 =	vmax.f32 v1, v10;
	v10 =	vld [tilespmem:s11+$0xFFFFFFB0];
	v16 =	vunpack.i.l.bf16.f32 v2  }
0x95: {  	v20 =	vld [tilespmem:s11+$0xFFFFFFE0];
	v13 =	vmul.f32 v1, v5;
	v2 =	vunpack.i.l.bf16.f32 v7;
	v19 =	vmul.f32 v16, v8  }
0x96: {  	s10 =	simm.s32 $0x9050;
	v17 =	vld [tilespmem:s11+$0xFFFFFF50];
	v5 =	vmax.f32 v3, v6;
	v6 =	vunpack.i.u.bf16.f32 v11;
	v3 =	vmax.f32 v4, v15  }
0x97: {  	v15 =	vunpack.i.l.bf16.f32 v11;
	v7 =	vunpack.i.u.bf16.f32 v12;
	[tilespmem:s10+$0xFFFFFF10] =	vst v5;
	v4 =	vperm.xlane v19, v0  }
0x98: {  	v11 =	vunpack.i.l.bf16.f32 v18;
	v16 =	vunpack.i.l.bf16.f32 v12;
	[tilespmem:s10+$0xFFFFFF60] =	vst v3;
	v8 =	vunpack.i.u.bf16.f32 v18  }
0x99: {  	[tilespmem:s10+$0xFFFFFFF0] =	vst v13;
	v9 =	vunpack.i.u.bf16.f32 v10;
	v13 =	vunpack.i.l.bf16.f32 v10;
	v10 =	vmax.f32 v19, v4  }
0x9a: {  	s4 =	simm.s32 $0x9050;
	s7 =	simm.s32 $0x5E90;
	s0 =	simm.s32 $0x0;
	v18 =	vmul.f32 v5, v21;
	v12 =	vunpack.i.l.bf16.f32 v20;
	v4 =	vunpack.i.u.bf16.f32 v20;
	[tilespmem:s10+$0xFFFFFFB0] =	vst v10  }
.LBB2_5:
0x9b: {  	v19 =	vld [tilespmem:s7+$0x0];
	v20 =	vunpack.i.u.bf16.f32 v17;
	v17 =	vunpack.i.l.bf16.f32 v17;
	v14 =	vmul.f32 v5, v14;
	[tilespmem:s10+$0x0] =	vst v1;
	s9 =	sadd.s32 $0x40, s9  }
0x9c: {  	s0 =	sadd.s32 $0x4, s0;
	v21 =	vld [tilespmem:s9+$0x0];
	v17 =	vmul.f32 v5, v17;
	v5 =	vmul.f32 v5, v20;
	[tilespmem:s10+$0xFFFFFEF0] =	vst v18  }
0x9d: {  	v6 =	vmul.f32 v3, v6;
	p0 =	slt.u32 s0, $0x4C;
	v18 =	vld [tilespmem:s7+$0xFFFFFF70];
	[tilespmem:s10+$0xFFFFFF00] =	vst v14;
	v14 =	vmul.f32 v3, v15  }
0x9e: {  	v16 =	vmul.f32 v3, v16;
	v3 =	vmul.f32 v3, v7;
	v15 =	vld [tilespmem:s9+$0xFFFFFFD0];
	[tilespmem:s10+$0xFFFFFED0] =	vst v17  }
0x9f: {  	v9 =	vmul.f32 v10, v9;
	v7 =	vld [tilespmem:s7+$0xFFFFFFA0];
	[tilespmem:s10+$0xFFFFFEE0] =	vst v5;
	v5 =	vmul.f32 v10, v13  }
0xa0: {  	v11 =	vmul.f32 v10, v11;
	v8 =	vmul.f32 v10, v8;
	v13 =	vld [tilespmem:s9+$0xFFFFFFE0];
	[tilespmem:s10+$0xFFFFFF20] =	vst v14  }
0xa1: {  	v14 =	vunpack.i.l.bf16.f32 v19;
	v10 =	vld [tilespmem:s7+$0xFFFFFFF0];
	v17 =	vunpack.i.l.bf16.f32 v21;
	[tilespmem:s10+$0xFFFFFF30] =	vst v6;
	v6 =	vmul.f32 v1, v12  }
0xa2: {  	v4 =	vmul.f32 v1, v4;
	v12 =	vunpack.i.l.bf16.f32 v18;
	v18 =	vld [tilespmem:s7+$0xFFFFFFD0];
	v14 =	vmul.f32 v17, v14;
	[tilespmem:s10+$0xFFFFFF40] =	vst v16  }
0xa3: {  	v19 =	vmul.f32 v1, v2;
	v15 =	vunpack.i.l.bf16.f32 v15;
	v16 =	vld [tilespmem:s9+$0xFFFFFFF0];
	[tilespmem:s10+$0xFFFFFF50] =	vst v3  }
0xa4: {  	v3 =	vld [tilespmem:s7+$0xFFFFFF60];
	v12 =	vmul.f32 v15, v12;
	v1 =	vunpack.i.l.bf16.f32 v7;
	v2 =	vperm.xlane v14, v0;
	[tilespmem:s10+$0xFFFFFF70] =	vst v5  }
0xa5: {  	v7 =	vld [tilespmem:s7+$0xFFFFFF80];
	v5 =	vunpack.i.l.bf16.f32 v13;
	[tilespmem:s10+$0xFFFFFF80] =	vst v9  }
0xa6: {  	v9 =	vld [tilespmem:s7+$0xFFFFFF90];
	v13 =	vmul.f32 v5, v1;
	v5 =	vunpack.i.u.bf16.f32 v10;
	v1 =	vmax.f32 v14, v2;
	[tilespmem:s10+$0xFFFFFF90] =	vst v11  }
0xa7: {  	v11 =	vperm.xlane v12, v0;
	v20 =	vld [tilespmem:s7+$0xFFFFFFB0];
	v15 =	vunpack.i.l.bf16.f32 v18;
	v17 =	vmul.f32 v1, v5;
	[tilespmem:s10+$0xFFFFFFA0] =	vst v8  }
0xa8: {  	v2 =	vunpack.i.l.bf16.f32 v10;
	s10 =	sadd.s32 $0x140, s10;
	v8 =	vperm.xlane v13, v0;
	v18 =	vld [tilespmem:s7+$0xFFFFFFC0];
	v16 =	vunpack.i.l.bf16.f32 v16;
	[tilespmem:s4+$0xFFFFFFC0] =	vst v6  }
0xa9: {  	v5 =	vmax.f32 v12, v11;
	v14 =	vunpack.i.u.bf16.f32 v3;
	v10 =	vmul.f32 v16, v15;
	v12 =	vld [tilespmem:s7+$0xFFFFFFE0];
	[tilespmem:s10+$0xFFFFFFF0] =	vst v17  }
.Ltmp1:
0xaa: {  	v21 =	vunpack.i.l.bf16.f32 v3;
	v17 =	vld [tilespmem:s7+$0xFFFFFF50];
	v6 =	vunpack.i.u.bf16.f32 v7;
	v3 =	vmax.f32 v13, v8;
	[tilespmem:s4+$0xFFFFFFD0] =	vst v4;
	(pc) =	sbr.rel @p0 .LBB2_5-.Ltmp1, $4  }
0xab: {  	v15 =	vunpack.i.l.bf16.f32 v7;
	v7 =	vunpack.i.u.bf16.f32 v9;
	v4 =	vperm.xlane v10, v0;
	[tilespmem:s4+$0xFFFFFFE0] =	vst v19;
	s4 =	smov.u32 s10  }
0xac: {  	v16 =	vunpack.i.l.bf16.f32 v9;
	[tilespmem:s10+$0xFFFFFF10] =	vst v5;
	v9 =	vunpack.i.u.bf16.f32 v20;
	v13 =	vunpack.i.l.bf16.f32 v20  }
0xad: {  	[tilespmem:s10+$0xFFFFFF60] =	vst v3;
	v8 =	vunpack.i.u.bf16.f32 v18;
	v11 =	vunpack.i.l.bf16.f32 v18;
	v10 =	vmax.f32 v10, v4  }
0xae: {  	s7 =	sadd.s32 $0xC0, s7;
	v18 =	vmul.f32 v5, v21;
	[tilespmem:s10+$0xFFFFFFB0] =	vst v10;
	v4 =	vunpack.i.u.bf16.f32 v12;
	v12 =	vunpack.i.l.bf16.f32 v12  }
0xaf: {  	v14 =	vmul.f32 v5, v14;
	[tilespmem:s10+$0x0] =	vst v1  }
0xb0: {  	v58 =	vmul.f32 v3, v15;
	[tilespmem:s10+$0xFFFFFEF0] =	vst v18  }
0xb1: {  	v6 =	vmul.f32 v3, v6;
	[tilespmem:s10+$0xFFFFFF00] =	vst v14  }
0xb2: {  	v59 =	vmul.f32 v3, v16;
	[tilespmem:s10+$0xFFFFFF20] =	vst v58  }
0xb3: {  	v3 =	vmul.f32 v3, v7;
	[tilespmem:s10+$0xFFFFFF30] =	vst v6  }
0xb4: {  	v60 =	vmul.f32 v10, v13;
	[tilespmem:s10+$0xFFFFFF40] =	vst v59  }
0xb5: {  	v61 =	vmul.f32 v10, v9;
	[tilespmem:s10+$0xFFFFFF50] =	vst v3  }
0xb6: {  	v62 =	vmul.f32 v10, v8;
	[tilespmem:s10+$0xFFFFFF70] =	vst v60  }
0xb7: {  	v19 =	vunpack.i.l.bf16.f32 v17;
	v63 =	vmul.f32 v1, v12;
	[tilespmem:s10+$0xFFFFFF80] =	vst v61  }
0xb8: {  	v19 =	vmul.f32 v5, v19;
	[tilespmem:s10+$0xFFFFFFA0] =	vst v62  }
0xb9: {  	v56 =	vunpack.i.u.bf16.f32 v17;
	s6 =	sadd.s32 $0x1, s6;
	v3 =	vmul.f32 v10, v11;
	[tilespmem:s4+$0xFFFFFFC0] =	vst v63  }
0xba: {  	v57 =	vmul.f32 v5, v56;
	p0 =	sne.s32 s6, $0x3E;
	[tilespmem:s10+$0xFFFFFED0] =	vst v19  }
.Ltmp2:
0xbb: {  	[tilespmem:s10+$0xFFFFFF90] =	vst v3;
	v3 =	vmul.f32 v1, v4;
	(pc) =	sbr.rel @p0 .LBB2_2-.Ltmp2, $4  }
0xbc: {  	[tilespmem:s10+$0xFFFFFEE0] =	vst v57;
	v1 =	vmul.f32 v1, v2  }
0xbd: {  	[tilespmem:s4+$0xFFFFFFD0] =	vst v3  }
0xbe: {  	[tilespmem:s4+$0xFFFFFFE0] =	vst v1  }
0xbf: {  	[spmem:s3] =	stream.indirect.scatter.add.f32 [tilespmem:s31], [sflag:$0x6], $0x50, s8, s18, $0xb8;
	[tilespmem:$0x16DA0] =	vst v63  }
0xc0: {  	_ =	swait.ge [sflag:s20], $0x780  }
0xc1: {  	[sflag:s20] =	ssyncset.done $0x0  }
0xc2: {  	[sflag:s20] =	ssyncadd.s32 $0xFFFFF880  }
0xc3: {  	_ =	swait.ge [sflag:s21], $0x780  }
0xc4: {  	[sflag:s21] =	ssyncset.done $0x0  }
0xc5: {  	[sflag:s21] =	ssyncadd.s32 $0xFFFFF880  }
0xc6: {  	_ =	swait.ge [sflag:s22], $0x500  }
0xc7: {  	[sflag:s22] =	ssyncset.done $0x0  }
0xc8: {  	[sflag:s22] =	ssyncadd.s32 $0xFFFFFB00  }
0xc9: {  	_ =	swait.ge [sflag:s1], $0x1900  }
0xca: {  	[sflag:s1] =	ssyncset.done $0x0  }
0xcb: {  	s0 =	simm.s32 $0x4E80;
	[sflag:s1] =	ssyncadd.s32 $0xFFFFE700  }
0xcc: {  	s6 =	simm.s32 $0x6C40;
	v1 =	vld [tilespmem:s0+$0x50]  }
0xcd: {  	v2 =	vld [tilespmem:s6+$0x10]  }
0xce: {  	v3 =	vld [tilespmem:s0+$0xFFFFFFC0]  }
0xcf: {  	v4 =	vld [tilespmem:s6+$0xFFFFFFE0]  }
0xd0: {  	v5 =	vld [tilespmem:s0+$0xFFFFFFF0]  }
0xd1: {  	v8 =	vld [tilespmem:s0+$0x20]  }
0xd2: {  	v6 =	vld [tilespmem:s6+$0xFFFFFFF0]  }
0xd3: {  	v9 =	vld [tilespmem:s0+$0xFFFFFFB0]  }
0xd4: {  	v7 =	vld [tilespmem:s0+$0x40];
	v1 =	vunpack.i.l.bf16.f32 v1;
	v2 =	vunpack.i.l.bf16.f32 v2  }
0xd5: {  	v1 =	vmul.f32 v2, v1;
	v2 =	vld [tilespmem:s6+$0x0]  }
0xd6: {  	v3 =	vunpack.i.l.bf16.f32 v3;
	v4 =	vunpack.i.l.bf16.f32 v4;
	v8 =	vunpack.i.l.bf16.f32 v8  }
0xd7: {  	v11 =	vld [tilespmem:s0+$0xFFFFFFD0];
	v3 =	vmul.f32 v4, v3;
	v4 =	vunpack.i.l.bf16.f32 v5;
	v5 =	vunpack.i.l.bf16.f32 v6  }
0xd8: {  	v12 =	vld [tilespmem:s0+$0xFFFFFFE0];
	v14 =	vunpack.i.u.bf16.f32 v9;
	v4 =	vmul.f32 v5, v4;
	v10 =	vperm.xlane v1, v0  }
0xd9: {  	v18 =	vld [tilespmem:s0+$0x10];
	v21 =	vunpack.i.l.bf16.f32 v9;
	v5 =	vunpack.i.u.bf16.f32 v7;
	v6 =	vperm.xlane v3, v0  }
0xda: {  	v15 =	vperm.xlane v4, v0;
	v1 =	vmax.f32 v1, v10;
	v10 =	vld [tilespmem:s0+$0x0];
	v16 =	vunpack.i.l.bf16.f32 v2  }
0xdb: {  	v20 =	vld [tilespmem:s0+$0x30];
	v13 =	vmul.f32 v1, v5;
	v2 =	vunpack.i.l.bf16.f32 v7;
	v19 =	vmul.f32 v16, v8  }
0xdc: {  	s8 =	simm.s32 $0x76C0;
	v17 =	vld [tilespmem:s0+$0xFFFFFFA0];
	v5 =	vmax.f32 v3, v6;
	v6 =	vunpack.i.u.bf16.f32 v11;
	v3 =	vmax.f32 v4, v15  }
0xdd: {  	v15 =	vunpack.i.l.bf16.f32 v11;
	v7 =	vunpack.i.u.bf16.f32 v12;
	[tilespmem:s8+$0xFFFFFFA0] =	vst v5;
	v4 =	vperm.xlane v19, v0  }
0xde: {  	v11 =	vunpack.i.l.bf16.f32 v18;
	v16 =	vunpack.i.l.bf16.f32 v12;
	[tilespmem:s8+$0xFFFFFFF0] =	vst v3;
	v8 =	vunpack.i.u.bf16.f32 v18  }
0xdf: {  	[tilespmem:s8+$0x80] =	vst v13;
	v9 =	vunpack.i.u.bf16.f32 v10;
	v13 =	vunpack.i.l.bf16.f32 v10;
	v10 =	vmax.f32 v19, v4  }
0xe0: {  	s7 =	simm.s32 $0x4F40;
	s4 =	simm.s32 $0x76C0;
	s0 =	simm.s32 $0x0;
	v18 =	vmul.f32 v5, v21;
	v12 =	vunpack.i.l.bf16.f32 v20;
	v4 =	vunpack.i.u.bf16.f32 v20;
	[tilespmem:s8+$0x40] =	vst v10  }
.LBB2_8:
0xe1: {  	v19 =	vld [tilespmem:s7+$0x50];
	v20 =	vunpack.i.u.bf16.f32 v17;
	v17 =	vunpack.i.l.bf16.f32 v17;
	v14 =	vmul.f32 v5, v14;
	[tilespmem:s8+$0x90] =	vst v1;
	s6 =	sadd.s32 $0x40, s6  }
0xe2: {  	s0 =	sadd.s32 $0x4, s0;
	v21 =	vld [tilespmem:s6+$0x10];
	v17 =	vmul.f32 v5, v17;
	v5 =	vmul.f32 v5, v20;
	[tilespmem:s8+$0xFFFFFF80] =	vst v18  }
0xe3: {  	v6 =	vmul.f32 v3, v6;
	p0 =	slt.u32 s0, $0x4C;
	v18 =	vld [tilespmem:s7+$0xFFFFFFC0];
	[tilespmem:s8+$0xFFFFFF90] =	vst v14;
	v14 =	vmul.f32 v3, v15  }
0xe4: {  	v16 =	vmul.f32 v3, v16;
	v3 =	vmul.f32 v3, v7;
	v15 =	vld [tilespmem:s6+$0xFFFFFFE0];
	[tilespmem:s8+$0xFFFFFF60] =	vst v17  }
0xe5: {  	v9 =	vmul.f32 v10, v9;
	v7 =	vld [tilespmem:s7+$0xFFFFFFF0];
	[tilespmem:s8+$0xFFFFFF70] =	vst v5;
	v5 =	vmul.f32 v10, v13  }
0xe6: {  	v11 =	vmul.f32 v10, v11;
	v8 =	vmul.f32 v10, v8;
	v13 =	vld [tilespmem:s6+$0xFFFFFFF0];
	[tilespmem:s8+$0xFFFFFFB0] =	vst v14  }
0xe7: {  	v14 =	vunpack.i.l.bf16.f32 v19;
	v10 =	vld [tilespmem:s7+$0x40];
	v17 =	vunpack.i.l.bf16.f32 v21;
	[tilespmem:s8+$0xFFFFFFC0] =	vst v6;
	v6 =	vmul.f32 v1, v12  }
0xe8: {  	v4 =	vmul.f32 v1, v4;
	v12 =	vunpack.i.l.bf16.f32 v18;
	v18 =	vld [tilespmem:s7+$0x20];
	v14 =	vmul.f32 v17, v14;
	[tilespmem:s8+$0xFFFFFFD0] =	vst v16  }
0xe9: {  	v19 =	vmul.f32 v1, v2;
	v15 =	vunpack.i.l.bf16.f32 v15;
	v16 =	vld [tilespmem:s6+$0x0];
	[tilespmem:s8+$0xFFFFFFE0] =	vst v3  }
0xea: {  	v3 =	vld [tilespmem:s7+$0xFFFFFFB0];
	v12 =	vmul.f32 v15, v12;
	v1 =	vunpack.i.l.bf16.f32 v7;
	v2 =	vperm.xlane v14, v0;
	[tilespmem:s8+$0x0] =	vst v5  }
0xeb: {  	v7 =	vld [tilespmem:s7+$0xFFFFFFD0];
	v5 =	vunpack.i.l.bf16.f32 v13;
	[tilespmem:s8+$0x10] =	vst v9  }
0xec: {  	v9 =	vld [tilespmem:s7+$0xFFFFFFE0];
	v13 =	vmul.f32 v5, v1;
	v5 =	vunpack.i.u.bf16.f32 v10;
	v1 =	vmax.f32 v14, v2;
	[tilespmem:s8+$0x20] =	vst v11  }
0xed: {  	v11 =	vperm.xlane v12, v0;
	v20 =	vld [tilespmem:s7+$0x0];
	v15 =	vunpack.i.l.bf16.f32 v18;
	v17 =	vmul.f32 v1, v5;
	[tilespmem:s8+$0x30] =	vst v8  }
0xee: {  	v2 =	vunpack.i.l.bf16.f32 v10;
	s8 =	sadd.s32 $0x140, s8;
	v8 =	vperm.xlane v13, v0;
	v18 =	vld [tilespmem:s7+$0x10];
	v16 =	vunpack.i.l.bf16.f32 v16;
	[tilespmem:s4+$0x50] =	vst v6  }
0xef: {  	v5 =	vmax.f32 v12, v11;
	v14 =	vunpack.i.u.bf16.f32 v3;
	v10 =	vmul.f32 v16, v15;
	v12 =	vld [tilespmem:s7+$0x30];
	[tilespmem:s8+$0x80] =	vst v17  }
.Ltmp3:
0xf0: {  	v21 =	vunpack.i.l.bf16.f32 v3;
	v17 =	vld [tilespmem:s7+$0xFFFFFFA0];
	v6 =	vunpack.i.u.bf16.f32 v7;
	v3 =	vmax.f32 v13, v8;
	[tilespmem:s4+$0x60] =	vst v4;
	(pc) =	sbr.rel @p0 .LBB2_8-.Ltmp3, $4  }
0xf1: {  	v15 =	vunpack.i.l.bf16.f32 v7;
	v7 =	vunpack.i.u.bf16.f32 v9;
	v4 =	vperm.xlane v10, v0;
	[tilespmem:s4+$0x70] =	vst v19;
	s4 =	smov.u32 s8  }
0xf2: {  	v16 =	vunpack.i.l.bf16.f32 v9;
	[tilespmem:s8+$0xFFFFFFA0] =	vst v5;
	v9 =	vunpack.i.u.bf16.f32 v20;
	v13 =	vunpack.i.l.bf16.f32 v20  }
0xf3: {  	[tilespmem:s8+$0xFFFFFFF0] =	vst v3;
	v8 =	vunpack.i.u.bf16.f32 v18;
	v11 =	vunpack.i.l.bf16.f32 v18;
	v10 =	vmax.f32 v10, v4  }
0xf4: {  	s7 =	sadd.s32 $0xC0, s7;
	v18 =	vmul.f32 v5, v21;
	[tilespmem:s8+$0x40] =	vst v10;
	v4 =	vunpack.i.u.bf16.f32 v12;
	v12 =	vunpack.i.l.bf16.f32 v12  }
0xf5: {  	v14 =	vmul.f32 v5, v14;
	[tilespmem:s8+$0x90] =	vst v1  }
0xf6: {  	v58 =	vmul.f32 v3, v15;
	[tilespmem:s8+$0xFFFFFF80] =	vst v18  }
0xf7: {  	v6 =	vmul.f32 v3, v6;
	[tilespmem:s8+$0xFFFFFF90] =	vst v14  }
0xf8: {  	v59 =	vmul.f32 v3, v16;
	[tilespmem:s8+$0xFFFFFFB0] =	vst v58  }
0xf9: {  	v3 =	vmul.f32 v3, v7;
	[tilespmem:s8+$0xFFFFFFC0] =	vst v6  }
0xfa: {  	v60 =	vmul.f32 v10, v13;
	[tilespmem:s8+$0xFFFFFFD0] =	vst v59  }
0xfb: {  	v61 =	vmul.f32 v10, v9;
	[tilespmem:s8+$0xFFFFFFE0] =	vst v3  }
0xfc: {  	v62 =	vmul.f32 v10, v8;
	[tilespmem:s8+$0x0] =	vst v60  }
0xfd: {  	v19 =	vunpack.i.l.bf16.f32 v17;
	v63 =	vmul.f32 v1, v12;
	[tilespmem:s8+$0x10] =	vst v61  }
0xfe: {  	v19 =	vmul.f32 v5, v19;
	[tilespmem:s8+$0x30] =	vst v62  }
0xff: {  	v56 =	vunpack.i.u.bf16.f32 v17;
	v3 =	vmul.f32 v10, v11;
	[tilespmem:s4+$0x50] =	vst v63  }
0x100: {  	v57 =	vmul.f32 v5, v56;
	[tilespmem:s8+$0xFFFFFF60] =	vst v19  }
0x101: {  	[tilespmem:s8+$0x20] =	vst v3;
	v3 =	vmul.f32 v1, v4  }
0x102: {  	[tilespmem:s8+$0xFFFFFF70] =	vst v57;
	v1 =	vmul.f32 v1, v2  }
0x103: {  	[tilespmem:s4+$0x60] =	vst v3  }
0x104: {  	s0 =	simm.s32 $0x4DD0;
	[tilespmem:s4+$0x70] =	vst v1  }
0x105: {  	[spmem:s3] =	stream.indirect.scatter.add.f32 [tilespmem:s26], [sflag:$0x5], $0x50, s0, s18, $0xb8;
	[tilespmem:$0x16DA0] =	vst v63  }
0x106: {  	_ =	swait.ge [sflag:s1], $0x1900  }
0x107: {  	[sflag:s1] =	ssyncset.done $0x0  }
0x108: {  	s9 =	simm.s32 $0x6;
	[sflag:s1] =	ssyncadd.s32 $0xFFFFE700  }
0x109: {  	_ =	swait.ge [sflag:s9], $0x1900  }
0x10a: {  	[sflag:s9] =	ssyncset.done $0x0  }
0x10b: {  	[sflag:s9] =	ssyncadd.s32 $0xFFFFE700  }
0x10c: {  	[bflag:$0x0] =	sbarrier.arrive $0xFFFF  }
0x10d: {  	s10 =	rddreg [dreg:$0x7]  }
0x10e: {  	s6 =	simm.s32 $0x10;
	s11 =	simm.s32 $0xA;
	s4 =	rddreg [dreg:$0x9]  }
0x10f: {  	[hbm:s10@s6], [sflag:s12] =	dma.strided [spmem:s4@s11], $0x18B0, s20, $0xa   }
0x110: {  	_ =	swait.ge [sflag:s13], $0x18B0  }
0x111: {  	s7 =	smov.u32 s12;
	s14 =	sadd.s32 $0x1, s14;
	s12 =	rddreg [dreg:$0x8]  }
0x112: {  	p0 =	sne.s32 s14, s12  }
.Ltmp4:
0x113: {  	_ = 	snop;
	(pc) =	sbr.rel @p0 .LBB2_1-.Ltmp4, $3  }
0x114: {  	_ =	sdelay $0x1  }
0x115: {  	[sflag:s13] =	ssyncset.done $0x0  }
0x116: {  	[sflag:s13] =	ssyncadd.s32 $0xFFFFE750  }
0x117: {  	_ =	sfence.sel $0x180000  }
0x118: {  	[bflag:$0x0] =	sbarrier.arrive $0xFFFF  }
0x119: {  	_ =	strace $0x90000047  }
0x11a: {  	s0 =	stileid.u32;
	[bflag:$0x2] =	sbarrier.arrive $0xFFFF  }
0x11b: {  	p0 =	sne.s32 s0, $0x0;
	s0 =	rddreg [dreg:$0x3]  }
0x11c: {  	s0 =	sadd.s32 @!p0 $0x100000, s0  }
0x11d: {  	[sflag:s0] =	ssyncadd.tile.s32 @!p0 $0x1;
	_ =	shalt  }
.Lfunc_end2:
_tile_overlayer_lowered:
.L_overlay_start_2:
0x11e: {  	(tag) =	ssettag $0x2  }
0x11f: {  	s0 =	rddreg [dreg:$0x0];
	s2 =	stileid.u32  }
0x120: {  	s1 =	rddreg [dreg:$0x1];
	p0 =	sne.s32 s2, $0x0  }
0x121: {  	s3 =	rddreg [dreg:$0x2];
	[bflag:$0x3] =	sbarrier.arrive $0xFFFF;
	s2 =	simm.s32 @!p0 $0x1C09  }
0x122: {  	[timem:s3], [sflag:s2] =	dma.local @!p0 [hbm:s0], s1  }
0x123: {  	s0 =	simm.s32 @!p0 $0x9  }
0x124: {  	_ =	swait.ge @!p0 [sflag:s0], s1  }
0x125: {  	s1 =	ssub.s32 @!p0 $0x0, s1;
	[sflag:s0] =	ssyncset.done @!p0 $0x0  }
0x126: {  	[sflag:s0] =	ssyncadd.s32 @!p0 s1  }
0x127: {  	[bflag:$0x3] =	sbarrier.arrive $0xFFFF  }
0x128: {  	_ =	shalt  }

</sc_bundles>
